<compile_context>
chip_gen: v7x
topology: tpu7x:2x2x1
jax: 0.10.2.dev20260603
libtpu: 0.0.44.dev20260713+nightly
codegen_flags: <defaults>
</compile_context>

<pallas_src>
import functools

import jax
import jax.numpy as jnp
from jax import lax
from jax.experimental import pallas as pl
from jax.experimental.pallas import tpu as pltpu, tpu_sc as plsc

SCORE_THRESH = 0.05
NMS_THRESH = 0.5
DETS_PER_IMG = 100
BBOX_XFORM_CLIP = 4.135166556742356

N_PAD = 5120


def _stage1_kernel(logits_ref, probs_ref, labels_ref, win_ref, col_ref):
    l = logits_ref[0]
    n, c = l.shape
    m = jnp.max(l, axis=1, keepdims=True)
    e = jnp.exp(l - m)
    s = jnp.sum(e, axis=1, keepdims=True)
    probs = 1.0 / s
    cio = jax.lax.broadcasted_iota(jnp.int32, (n, c), 1).astype(jnp.float32)
    labels = jnp.min(jnp.where(e == 1.0, cio, float(c)), axis=1,
                     keepdims=True)

    b = pl.program_id(0)
    rb = pl.program_id(1)
    rows = (b * pl.num_programs(1) + rb) * n + jax.lax.broadcasted_iota(
        jnp.int32, (n, 1), 0)
    o = rows * (4 * c) + labels.astype(jnp.int32) * 4
    probs_ref[0] = probs
    labels_ref[0] = labels
    win_ref[0] = o // 128
    col_ref[0] = o % 128


def _make_sc_gather(total_rows):
    info = plsc.get_sparse_core_info()
    nw = info.num_cores * info.num_subcores
    per_w = total_rows // nw
    mesh = plsc.VectorSubcoreMesh(core_axis_name="c", subcore_axis_name="s")

    @functools.partial(
        pl.kernel, mesh=mesh,
        out_type=[jax.ShapeDtypeStruct((total_rows,), jnp.float32)] * 4,
        scratch_types=[
            pltpu.VMEM((per_w,), jnp.int32),
            pltpu.VMEM((per_w,), jnp.int32),
            pltpu.VMEM((per_w,), jnp.float32),
            pltpu.VMEM((per_w,), jnp.float32),
            pltpu.VMEM((per_w,), jnp.float32),
            pltpu.VMEM((per_w,), jnp.float32),
            pltpu.SemaphoreType.DMA,
            pltpu.SemaphoreType.DMA,
            pltpu.SemaphoreType.DMA,
            pltpu.SemaphoreType.DMA,
        ],
    )
    def gather_k(table_hbm, o_hbm, o0, o1, o2, o3,
                 o_v, oj_v, v0, v1, v2, v3, s0, s1, s2, s3):
        wid = lax.axis_index("s") * info.num_cores + lax.axis_index("c")
        base = wid * per_w
        pltpu.sync_copy(o_hbm.at[pl.ds(base, per_w)], o_v)
        vs = [v0, v1, v2, v3]
        sems = [s0, s1, s2, s3]
        cps = []
        nchunk = per_w // 16
        for j in range(4):
            if j > 0:
                for t in range(nchunk):
                    sl = pl.ds(16 * t, 16)
                    oj_v[sl] = o_v[sl] + j
                cps.append(pltpu.async_copy(table_hbm.at[oj_v], vs[j],
                                            sems[j]))
                cps[-1].wait()
            else:
                pltpu.async_copy(table_hbm.at[o_v], vs[0], sems[0]).wait()
        for j in range(4):
            pltpu.sync_copy(vs[j], [o0, o1, o2, o3][j].at[pl.ds(base, per_w)])

    return gather_k


def _stage2_kernel(nimg, probs_ref, labels_ref, dx_ref, dy_ref, dw_ref,
                   dh_ref, px1_ref, py1_ref, px2_ref, py2_ref,
                   hrow_ref, wrow_ref, boxes_ref, scores_ref, labout_ref):
    probs = probs_ref[...]
    labels = labels_ref[...]

    px1 = px1_ref[...]
    py1 = py1_ref[...]
    px2 = px2_ref[...]
    py2 = py2_ref[...]
    widths = px2 - px1
    heights = py2 - py1
    ctr_x = px1 + 0.5 * widths
    ctr_y = py1 + 0.5 * heights
    dx = dx_ref[...]
    dy = dy_ref[...]
    dw = jnp.minimum(dw_ref[...], BBOX_XFORM_CLIP)
    dh = jnp.minimum(dh_ref[...], BBOX_XFORM_CLIP)
    pred_ctr_x = dx * widths + ctr_x
    pred_ctr_y = dy * heights + ctr_y
    pred_w = jnp.exp(dw) * widths
    pred_h = jnp.exp(dh) * heights
    x1 = pred_ctr_x - 0.5 * pred_w
    y1 = pred_ctr_y - 0.5 * pred_h
    x2 = pred_ctr_x + 0.5 * pred_w
    y2 = pred_ctr_y + 0.5 * pred_h

    h_img = hrow_ref[...]
    w_img = wrow_ref[...]
    x1 = jnp.clip(x1, 0.0, w_img)
    y1 = jnp.clip(y1, 0.0, h_img)
    x2 = jnp.clip(x2, 0.0, w_img)
    y2 = jnp.clip(y2, 0.0, h_img)

    valid = (labels > 0.0) & (probs > SCORE_THRESH)
    sc0 = jnp.where(valid, probs, -1.0)

    lane128 = jax.lax.broadcasted_iota(jnp.int32, (8, 128), 1).astype(
        jnp.float32)
    row8 = jax.lax.broadcasted_iota(jnp.int32, (8, 128), 0).astype(
        jnp.float32)
    idxf = (jax.lax.broadcasted_iota(jnp.int32, (40, 128), 0) * 128
            + jax.lax.broadcasted_iota(jnp.int32, (40, 128), 1)).astype(
        jnp.float32)

    sls = [slice(128 * b, 128 * (b + 1)) for b in range(nimg)]
    maxcs = []
    xo1s, yo1s, xo2s, yo2s, offs, areass, sc0s = [], [], [], [], [], [], []
    for b in range(nimg):
        sl = sls[b]
        mc = jnp.maximum(
            jnp.maximum(jnp.max(x1[:, sl]), jnp.max(y1[:, sl])),
            jnp.maximum(jnp.max(x2[:, sl]), jnp.max(y2[:, sl])))
        maxcs.append(mc)
        off = labels[:, sl] * (mc + 1.0)
        offs.append(off)
        xo1s.append(x1[:, sl] + off)
        yo1s.append(y1[:, sl] + off)
        xo2s.append(x2[:, sl] + off)
        yo2s.append(y2[:, sl] + off)
        areass.append((xo2s[b] - xo1s[b]) * (yo2s[b] - yo1s[b]))
        sc0s.append(sc0[:, sl])

    rio5 = jax.lax.broadcasted_iota(jnp.int32, (5, 200), 0)
    cio5 = jax.lax.broadcasted_iota(jnp.int32, (5, 200), 1)
    blk5 = (cio5 // 40 == rio5).astype(jnp.float32)
    ones_col = jnp.ones((128, 1), jnp.float32)
    dn = (((1,), (0,)), ((), ()))
    hi = jax.lax.Precision.HIGHEST

    def body(k, carry):
        scs, outs = carry
        kf = k.astype(jnp.float32)
        sc_new = []
        out_new = []
        for b in range(nimg):
            scb = scs[b]
            m = jnp.max(scb)
            ok = m > 0.0
            selidx = jnp.min(jnp.where(scb == m, idxf, 1e9))
            sel = (idxf == selidx) & ok

            masked = jnp.concatenate(
                [jnp.where(sel, xo1s[b], 0.0), jnp.where(sel, yo1s[b], 0.0),
                 jnp.where(sel, xo2s[b], 0.0), jnp.where(sel, yo2s[b], 0.0),
                 jnp.where(sel, offs[b], 0.0)], axis=0)
            t = jax.lax.dot_general(blk5, masked, dn, precision=hi,
                                    preferred_element_type=jnp.float32)
            p5 = jax.lax.dot_general(t, ones_col, dn, precision=hi,
                                     preferred_element_type=jnp.float32)
            bx1 = p5[0:1, :]
            by1 = p5[1:2, :]
            bx2 = p5[2:3, :]
            by2 = p5[3:4, :]
            boff = p5[4:5, :]
            barea = (bx2 - bx1) * (by2 - by1)
            xx1 = jnp.maximum(bx1, xo1s[b])
            yy1 = jnp.maximum(by1, yo1s[b])
            xx2 = jnp.minimum(bx2, xo2s[b])
            yy2 = jnp.minimum(by2, yo2s[b])
            inter = (jnp.maximum(xx2 - xx1, 0.0)
                     * jnp.maximum(yy2 - yy1, 0.0))
            iou = inter / (barea + areass[b] - inter + 1e-9)
            kill = (iou > NMS_THRESH) | sel
            sc_new.append(jnp.where(kill & ok, -1.0, scb))

            lab = jnp.floor(boff / (maxcs[b] + 1.0) + 0.5)
            vals = [bx1 - boff, by1 - boff, bx2 - boff, by2 - boff, m, lab]
            slot = (lane128 == kf) & ok
            ob = outs[b]
            for j, v in enumerate(vals):
                ob = jnp.where(slot & (row8 == float(j)), v, ob)
            out_new.append(ob)
        return tuple(sc_new), tuple(out_new)

    out0 = tuple(jnp.zeros((8, 128), jnp.float32) for _ in range(nimg))
    scs, outs = jax.lax.fori_loop(0, DETS_PER_IMG, body,
                                  (tuple(sc0s), out0))

    for b in range(nimg):
        out = outs[b]
        bt = jnp.transpose(out[0:4, :])
        boxes_ref[b] = bt[0:DETS_PER_IMG, :]
        scores_ref[b] = out[4:5, 0:DETS_PER_IMG]
        labout_ref[b] = out[5:6, 0:DETS_PER_IMG].astype(jnp.int32)


@jax.jit
def kernel(class_logits, bbox_deltas, roi_proposals, resized_image_sizes):
    B, N, C = class_logits.shape

    RB = 1000
    nrb = N // RB
    probs, labels, win, col = pl.pallas_call(
        _stage1_kernel,
        grid=(B, nrb),
        in_specs=[pl.BlockSpec((1, RB, C), lambda b, rb: (b, rb, 0))],
        out_specs=[pl.BlockSpec((1, RB, 1), lambda b, rb: (b, rb, 0))] * 4,
        out_shape=[jax.ShapeDtypeStruct((B, N, 1), jnp.float32)] * 2
        + [jax.ShapeDtypeStruct((B, N, 1), jnp.int32)] * 2,
    )(class_logits)

    total = B * N
    total_pad = 20480
    o_flat = jnp.pad((win * 128 + col).reshape(total),
                     (0, total_pad - total))
    table = bbox_deltas.reshape(B * N * 4 * C)
    d4 = _make_sc_gather(total_pad)(table, o_flat)
    dm = jnp.stack([d[:total] for d in d4], axis=-1).reshape(B, N, 4)

    def prep(a, padval):
        a = a.reshape(B, N)
        a = jnp.pad(a, ((0, 0), (0, N_PAD - N)), constant_values=padval)
        a = a.reshape(B, N_PAD // 128, 128)
        return jnp.transpose(a, (1, 0, 2)).reshape(N_PAD // 128, B * 128)

    ins = [prep(probs, -1.0), prep(labels, 0.0)]
    ins += [prep(dm[:, :, j], 0.0) for j in range(4)]
    ins += [prep(roi_proposals[:, :, j], 0.0) for j in range(4)]
    szf = resized_image_sizes.astype(jnp.float32)
    hrow = jnp.repeat(szf[:, 0], 128).reshape(1, B * 128)
    wrow = jnp.repeat(szf[:, 1], 128).reshape(1, B * 128)

    R = N_PAD // 128
    boxes, scores, labout = pl.pallas_call(
        functools.partial(_stage2_kernel, B),
        in_specs=[pl.BlockSpec((R, B * 128), lambda: (0, 0))] * 10
        + [pl.BlockSpec((1, B * 128), lambda: (0, 0))] * 2,
        out_specs=[
            pl.BlockSpec((B, DETS_PER_IMG, 4), lambda: (0, 0, 0)),
            pl.BlockSpec((B, 1, DETS_PER_IMG), lambda: (0, 0, 0)),
            pl.BlockSpec((B, 1, DETS_PER_IMG), lambda: (0, 0, 0)),
        ],
        out_shape=[
            jax.ShapeDtypeStruct((B, DETS_PER_IMG, 4), jnp.float32),
            jax.ShapeDtypeStruct((B, 1, DETS_PER_IMG), jnp.float32),
            jax.ShapeDtypeStruct((B, 1, DETS_PER_IMG), jnp.int32),
        ],
    )(*ins, hrow, wrow)

    return (boxes, scores.reshape(B, DETS_PER_IMG),
            labout.reshape(B, DETS_PER_IMG))

# --- scband reference (transcript-rebuilt; emitter-appended) ---
"""Pipeline reference for scband-roihead-postprocess-12283606468109 (READ-ONLY COPY).

The authoritative reference and input builder live on the scoring server;
editing this copy changes nothing except your own understanding.
"""

import jax, jax.numpy as jnp
import numpy as np

SCORE_THRESH = 0.05
NMS_THRESH = 0.5
DETS_PER_IMG = 100
BBOX_XFORM_CLIP = float(np.log(1000.0 / 16.0))


def decode_boxes(proposals, deltas):
    widths = proposals[:, 2] - proposals[:, 0]
    heights = proposals[:, 3] - proposals[:, 1]
    ctr_x = proposals[:, 0] + 0.5 * widths
    ctr_y = proposals[:, 1] + 0.5 * heights
    dx = deltas[:, 0]
    dy = deltas[:, 1]
    dw = jnp.minimum(deltas[:, 2], BBOX_XFORM_CLIP)
    dh = jnp.minimum(deltas[:, 3], BBOX_XFORM_CLIP)
    pred_ctr_x = dx * widths + ctr_x
    pred_ctr_y = dy * heights + ctr_y
    pred_w = jnp.exp(dw) * widths
    pred_h = jnp.exp(dh) * heights
    x1 = pred_ctr_x - 0.5 * pred_w
    y1 = pred_ctr_y - 0.5 * pred_h
    x2 = pred_ctr_x + 0.5 * pred_w
    y2 = pred_ctr_y + 0.5 * pred_h
    return jnp.stack([x1, y1, x2, y2], axis=1)


def clip_boxes(boxes, size):
    h = size[0].astype(boxes.dtype)
    w = size[1].astype(boxes.dtype)
    x1 = jnp.clip(boxes[:, 0], 0.0, w)
    y1 = jnp.clip(boxes[:, 1], 0.0, h)
    x2 = jnp.clip(boxes[:, 2], 0.0, w)
    y2 = jnp.clip(boxes[:, 3], 0.0, h)
    return jnp.stack([x1, y1, x2, y2], axis=1)


def nms_sorted_keep(boxes, scores, valid):
    N = boxes.shape[0]
    order = jnp.argsort(-scores)
    b = boxes[order]
    keep0 = valid[order]
    areas = (b[:, 2] - b[:, 0]) * (b[:, 3] - b[:, 1])
    ids = jnp.arange(N)

    def body(keep, i):
        xx1 = jnp.maximum(b[i, 0], b[:, 0])
        yy1 = jnp.maximum(b[i, 1], b[:, 1])
        xx2 = jnp.minimum(b[i, 2], b[:, 2])
        yy2 = jnp.minimum(b[i, 3], b[:, 3])
        inter = jnp.maximum(xx2 - xx1, 0.0) * jnp.maximum(yy2 - yy1, 0.0)
        iou = inter / (areas[i] + areas - inter + 1e-9)
        sup = (iou > NMS_THRESH) & (ids > i) & keep[i]
        return keep & (~sup), None

    keep, _ = jax.lax.scan(body, keep0, ids)
    return order, keep


def _postprocess_image(logits, deltas, proposals, size):
    scores = jax.nn.softmax(logits, axis=1)
    probs = jnp.max(scores, axis=1)
    labels = jnp.argmax(scores, axis=1)
    valid = (labels > 0) & (probs > SCORE_THRESH)
    col = 4 * labels[:, None] + jnp.arange(4)[None, :]
    deltas_m = jnp.take_along_axis(deltas, col, axis=1)
    boxes = decode_boxes(proposals, deltas_m)
    boxes = clip_boxes(boxes, size)
    max_coord = jnp.max(jax.lax.stop_gradient(boxes))
    offsets = labels.astype(boxes.dtype) * (max_coord + 1.0)
    boxes_off = boxes + offsets[:, None]
    scores_m = jnp.where(valid, probs, -1.0)
    order, keep = nms_sorted_keep(jax.lax.stop_gradient(boxes_off), jax.lax.stop_gradient(scores_m), valid)
    sorted_scores = jnp.where(keep, scores_m[order], -1.0)
    top = jnp.argsort(-sorted_scores)[:DETS_PER_IMG]
    sel = order[top]
    keep_top = keep[top]
    boxes_out = boxes[sel] * keep_top[:, None].astype(boxes.dtype)
    scores_out = probs[sel] * keep_top.astype(probs.dtype)
    labels_out = labels[sel] * keep_top.astype(labels.dtype)
    return boxes_out, scores_out, labels_out


def setup_inputs(seed: int = 0) -> dict:
    key = jax.random.key(seed)
    k1, k2, k3, k4, k5 = jax.random.split(key, 5)
    B, N, C = 4, 5000, 81
    class_logits = jax.random.normal(k1, (B, N, C), dtype=jnp.float32)
    bbox_deltas = jax.random.normal(k2, (B, N, 4 * C), dtype=jnp.float32) * 0.1
    xy = jax.random.uniform(k3, (B, N, 2), dtype=jnp.float32, minval=0.0, maxval=600.0)
    wh = jax.random.uniform(k4, (B, N, 2), dtype=jnp.float32, minval=10.0, maxval=200.0)
    roi_proposals = jnp.concatenate([xy, xy + wh], axis=-1)
    resized_image_sizes = jax.random.randint(k5, (B, 2), 512, 800, dtype=jnp.int32)
    return {
        "class_logits": class_logits,
        "bbox_deltas": bbox_deltas,
        "roi_proposals": roi_proposals,
        "resized_image_sizes": resized_image_sizes,
    }


def reference(class_logits, bbox_deltas, roi_proposals, resized_image_sizes):
    B = class_logits.shape[0]
    bs, ss, ls = [], [], []
    for i in range(B):
        b, s, l = _postprocess_image(class_logits[i], bbox_deltas[i], roi_proposals[i], resized_image_sizes[i])
        bs.append(b)
        ss.append(s)
        ls.append(l)
    return (jnp.stack(bs), jnp.stack(ss), jnp.stack(ls))

if __name__ == "__main__":
    import jax
    _d = setup_inputs()
    print(jax.jit(kernel)(*tuple(_d.values())))

</pallas_src>

<mosaic_0001>
#map = affine_map<(d0, d1) -> (0)>
module attributes {stable_mosaic.version = 14 : i64} {
  func.func @gather_k(%arg0: i32, %arg1: i32, %arg2: memref<6480000xf32, #tpu.memory_space<hbm>>, %arg3: memref<20480xi32, #tpu.memory_space<hbm>>, %arg4: memref<20480xf32, #tpu.memory_space<hbm>>, %arg5: memref<20480xf32, #tpu.memory_space<hbm>>, %arg6: memref<20480xf32, #tpu.memory_space<hbm>>, %arg7: memref<20480xf32, #tpu.memory_space<hbm>>, %arg8: memref<640xi32, #tpu.memory_space<vmem>>, %arg9: memref<640xi32, #tpu.memory_space<vmem>>, %arg10: memref<640xf32, #tpu.memory_space<vmem>>, %arg11: memref<640xf32, #tpu.memory_space<vmem>>, %arg12: memref<640xf32, #tpu.memory_space<vmem>>, %arg13: memref<640xf32, #tpu.memory_space<vmem>>, %arg14: memref<!tpu.dma_semaphore, #tpu.memory_space<semaphore_mem>>, %arg15: memref<!tpu.dma_semaphore, #tpu.memory_space<semaphore_mem>>, %arg16: memref<!tpu.dma_semaphore, #tpu.memory_space<semaphore_mem>>, %arg17: memref<!tpu.dma_semaphore, #tpu.memory_space<semaphore_mem>>) attributes {dimension_semantics = [#tpu.dimension_semantics<core_parallel>, #tpu.dimension_semantics<subcore_parallel>], iteration_bounds = array<i64: 2, 16>, scalar_prefetch = 0 : i64, scratch_operands = 10 : i64, tpu.core_type = #tpu.core_type<sc_vector_subcore>, window_params = [{transform_indices = #map}, {transform_indices = #map}, {transform_indices = #map}, {transform_indices = #map}, {transform_indices = #map}, {transform_indices = #map}]} {
    %mul3A = arith.constant 2 : i32
    %mul3A_0 = arith.muli %arg1, %mul3A : i32
    %add3A = arith.addi %mul3A_0, %arg0 : i32
    %mul3A_1 = arith.constant 640 : i32
    %mul3A_2 = arith.muli %add3A, %mul3A_1 : i32
    "tpu.region"() ({
      %run_scoped3A = tpu.sem_alloc : memref<!tpu.dma_semaphore, #tpu.memory_space<semaphore_mem>>
      %dma_start3A_1215 = tpu.memref_slice %arg3[%mul3A_2] : memref<20480xi32, #tpu.memory_space<hbm>> -> memref<640xi32, #tpu.memory_space<hbm>>
      %dma_start3A_1216 = tpu.memref_slice %arg3[%mul3A_2] : memref<20480xi32, #tpu.memory_space<hbm>> -> memref<640xi32, #tpu.memory_space<hbm>>
      tpu.enqueue_dma source(%dma_start3A_1216 : memref<640xi32, #tpu.memory_space<hbm>>) target(%arg8 : memref<640xi32, #tpu.memory_space<vmem>>) target_semaphore(%run_scoped3A : memref<!tpu.dma_semaphore, #tpu.memory_space<semaphore_mem>>)
      %dma_wait3A_1217 = tpu.memref_slice %arg3[%mul3A_2] : memref<20480xi32, #tpu.memory_space<hbm>> -> memref<640xi32, #tpu.memory_space<hbm>>
      %dma_wait3A_1218 = tpu.memref_slice %arg3[%mul3A_2] : memref<20480xi32, #tpu.memory_space<hbm>> -> memref<640xi32, #tpu.memory_space<hbm>>
      tpu.wait_dma2 semaphore(%run_scoped3A : memref<!tpu.dma_semaphore, #tpu.memory_space<semaphore_mem>>) src(%dma_wait3A_1218 : memref<640xi32, #tpu.memory_space<hbm>>) dst(%arg8 : memref<640xi32, #tpu.memory_space<vmem>>)
      tpu.yield
    }) : () -> ()
    %dma_start3A = arith.constant 0 : i32
    %dma_start3A_3 = tpu.memref_slice %arg2[%dma_start3A] : memref<6480000xf32, #tpu.memory_space<hbm>> -> memref<6480000xf32, #tpu.memory_space<hbm>>
    tpu.enqueue_indirect_dma source(%dma_start3A_3 : memref<6480000xf32, #tpu.memory_space<hbm>>) target(%arg10 : memref<640xf32, #tpu.memory_space<vmem>>) offsets(%arg8 : memref<640xi32, #tpu.memory_space<vmem>>) semaphore(%arg14 : memref<!tpu.dma_semaphore, #tpu.memory_space<semaphore_mem>>)
    %dma_wait3A = arith.constant 0 : i32
    %dma_wait3A_4 = tpu.memref_slice %arg2[%dma_wait3A] : memref<6480000xf32, #tpu.memory_space<hbm>> -> memref<6480000xf32, #tpu.memory_space<hbm>>
    tpu.wait_indirect_dma semaphore(%arg14 : memref<!tpu.dma_semaphore, #tpu.memory_space<semaphore_mem>>) src(%dma_wait3A_4 : memref<6480000xf32, #tpu.memory_space<hbm>>) dst(%arg10 : memref<640xf32, #tpu.memory_space<vmem>>)
    %get3A = arith.constant 0 : index
    %get3A_5 = tpu.vector_load %arg8[%get3A] {strides = array<i32>} : memref<640xi32, #tpu.memory_space<vmem>>, vector<16xi32>,
    %get3A_6 = vector.shape_cast %get3A_5 : vector<16xi32> to vector<16xi32>
    %add3A_7 = arith.constant 1 : i32
    %add3A_8 = vector.broadcast %add3A_7 : i32 to vector<16xi32>
    %add3A_9 = arith.addi %get3A_6, %add3A_8 : vector<16xi32>
    %swap3A = arith.constant 0 : index
    %swap3A_10 = tpu.vector_load %arg9[%swap3A] {strides = array<i32>} : memref<640xi32, #tpu.memory_space<vmem>>, vector<16xi32>,
    %swap3A_11 = vector.shape_cast %swap3A_10 : vector<16xi32> to vector<16xi32>
    %swap3A_12 = vector.shape_cast %add3A_9 : vector<16xi32> to vector<16xi32>
    tpu.vector_store %arg9[%swap3A], %swap3A_12 {strides = array<i32>} : memref<640xi32, #tpu.memory_space<vmem>>, vector<16xi32>,
    %get3A_13 = arith.constant 16 : index
    %get3A_14 = tpu.vector_load %arg8[%get3A_13] {strides = array<i32>} : memref<640xi32, #tpu.memory_space<vmem>>, vector<16xi32>,
    %get3A_15 = vector.shape_cast %get3A_14 : vector<16xi32> to vector<16xi32>
    %add3A_16 = arith.constant 1 : i32
    %add3A_17 = vector.broadcast %add3A_16 : i32 to vector<16xi32>
    %add3A_18 = arith.addi %get3A_15, %add3A_17 : vector<16xi32>
    %swap3A_19 = arith.constant 16 : index
    %swap3A_20 = tpu.vector_load %arg9[%swap3A_19] {strides = array<i32>} : memref<640xi32, #tpu.memory_space<vmem>>, vector<16xi32>,
    %swap3A_21 = vector.shape_cast %swap3A_20 : vector<16xi32> to vector<16xi32>
    %swap3A_22 = vector.shape_cast %add3A_18 : vector<16xi32> to vector<16xi32>
    tpu.vector_store %arg9[%swap3A_19], %swap3A_22 {strides = array<i32>} : memref<640xi32, #tpu.memory_space<vmem>>, vector<16xi32>,
    %get3A_23 = arith.constant 32 : index
    %get3A_24 = tpu.vector_load %arg8[%get3A_23] {strides = array<i32>} : memref<640xi32, #tpu.memory_space<vmem>>, vector<16xi32>,
    %get3A_25 = vector.shape_cast %get3A_24 : vector<16xi32> to vector<16xi32>
    %add3A_26 = arith.constant 1 : i32
    %add3A_27 = vector.broadcast %add3A_26 : i32 to vector<16xi32>
    %add3A_28 = arith.addi %get3A_25, %add3A_27 : vector<16xi32>
    %swap3A_29 = arith.constant 32 : index
    %swap3A_30 = tpu.vector_load %arg9[%swap3A_29] {strides = array<i32>} : memref<640xi32, #tpu.memory_space<vmem>>, vector<16xi32>,
    %swap3A_31 = vector.shape_cast %swap3A_30 : vector<16xi32> to vector<16xi32>
    %swap3A_32 = vector.shape_cast %add3A_28 : vector<16xi32> to vector<16xi32>
    tpu.vector_store %arg9[%swap3A_29], %swap3A_32 {strides = array<i32>} : memref<640xi32, #tpu.memory_space<vmem>>, vector<16xi32>,
    %get3A_33 = arith.constant 48 : index
    %get3A_34 = tpu.vector_load %arg8[%get3A_33] {strides = array<i32>} : memref<640xi32, #tpu.memory_space<vmem>>, vector<16xi32>,
    %get3A_35 = vector.shape_cast %get3A_34 : vector<16xi32> to vector<16xi32>
    %add3A_36 = arith.constant 1 : i32
    %add3A_37 = vector.broadcast %add3A_36 : i32 to vector<16xi32>
    %add3A_38 = arith.addi %get3A_35, %add3A_37 : vector<16xi32>
    %swap3A_39 = arith.constant 48 : index
    %swap3A_40 = tpu.vector_load %arg9[%swap3A_39] {strides = array<i32>} : memref<640xi32, #tpu.memory_space<vmem>>, vector<16xi32>,
    %swap3A_41 = vector.shape_cast %swap3A_40 : vector<16xi32> to vector<16xi32>
    %swap3A_42 = vector.shape_cast %add3A_38 : vector<16xi32> to vector<16xi32>
    tpu.vector_store %arg9[%swap3A_39], %swap3A_42 {strides = array<i32>} : memref<640xi32, #tpu.memory_space<vmem>>, vector<16xi32>,
    %get3A_43 = arith.constant 64 : index
    %get3A_44 = tpu.vector_load %arg8[%get3A_43] {strides = array<i32>} : memref<640xi32, #tpu.memory_space<vmem>>, vector<16xi32>,
    %get3A_45 = vector.shape_cast %get3A_44 : vector<16xi32> to vector<16xi32>
    %add3A_46 = arith.constant 1 : i32
    %add3A_47 = vector.broadcast %add3A_46 : i32 to vector<16xi32>
    %add3A_48 = arith.addi %get3A_45, %add3A_47 : vector<16xi32>
    %swap3A_49 = arith.constant 64 : index
    %swap3A_50 = tpu.vector_load %arg9[%swap3A_49] {strides = array<i32>} : memref<640xi32, #tpu.memory_space<vmem>>, vector<16xi32>,
    %swap3A_51 = vector.shape_cast %swap3A_50 : vector<16xi32> to vector<16xi32>
    %swap3A_52 = vector.shape_cast %add3A_48 : vector<16xi32> to vector<16xi32>
    tpu.vector_store %arg9[%swap3A_49], %swap3A_52 {strides = array<i32>} : memref<640xi32, #tpu.memory_space<vmem>>, vector<16xi32>,
    %get3A_53 = arith.constant 80 : index
    %get3A_54 = tpu.vector_load %arg8[%get3A_53] {strides = array<i32>} : memref<640xi32, #tpu.memory_space<vmem>>, vector<16xi32>,
    %get3A_55 = vector.shape_cast %get3A_54 : vector<16xi32> to vector<16xi32>
    %add3A_56 = arith.constant 1 : i32
    %add3A_57 = vector.broadcast %add3A_56 : i32 to vector<16xi32>
    %add3A_58 = arith.addi %get3A_55, %add3A_57 : vector<16xi32>
    %swap3A_59 = arith.constant 80 : index
    %swap3A_60 = tpu.vector_load %arg9[%swap3A_59] {strides = array<i32>} : memref<640xi32, #tpu.memory_space<vmem>>, vector<16xi32>,
    %swap3A_61 = vector.shape_cast %swap3A_60 : vector<16xi32> to vector<16xi32>
    %swap3A_62 = vector.shape_cast %add3A_58 : vector<16xi32> to vector<16xi32>
    tpu.vector_store %arg9[%swap3A_59], %swap3A_62 {strides = array<i32>} : memref<640xi32, #tpu.memory_space<vmem>>, vector<16xi32>,
    %get3A_63 = arith.constant 96 : index
    %get3A_64 = tpu.vector_load %arg8[%get3A_63] {strides = array<i32>} : memref<640xi32, #tpu.memory_space<vmem>>, vector<16xi32>,
    %get3A_65 = vector.shape_cast %get3A_64 : vector<16xi32> to vector<16xi32>
    %add3A_66 = arith.constant 1 : i32
    %add3A_67 = vector.broadcast %add3A_66 : i32 to vector<16xi32>
    %add3A_68 = arith.addi %get3A_65, %add3A_67 : vector<16xi32>
    %swap3A_69 = arith.constant 96 : index
    %swap3A_70 = tpu.vector_load %arg9[%swap3A_69] {strides = array<i32>} : memref<640xi32, #tpu.memory_space<vmem>>, vector<16xi32>,
    %swap3A_71 = vector.shape_cast %swap3A_70 : vector<16xi32> to vector<16xi32>
    %swap3A_72 = vector.shape_cast %add3A_68 : vector<16xi32> to vector<16xi32>
    tpu.vector_store %arg9[%swap3A_69], %swap3A_72 {strides = array<i32>} : memref<640xi32, #tpu.memory_space<vmem>>, vector<16xi32>,
    %get3A_73 = arith.constant 112 : index
    %get3A_74 = tpu.vector_load %arg8[%get3A_73] {strides = array<i32>} : memref<640xi32, #tpu.memory_space<vmem>>, vector<16xi32>,
    %get3A_75 = vector.shape_cast %get3A_74 : vector<16xi32> to vector<16xi32>
    %add3A_76 = arith.constant 1 : i32
    %add3A_77 = vector.broadcast %add3A_76 : i32 to vector<16xi32>
    %add3A_78 = arith.addi %get3A_75, %add3A_77 : vector<16xi32>
    %swap3A_79 = arith.constant 112 : index
    %swap3A_80 = tpu.vector_load %arg9[%swap3A_79] {strides = array<i32>} : memref<640xi32, #tpu.memory_space<vmem>>, vector<16xi32>,
    %swap3A_81 = vector.shape_cast %swap3A_80 : vector<16xi32> to vector<16xi32>
    %swap3A_82 = vector.shape_cast %add3A_78 : vector<16xi32> to vector<16xi32>
    tpu.vector_store %arg9[%swap3A_79], %swap3A_82 {strides = array<i32>} : memref<640xi32, #tpu.memory_space<vmem>>, vector<16xi32>,
    %get3A_83 = arith.constant 128 : index
    %get3A_84 = tpu.vector_load %arg8[%get3A_83] {strides = array<i32>} : memref<640xi32, #tpu.memory_space<vmem>>, vector<16xi32>,
    %get3A_85 = vector.shape_cast %get3A_84 : vector<16xi32> to vector<16xi32>
    %add3A_86 = arith.constant 1 : i32
    %add3A_87 = vector.broadcast %add3A_86 : i32 to vector<16xi32>
    %add3A_88 = arith.addi %get3A_85, %add3A_87 : vector<16xi32>
    %swap3A_89 = arith.constant 128 : index
    %swap3A_90 = tpu.vector_load %arg9[%swap3A_89] {strides = array<i32>} : memref<640xi32, #tpu.memory_space<vmem>>, vector<16xi32>,
    %swap3A_91 = vector.shape_cast %swap3A_90 : vector<16xi32> to vector<16xi32>
    %swap3A_92 = vector.shape_cast %add3A_88 : vector<16xi32> to vector<16xi32>
    tpu.vector_store %arg9[%swap3A_89], %swap3A_92 {strides = array<i32>} : memref<640xi32, #tpu.memory_space<vmem>>, vector<16xi32>,
    %get3A_93 = arith.constant 144 : index
    %get3A_94 = tpu.vector_load %arg8[%get3A_93] {strides = array<i32>} : memref<640xi32, #tpu.memory_space<vmem>>, vector<16xi32>,
    %get3A_95 = vector.shape_cast %get3A_94 : vector<16xi32> to vector<16xi32>
    %add3A_96 = arith.constant 1 : i32
    %add3A_97 = vector.broadcast %add3A_96 : i32 to vector<16xi32>
    %add3A_98 = arith.addi %get3A_95, %add3A_97 : vector<16xi32>
    %swap3A_99 = arith.constant 144 : index
    %swap3A_100 = tpu.vector_load %arg9[%swap3A_99] {strides = array<i32>} : memref<640xi32, #tpu.memory_space<vmem>>, vector<16xi32>,
    %swap3A_101 = vector.shape_cast %swap3A_100 : vector<16xi32> to vector<16xi32>
    %swap3A_102 = vector.shape_cast %add3A_98 : vector<16xi32> to vector<16xi32>
    tpu.vector_store %arg9[%swap3A_99], %swap3A_102 {strides = array<i32>} : memref<640xi32, #tpu.memory_space<vmem>>, vector<16xi32>,
    %get3A_103 = arith.constant 160 : index
    %get3A_104 = tpu.vector_load %arg8[%get3A_103] {strides = array<i32>} : memref<640xi32, #tpu.memory_space<vmem>>, vector<16xi32>,
    %get3A_105 = vector.shape_cast %get3A_104 : vector<16xi32> to vector<16xi32>
    %add3A_106 = arith.constant 1 : i32
    %add3A_107 = vector.broadcast %add3A_106 : i32 to vector<16xi32>
    %add3A_108 = arith.addi %get3A_105, %add3A_107 : vector<16xi32>
    %swap3A_109 = arith.constant 160 : index
    %swap3A_110 = tpu.vector_load %arg9[%swap3A_109] {strides = array<i32>} : memref<640xi32, #tpu.memory_space<vmem>>, vector<16xi32>,
    %swap3A_111 = vector.shape_cast %swap3A_110 : vector<16xi32> to vector<16xi32>
    %swap3A_112 = vector.shape_cast %add3A_108 : vector<16xi32> to vector<16xi32>
    tpu.vector_store %arg9[%swap3A_109], %swap3A_112 {strides = array<i32>} : memref<640xi32, #tpu.memory_space<vmem>>, vector<16xi32>,
    %get3A_113 = arith.constant 176 : index
    %get3A_114 = tpu.vector_load %arg8[%get3A_113] {strides = array<i32>} : memref<640xi32, #tpu.memory_space<vmem>>, vector<16xi32>,
    %get3A_115 = vector.shape_cast %get3A_114 : vector<16xi32> to vector<16xi32>
    %add3A_116 = arith.constant 1 : i32
    %add3A_117 = vector.broadcast %add3A_116 : i32 to vector<16xi32>
    %add3A_118 = arith.addi %get3A_115, %add3A_117 : vector<16xi32>
    %swap3A_119 = arith.constant 176 : index
    %swap3A_120 = tpu.vector_load %arg9[%swap3A_119] {strides = array<i32>} : memref<640xi32, #tpu.memory_space<vmem>>, vector<16xi32>,
    %swap3A_121 = vector.shape_cast %swap3A_120 : vector<16xi32> to vector<16xi32>
    %swap3A_122 = vector.shape_cast %add3A_118 : vector<16xi32> to vector<16xi32>
    tpu.vector_store %arg9[%swap3A_119], %swap3A_122 {strides = array<i32>} : memref<640xi32, #tpu.memory_space<vmem>>, vector<16xi32>,
    %get3A_123 = arith.constant 192 : index
    %get3A_124 = tpu.vector_load %arg8[%get3A_123] {strides = array<i32>} : memref<640xi32, #tpu.memory_space<vmem>>, vector<16xi32>,
    %get3A_125 = vector.shape_cast %get3A_124 : vector<16xi32> to vector<16xi32>
    %add3A_126 = arith.constant 1 : i32
    %add3A_127 = vector.broadcast %add3A_126 : i32 to vector<16xi32>
    %add3A_128 = arith.addi %get3A_125, %add3A_127 : vector<16xi32>
    %swap3A_129 = arith.constant 192 : index
    %swap3A_130 = tpu.vector_load %arg9[%swap3A_129] {strides = array<i32>} : memref<640xi32, #tpu.memory_space<vmem>>, vector<16xi32>,
    %swap3A_131 = vector.shape_cast %swap3A_130 : vector<16xi32> to vector<16xi32>
    %swap3A_132 = vector.shape_cast %add3A_128 : vector<16xi32> to vector<16xi32>
    tpu.vector_store %arg9[%swap3A_129], %swap3A_132 {strides = array<i32>} : memref<640xi32, #tpu.memory_space<vmem>>, vector<16xi32>,
    %get3A_133 = arith.constant 208 : index
    %get3A_134 = tpu.vector_load %arg8[%get3A_133] {strides = array<i32>} : memref<640xi32, #tpu.memory_space<vmem>>, vector<16xi32>,
    %get3A_135 = vector.shape_cast %get3A_134 : vector<16xi32> to vector<16xi32>
    %add3A_136 = arith.constant 1 : i32
    %add3A_137 = vector.broadcast %add3A_136 : i32 to vector<16xi32>
    %add3A_138 = arith.addi %get3A_135, %add3A_137 : vector<16xi32>
    %swap3A_139 = arith.constant 208 : index
    %swap3A_140 = tpu.vector_load %arg9[%swap3A_139] {strides = array<i32>} : memref<640xi32, #tpu.memory_space<vmem>>, vector<16xi32>,
    %swap3A_141 = vector.shape_cast %swap3A_140 : vector<16xi32> to vector<16xi32>
    %swap3A_142 = vector.shape_cast %add3A_138 : vector<16xi32> to vector<16xi32>
    tpu.vector_store %arg9[%swap3A_139], %swap3A_142 {strides = array<i32>} : memref<640xi32, #tpu.memory_space<vmem>>, vector<16xi32>,
    %get3A_143 = arith.constant 224 : index
    %get3A_144 = tpu.vector_load %arg8[%get3A_143] {strides = array<i32>} : memref<640xi32, #tpu.memory_space<vmem>>, vector<16xi32>,
    %get3A_145 = vector.shape_cast %get3A_144 : vector<16xi32> to vector<16xi32>
    %add3A_146 = arith.constant 1 : i32
    %add3A_147 = vector.broadcast %add3A_146 : i32 to vector<16xi32>
    %add3A_148 = arith.addi %get3A_145, %add3A_147 : vector<16xi32>
    %swap3A_149 = arith.constant 224 : index
    %swap3A_150 = tpu.vector_load %arg9[%swap3A_149] {strides = array<i32>} : memref<640xi32, #tpu.memory_space<vmem>>, vector<16xi32>,
    %swap3A_151 = vector.shape_cast %swap3A_150 : vector<16xi32> to vector<16xi32>
    %swap3A_152 = vector.shape_cast %add3A_148 : vector<16xi32> to vector<16xi32>
    tpu.vector_store %arg9[%swap3A_149], %swap3A_152 {strides = array<i32>} : memref<640xi32, #tpu.memory_space<vmem>>, vector<16xi32>,
    %get3A_153 = arith.constant 240 : index
    %get3A_154 = tpu.vector_load %arg8[%get3A_153] {strides = array<i32>} : memref<640xi32, #tpu.memory_space<vmem>>, vector<16xi32>,
    %get3A_155 = vector.shape_cast %get3A_154 : vector<16xi32> to vector<16xi32>
    %add3A_156 = arith.constant 1 : i32
    %add3A_157 = vector.broadcast %add3A_156 : i32 to vector<16xi32>
    %add3A_158 = arith.addi %get3A_155, %add3A_157 : vector<16xi32>
    %swap3A_159 = arith.constant 240 : index
    %swap3A_160 = tpu.vector_load %arg9[%swap3A_159] {strides = array<i32>} : memref<640xi32, #tpu.memory_space<vmem>>, vector<16xi32>,
    %swap3A_161 = vector.shape_cast %swap3A_160 : vector<16xi32> to vector<16xi32>
    %swap3A_162 = vector.shape_cast %add3A_158 : vector<16xi32> to vector<16xi32>
    tpu.vector_store %arg9[%swap3A_159], %swap3A_162 {strides = array<i32>} : memref<640xi32, #tpu.memory_space<vmem>>, vector<16xi32>,
    %get3A_163 = arith.constant 256 : index
    %get3A_164 = tpu.vector_load %arg8[%get3A_163] {strides = array<i32>} : memref<640xi32, #tpu.memory_space<vmem>>, vector<16xi32>,
    %get3A_165 = vector.shape_cast %get3A_164 : vector<16xi32> to vector<16xi32>
    %add3A_166 = arith.constant 1 : i32
    %add3A_167 = vector.broadcast %add3A_166 : i32 to vector<16xi32>
    %add3A_168 = arith.addi %get3A_165, %add3A_167 : vector<16xi32>
    %swap3A_169 = arith.constant 256 : index
    %swap3A_170 = tpu.vector_load %arg9[%swap3A_169] {strides = array<i32>} : memref<640xi32, #tpu.memory_space<vmem>>, vector<16xi32>,
    %swap3A_171 = vector.shape_cast %swap3A_170 : vector<16xi32> to vector<16xi32>
    %swap3A_172 = vector.shape_cast %add3A_168 : vector<16xi32> to vector<16xi32>
    tpu.vector_store %arg9[%swap3A_169], %swap3A_172 {strides = array<i32>} : memref<640xi32, #tpu.memory_space<vmem>>, vector<16xi32>,
    %get3A_173 = arith.constant 272 : index
    %get3A_174 = tpu.vector_load %arg8[%get3A_173] {strides = array<i32>} : memref<640xi32, #tpu.memory_space<vmem>>, vector<16xi32>,
    %get3A_175 = vector.shape_cast %get3A_174 : vector<16xi32> to vector<16xi32>
    %add3A_176 = arith.constant 1 : i32
    %add3A_177 = vector.broadcast %add3A_176 : i32 to vector<16xi32>
    %add3A_178 = arith.addi %get3A_175, %add3A_177 : vector<16xi32>
    %swap3A_179 = arith.constant 272 : index
    %swap3A_180 = tpu.vector_load %arg9[%swap3A_179] {strides = array<i32>} : memref<640xi32, #tpu.memory_space<vmem>>, vector<16xi32>,
    %swap3A_181 = vector.shape_cast %swap3A_180 : vector<16xi32> to vector<16xi32>
    %swap3A_182 = vector.shape_cast %add3A_178 : vector<16xi32> to vector<16xi32>
    tpu.vector_store %arg9[%swap3A_179], %swap3A_182 {strides = array<i32>} : memref<640xi32, #tpu.memory_space<vmem>>, vector<16xi32>,
    %get3A_183 = arith.constant 288 : index
    %get3A_184 = tpu.vector_load %arg8[%get3A_183] {strides = array<i32>} : memref<640xi32, #tpu.memory_space<vmem>>, vector<16xi32>,
    %get3A_185 = vector.shape_cast %get3A_184 : vector<16xi32> to vector<16xi32>
    %add3A_186 = arith.constant 1 : i32
    %add3A_187 = vector.broadcast %add3A_186 : i32 to vector<16xi32>
    %add3A_188 = arith.addi %get3A_185, %add3A_187 : vector<16xi32>
    %swap3A_189 = arith.constant 288 : index
    %swap3A_190 = tpu.vector_load %arg9[%swap3A_189] {strides = array<i32>} : memref<640xi32, #tpu.memory_space<vmem>>, vector<16xi32>,
    %swap3A_191 = vector.shape_cast %swap3A_190 : vector<16xi32> to vector<16xi32>
    %swap3A_192 = vector.shape_cast %add3A_188 : vector<16xi32> to vector<16xi32>
    tpu.vector_store %arg9[%swap3A_189], %swap3A_192 {strides = array<i32>} : memref<640xi32, #tpu.memory_space<vmem>>, vector<16xi32>,
    %get3A_193 = arith.constant 304 : index
    %get3A_194 = tpu.vector_load %arg8[%get3A_193] {strides = array<i32>} : memref<640xi32, #tpu.memory_space<vmem>>, vector<16xi32>,
    %get3A_195 = vector.shape_cast %get3A_194 : vector<16xi32> to vector<16xi32>
    %add3A_196 = arith.constant 1 : i32
    %add3A_197 = vector.broadcast %add3A_196 : i32 to vector<16xi32>
    %add3A_198 = arith.addi %get3A_195, %add3A_197 : vector<16xi32>
    %swap3A_199 = arith.constant 304 : index
    %swap3A_200 = tpu.vector_load %arg9[%swap3A_199] {strides = array<i32>} : memref<640xi32, #tpu.memory_space<vmem>>, vector<16xi32>,
    %swap3A_201 = vector.shape_cast %swap3A_200 : vector<16xi32> to vector<16xi32>
    %swap3A_202 = vector.shape_cast %add3A_198 : vector<16xi32> to vector<16xi32>
    tpu.vector_store %arg9[%swap3A_199], %swap3A_202 {strides = array<i32>} : memref<640xi32, #tpu.memory_space<vmem>>, vector<16xi32>,
    %get3A_203 = arith.constant 320 : index
    %get3A_204 = tpu.vector_load %arg8[%get3A_203] {strides = array<i32>} : memref<640xi32, #tpu.memory_space<vmem>>, vector<16xi32>,
    %get3A_205 = vector.shape_cast %get3A_204 : vector<16xi32> to vector<16xi32>
    %add3A_206 = arith.constant 1 : i32
    %add3A_207 = vector.broadcast %add3A_206 : i32 to vector<16xi32>
    %add3A_208 = arith.addi %get3A_205, %add3A_207 : vector<16xi32>
    %swap3A_209 = arith.constant 320 : index
    %swap3A_210 = tpu.vector_load %arg9[%swap3A_209] {strides = array<i32>} : memref<640xi32, #tpu.memory_space<vmem>>, vector<16xi32>,
    %swap3A_211 = vector.shape_cast %swap3A_210 : vector<16xi32> to vector<16xi32>
    %swap3A_212 = vector.shape_cast %add3A_208 : vector<16xi32> to vector<16xi32>
    tpu.vector_store %arg9[%swap3A_209], %swap3A_212 {strides = array<i32>} : memref<640xi32, #tpu.memory_space<vmem>>, vector<16xi32>,
    %get3A_213 = arith.constant 336 : index
    %get3A_214 = tpu.vector_load %arg8[%get3A_213] {strides = array<i32>} : memref<640xi32, #tpu.memory_space<vmem>>, vector<16xi32>,
    %get3A_215 = vector.shape_cast %get3A_214 : vector<16xi32> to vector<16xi32>
    %add3A_216 = arith.constant 1 : i32
    %add3A_217 = vector.broadcast %add3A_216 : i32 to vector<16xi32>
    %add3A_218 = arith.addi %get3A_215, %add3A_217 : vector<16xi32>
    %swap3A_219 = arith.constant 336 : index
    %swap3A_220 = tpu.vector_load %arg9[%swap3A_219] {strides = array<i32>} : memref<640xi32, #tpu.memory_space<vmem>>, vector<16xi32>,
    %swap3A_221 = vector.shape_cast %swap3A_220 : vector<16xi32> to vector<16xi32>
    %swap3A_222 = vector.shape_cast %add3A_218 : vector<16xi32> to vector<16xi32>
    tpu.vector_store %arg9[%swap3A_219], %swap3A_222 {strides = array<i32>} : memref<640xi32, #tpu.memory_space<vmem>>, vector<16xi32>,
    %get3A_223 = arith.constant 352 : index
    %get3A_224 = tpu.vector_load %arg8[%get3A_223] {strides = array<i32>} : memref<640xi32, #tpu.memory_space<vmem>>, vector<16xi32>,
    %get3A_225 = vector.shape_cast %get3A_224 : vector<16xi32> to vector<16xi32>
    %add3A_226 = arith.constant 1 : i32
    %add3A_227 = vector.broadcast %add3A_226 : i32 to vector<16xi32>
    %add3A_228 = arith.addi %get3A_225, %add3A_227 : vector<16xi32>
    %swap3A_229 = arith.constant 352 : index
    %swap3A_230 = tpu.vector_load %arg9[%swap3A_229] {strides = array<i32>} : memref<640xi32, #tpu.memory_space<vmem>>, vector<16xi32>,
    %swap3A_231 = vector.shape_cast %swap3A_230 : vector<16xi32> to vector<16xi32>
    %swap3A_232 = vector.shape_cast %add3A_228 : vector<16xi32> to vector<16xi32>
    tpu.vector_store %arg9[%swap3A_229], %swap3A_232 {strides = array<i32>} : memref<640xi32, #tpu.memory_space<vmem>>, vector<16xi32>,
    %get3A_233 = arith.constant 368 : index
    %get3A_234 = tpu.vector_load %arg8[%get3A_233] {strides = array<i32>} : memref<640xi32, #tpu.memory_space<vmem>>, vector<16xi32>,
    %get3A_235 = vector.shape_cast %get3A_234 : vector<16xi32> to vector<16xi32>
    %add3A_236 = arith.constant 1 : i32
    %add3A_237 = vector.broadcast %add3A_236 : i32 to vector<16xi32>
    %add3A_238 = arith.addi %get3A_235, %add3A_237 : vector<16xi32>
    %swap3A_239 = arith.constant 368 : index
    %swap3A_240 = tpu.vector_load %arg9[%swap3A_239] {strides = array<i32>} : memref<640xi32, #tpu.memory_space<vmem>>, vector<16xi32>,
    %swap3A_241 = vector.shape_cast %swap3A_240 : vector<16xi32> to vector<16xi32>
    %swap3A_242 = vector.shape_cast %add3A_238 : vector<16xi32> to vector<16xi32>
    tpu.vector_store %arg9[%swap3A_239], %swap3A_242 {strides = array<i32>} : memref<640xi32, #tpu.memory_space<vmem>>, vector<16xi32>,
    %get3A_243 = arith.constant 384 : index
    %get3A_244 = tpu.vector_load %arg8[%get3A_243] {strides = array<i32>} : memref<640xi32, #tpu.memory_space<vmem>>, vector<16xi32>,
    %get3A_245 = vector.shape_cast %get3A_244 : vector<16xi32> to vector<16xi32>
    %add3A_246 = arith.constant 1 : i32
    %add3A_247 = vector.broadcast %add3A_246 : i32 to vector<16xi32>
    %add3A_248 = arith.addi %get3A_245, %add3A_247 : vector<16xi32>
    %swap3A_249 = arith.constant 384 : index
    %swap3A_250 = tpu.vector_load %arg9[%swap3A_249] {strides = array<i32>} : memref<640xi32, #tpu.memory_space<vmem>>, vector<16xi32>,
    %swap3A_251 = vector.shape_cast %swap3A_250 : vector<16xi32> to vector<16xi32>
    %swap3A_252 = vector.shape_cast %add3A_248 : vector<16xi32> to vector<16xi32>
    tpu.vector_store %arg9[%swap3A_249], %swap3A_252 {strides = array<i32>} : memref<640xi32, #tpu.memory_space<vmem>>, vector<16xi32>,
    %get3A_253 = arith.constant 400 : index
    %get3A_254 = tpu.vector_load %arg8[%get3A_253] {strides = array<i32>} : memref<640xi32, #tpu.memory_space<vmem>>, vector<16xi32>,
    %get3A_255 = vector.shape_cast %get3A_254 : vector<16xi32> to vector<16xi32>
    %add3A_256 = arith.constant 1 : i32
    %add3A_257 = vector.broadcast %add3A_256 : i32 to vector<16xi32>
    %add3A_258 = arith.addi %get3A_255, %add3A_257 : vector<16xi32>
    %swap3A_259 = arith.constant 400 : index
    %swap3A_260 = tpu.vector_load %arg9[%swap3A_259] {strides = array<i32>} : memref<640xi32, #tpu.memory_space<vmem>>, vector<16xi32>,
    %swap3A_261 = vector.shape_cast %swap3A_260 : vector<16xi32> to vector<16xi32>
    %swap3A_262 = vector.shape_cast %add3A_258 : vector<16xi32> to vector<16xi32>
    tpu.vector_store %arg9[%swap3A_259], %swap3A_262 {strides = array<i32>} : memref<640xi32, #tpu.memory_space<vmem>>, vector<16xi32>,
    %get3A_263 = arith.constant 416 : index
    %get3A_264 = tpu.vector_load %arg8[%get3A_263] {strides = array<i32>} : memref<640xi32, #tpu.memory_space<vmem>>, vector<16xi32>,
    %get3A_265 = vector.shape_cast %get3A_264 : vector<16xi32> to vector<16xi32>
    %add3A_266 = arith.constant 1 : i32
    %add3A_267 = vector.broadcast %add3A_266 : i32 to vector<16xi32>
    %add3A_268 = arith.addi %get3A_265, %add3A_267 : vector<16xi32>
    %swap3A_269 = arith.constant 416 : index
    %swap3A_270 = tpu.vector_load %arg9[%swap3A_269] {strides = array<i32>} : memref<640xi32, #tpu.memory_space<vmem>>, vector<16xi32>,
    %swap3A_271 = vector.shape_cast %swap3A_270 : vector<16xi32> to vector<16xi32>
    %swap3A_272 = vector.shape_cast %add3A_268 : vector<16xi32> to vector<16xi32>
    tpu.vector_store %arg9[%swap3A_269], %swap3A_272 {strides = array<i32>} : memref<640xi32, #tpu.memory_space<vmem>>, vector<16xi32>,
    %get3A_273 = arith.constant 432 : index
    %get3A_274 = tpu.vector_load %arg8[%get3A_273] {strides = array<i32>} : memref<640xi32, #tpu.memory_space<vmem>>, vector<16xi32>,
    %get3A_275 = vector.shape_cast %get3A_274 : vector<16xi32> to vector<16xi32>
    %add3A_276 = arith.constant 1 : i32
    %add3A_277 = vector.broadcast %add3A_276 : i32 to vector<16xi32>
    %add3A_278 = arith.addi %get3A_275, %add3A_277 : vector<16xi32>
    %swap3A_279 = arith.constant 432 : index
    %swap3A_280 = tpu.vector_load %arg9[%swap3A_279] {strides = array<i32>} : memref<640xi32, #tpu.memory_space<vmem>>, vector<16xi32>,
    %swap3A_281 = vector.shape_cast %swap3A_280 : vector<16xi32> to vector<16xi32>
    %swap3A_282 = vector.shape_cast %add3A_278 : vector<16xi32> to vector<16xi32>
    tpu.vector_store %arg9[%swap3A_279], %swap3A_282 {strides = array<i32>} : memref<640xi32, #tpu.memory_space<vmem>>, vector<16xi32>,
    %get3A_283 = arith.constant 448 : index
    %get3A_284 = tpu.vector_load %arg8[%get3A_283] {strides = array<i32>} : memref<640xi32, #tpu.memory_space<vmem>>, vector<16xi32>,
    %get3A_285 = vector.shape_cast %get3A_284 : vector<16xi32> to vector<16xi32>
    %add3A_286 = arith.constant 1 : i32
    %add3A_287 = vector.broadcast %add3A_286 : i32 to vector<16xi32>
    %add3A_288 = arith.addi %get3A_285, %add3A_287 : vector<16xi32>
    %swap3A_289 = arith.constant 448 : index
    %swap3A_290 = tpu.vector_load %arg9[%swap3A_289] {strides = array<i32>} : memref<640xi32, #tpu.memory_space<vmem>>, vector<16xi32>,
    %swap3A_291 = vector.shape_cast %swap3A_290 : vector<16xi32> to vector<16xi32>
    %swap3A_292 = vector.shape_cast %add3A_288 : vector<16xi32> to vector<16xi32>
    tpu.vector_store %arg9[%swap3A_289], %swap3A_292 {strides = array<i32>} : memref<640xi32, #tpu.memory_space<vmem>>, vector<16xi32>,
    %get3A_293 = arith.constant 464 : index
    %get3A_294 = tpu.vector_load %arg8[%get3A_293] {strides = array<i32>} : memref<640xi32, #tpu.memory_space<vmem>>, vector<16xi32>,
    %get3A_295 = vector.shape_cast %get3A_294 : vector<16xi32> to vector<16xi32>
    %add3A_296 = arith.constant 1 : i32
    %add3A_297 = vector.broadcast %add3A_296 : i32 to vector<16xi32>
    %add3A_298 = arith.addi %get3A_295, %add3A_297 : vector<16xi32>
    %swap3A_299 = arith.constant 464 : index
    %swap3A_300 = tpu.vector_load %arg9[%swap3A_299] {strides = array<i32>} : memref<640xi32, #tpu.memory_space<vmem>>, vector<16xi32>,
    %swap3A_301 = vector.shape_cast %swap3A_300 : vector<16xi32> to vector<16xi32>
    %swap3A_302 = vector.shape_cast %add3A_298 : vector<16xi32> to vector<16xi32>
    tpu.vector_store %arg9[%swap3A_299], %swap3A_302 {strides = array<i32>} : memref<640xi32, #tpu.memory_space<vmem>>, vector<16xi32>,
    %get3A_303 = arith.constant 480 : index
    %get3A_304 = tpu.vector_load %arg8[%get3A_303] {strides = array<i32>} : memref<640xi32, #tpu.memory_space<vmem>>, vector<16xi32>,
    %get3A_305 = vector.shape_cast %get3A_304 : vector<16xi32> to vector<16xi32>
    %add3A_306 = arith.constant 1 : i32
    %add3A_307 = vector.broadcast %add3A_306 : i32 to vector<16xi32>
    %add3A_308 = arith.addi %get3A_305, %add3A_307 : vector<16xi32>
    %swap3A_309 = arith.constant 480 : index
    %swap3A_310 = tpu.vector_load %arg9[%swap3A_309] {strides = array<i32>} : memref<640xi32, #tpu.memory_space<vmem>>, vector<16xi32>,
    %swap3A_311 = vector.shape_cast %swap3A_310 : vector<16xi32> to vector<16xi32>
    %swap3A_312 = vector.shape_cast %add3A_308 : vector<16xi32> to vector<16xi32>
    tpu.vector_store %arg9[%swap3A_309], %swap3A_312 {strides = array<i32>} : memref<640xi32, #tpu.memory_space<vmem>>, vector<16xi32>,
    %get3A_313 = arith.constant 496 : index
    %get3A_314 = tpu.vector_load %arg8[%get3A_313] {strides = array<i32>} : memref<640xi32, #tpu.memory_space<vmem>>, vector<16xi32>,
    %get3A_315 = vector.shape_cast %get3A_314 : vector<16xi32> to vector<16xi32>
    %add3A_316 = arith.constant 1 : i32
    %add3A_317 = vector.broadcast %add3A_316 : i32 to vector<16xi32>
    %add3A_318 = arith.addi %get3A_315, %add3A_317 : vector<16xi32>
    %swap3A_319 = arith.constant 496 : index
    %swap3A_320 = tpu.vector_load %arg9[%swap3A_319] {strides = array<i32>} : memref<640xi32, #tpu.memory_space<vmem>>, vector<16xi32>,
    %swap3A_321 = vector.shape_cast %swap3A_320 : vector<16xi32> to vector<16xi32>
    %swap3A_322 = vector.shape_cast %add3A_318 : vector<16xi32> to vector<16xi32>
    tpu.vector_store %arg9[%swap3A_319], %swap3A_322 {strides = array<i32>} : memref<640xi32, #tpu.memory_space<vmem>>, vector<16xi32>,
    %get3A_323 = arith.constant 512 : index
    %get3A_324 = tpu.vector_load %arg8[%get3A_323] {strides = array<i32>} : memref<640xi32, #tpu.memory_space<vmem>>, vector<16xi32>,
    %get3A_325 = vector.shape_cast %get3A_324 : vector<16xi32> to vector<16xi32>
    %add3A_326 = arith.constant 1 : i32
    %add3A_327 = vector.broadcast %add3A_326 : i32 to vector<16xi32>
    %add3A_328 = arith.addi %get3A_325, %add3A_327 : vector<16xi32>
    %swap3A_329 = arith.constant 512 : index
    %swap3A_330 = tpu.vector_load %arg9[%swap3A_329] {strides = array<i32>} : memref<640xi32, #tpu.memory_space<vmem>>, vector<16xi32>,
    %swap3A_331 = vector.shape_cast %swap3A_330 : vector<16xi32> to vector<16xi32>
    %swap3A_332 = vector.shape_cast %add3A_328 : vector<16xi32> to vector<16xi32>
    tpu.vector_store %arg9[%swap3A_329], %swap3A_332 {strides = array<i32>} : memref<640xi32, #tpu.memory_space<vmem>>, vector<16xi32>,
    %get3A_333 = arith.constant 528 : index
    %get3A_334 = tpu.vector_load %arg8[%get3A_333] {strides = array<i32>} : memref<640xi32, #tpu.memory_space<vmem>>, vector<16xi32>,
    %get3A_335 = vector.shape_cast %get3A_334 : vector<16xi32> to vector<16xi32>
    %add3A_336 = arith.constant 1 : i32
    %add3A_337 = vector.broadcast %add3A_336 : i32 to vector<16xi32>
    %add3A_338 = arith.addi %get3A_335, %add3A_337 : vector<16xi32>
    %swap3A_339 = arith.constant 528 : index
    %swap3A_340 = tpu.vector_load %arg9[%swap3A_339] {strides = array<i32>} : memref<640xi32, #tpu.memory_space<vmem>>, vector<16xi32>,
    %swap3A_341 = vector.shape_cast %swap3A_340 : vector<16xi32> to vector<16xi32>
    %swap3A_342 = vector.shape_cast %add3A_338 : vector<16xi32> to vector<16xi32>
    tpu.vector_store %arg9[%swap3A_339], %swap3A_342 {strides = array<i32>} : memref<640xi32, #tpu.memory_space<vmem>>, vector<16xi32>,
    %get3A_343 = arith.constant 544 : index
    %get3A_344 = tpu.vector_load %arg8[%get3A_343] {strides = array<i32>} : memref<640xi32, #tpu.memory_space<vmem>>, vector<16xi32>,
    %get3A_345 = vector.shape_cast %get3A_344 : vector<16xi32> to vector<16xi32>
    %add3A_346 = arith.constant 1 : i32
    %add3A_347 = vector.broadcast %add3A_346 : i32 to vector<16xi32>
    %add3A_348 = arith.addi %get3A_345, %add3A_347 : vector<16xi32>
    %swap3A_349 = arith.constant 544 : index
    %swap3A_350 = tpu.vector_load %arg9[%swap3A_349] {strides = array<i32>} : memref<640xi32, #tpu.memory_space<vmem>>, vector<16xi32>,
    %swap3A_351 = vector.shape_cast %swap3A_350 : vector<16xi32> to vector<16xi32>
    %swap3A_352 = vector.shape_cast %add3A_348 : vector<16xi32> to vector<16xi32>
    tpu.vector_store %arg9[%swap3A_349], %swap3A_352 {strides = array<i32>} : memref<640xi32, #tpu.memory_space<vmem>>, vector<16xi32>,
    %get3A_353 = arith.constant 560 : index
    %get3A_354 = tpu.vector_load %arg8[%get3A_353] {strides = array<i32>} : memref<640xi32, #tpu.memory_space<vmem>>, vector<16xi32>,
    %get3A_355 = vector.shape_cast %get3A_354 : vector<16xi32> to vector<16xi32>
    %add3A_356 = arith.constant 1 : i32
    %add3A_357 = vector.broadcast %add3A_356 : i32 to vector<16xi32>
    %add3A_358 = arith.addi %get3A_355, %add3A_357 : vector<16xi32>
    %swap3A_359 = arith.constant 560 : index
    %swap3A_360 = tpu.vector_load %arg9[%swap3A_359] {strides = array<i32>} : memref<640xi32, #tpu.memory_space<vmem>>, vector<16xi32>,
    %swap3A_361 = vector.shape_cast %swap3A_360 : vector<16xi32> to vector<16xi32>
    %swap3A_362 = vector.shape_cast %add3A_358 : vector<16xi32> to vector<16xi32>
    tpu.vector_store %arg9[%swap3A_359], %swap3A_362 {strides = array<i32>} : memref<640xi32, #tpu.memory_space<vmem>>, vector<16xi32>,
    %get3A_363 = arith.constant 576 : index
    %get3A_364 = tpu.vector_load %arg8[%get3A_363] {strides = array<i32>} : memref<640xi32, #tpu.memory_space<vmem>>, vector<16xi32>,
    %get3A_365 = vector.shape_cast %get3A_364 : vector<16xi32> to vector<16xi32>
    %add3A_366 = arith.constant 1 : i32
    %add3A_367 = vector.broadcast %add3A_366 : i32 to vector<16xi32>
    %add3A_368 = arith.addi %get3A_365, %add3A_367 : vector<16xi32>
    %swap3A_369 = arith.constant 576 : index
    %swap3A_370 = tpu.vector_load %arg9[%swap3A_369] {strides = array<i32>} : memref<640xi32, #tpu.memory_space<vmem>>, vector<16xi32>,
    %swap3A_371 = vector.shape_cast %swap3A_370 : vector<16xi32> to vector<16xi32>
    %swap3A_372 = vector.shape_cast %add3A_368 : vector<16xi32> to vector<16xi32>
    tpu.vector_store %arg9[%swap3A_369], %swap3A_372 {strides = array<i32>} : memref<640xi32, #tpu.memory_space<vmem>>, vector<16xi32>,
    %get3A_373 = arith.constant 592 : index
    %get3A_374 = tpu.vector_load %arg8[%get3A_373] {strides = array<i32>} : memref<640xi32, #tpu.memory_space<vmem>>, vector<16xi32>,
    %get3A_375 = vector.shape_cast %get3A_374 : vector<16xi32> to vector<16xi32>
    %add3A_376 = arith.constant 1 : i32
    %add3A_377 = vector.broadcast %add3A_376 : i32 to vector<16xi32>
    %add3A_378 = arith.addi %get3A_375, %add3A_377 : vector<16xi32>
    %swap3A_379 = arith.constant 592 : index
    %swap3A_380 = tpu.vector_load %arg9[%swap3A_379] {strides = array<i32>} : memref<640xi32, #tpu.memory_space<vmem>>, vector<16xi32>,
    %swap3A_381 = vector.shape_cast %swap3A_380 : vector<16xi32> to vector<16xi32>
    %swap3A_382 = vector.shape_cast %add3A_378 : vector<16xi32> to vector<16xi32>
    tpu.vector_store %arg9[%swap3A_379], %swap3A_382 {strides = array<i32>} : memref<640xi32, #tpu.memory_space<vmem>>, vector<16xi32>,
    %get3A_383 = arith.constant 608 : index
    %get3A_384 = tpu.vector_load %arg8[%get3A_383] {strides = array<i32>} : memref<640xi32, #tpu.memory_space<vmem>>, vector<16xi32>,
    %get3A_385 = vector.shape_cast %get3A_384 : vector<16xi32> to vector<16xi32>
    %add3A_386 = arith.constant 1 : i32
    %add3A_387 = vector.broadcast %add3A_386 : i32 to vector<16xi32>
    %add3A_388 = arith.addi %get3A_385, %add3A_387 : vector<16xi32>
    %swap3A_389 = arith.constant 608 : index
    %swap3A_390 = tpu.vector_load %arg9[%swap3A_389] {strides = array<i32>} : memref<640xi32, #tpu.memory_space<vmem>>, vector<16xi32>,
    %swap3A_391 = vector.shape_cast %swap3A_390 : vector<16xi32> to vector<16xi32>
    %swap3A_392 = vector.shape_cast %add3A_388 : vector<16xi32> to vector<16xi32>
    tpu.vector_store %arg9[%swap3A_389], %swap3A_392 {strides = array<i32>} : memref<640xi32, #tpu.memory_space<vmem>>, vector<16xi32>,
    %get3A_393 = arith.constant 624 : index
    %get3A_394 = tpu.vector_load %arg8[%get3A_393] {strides = array<i32>} : memref<640xi32, #tpu.memory_space<vmem>>, vector<16xi32>,
    %get3A_395 = vector.shape_cast %get3A_394 : vector<16xi32> to vector<16xi32>
    %add3A_396 = arith.constant 1 : i32
    %add3A_397 = vector.broadcast %add3A_396 : i32 to vector<16xi32>
    %add3A_398 = arith.addi %get3A_395, %add3A_397 : vector<16xi32>
    %swap3A_399 = arith.constant 624 : index
    %swap3A_400 = tpu.vector_load %arg9[%swap3A_399] {strides = array<i32>} : memref<640xi32, #tpu.memory_space<vmem>>, vector<16xi32>,
    %swap3A_401 = vector.shape_cast %swap3A_400 : vector<16xi32> to vector<16xi32>
    %swap3A_402 = vector.shape_cast %add3A_398 : vector<16xi32> to vector<16xi32>
    tpu.vector_store %arg9[%swap3A_399], %swap3A_402 {strides = array<i32>} : memref<640xi32, #tpu.memory_space<vmem>>, vector<16xi32>,
    %dma_start3A_403 = arith.constant 0 : i32
    %dma_start3A_404 = tpu.memref_slice %arg2[%dma_start3A_403] : memref<6480000xf32, #tpu.memory_space<hbm>> -> memref<6480000xf32, #tpu.memory_space<hbm>>
    tpu.enqueue_indirect_dma source(%dma_start3A_404 : memref<6480000xf32, #tpu.memory_space<hbm>>) target(%arg11 : memref<640xf32, #tpu.memory_space<vmem>>) offsets(%arg9 : memref<640xi32, #tpu.memory_space<vmem>>) semaphore(%arg15 : memref<!tpu.dma_semaphore, #tpu.memory_space<semaphore_mem>>)
    %dma_wait3A_405 = arith.constant 0 : i32
    %dma_wait3A_406 = tpu.memref_slice %arg2[%dma_wait3A_405] : memref<6480000xf32, #tpu.memory_space<hbm>> -> memref<6480000xf32, #tpu.memory_space<hbm>>
    tpu.wait_indirect_dma semaphore(%arg15 : memref<!tpu.dma_semaphore, #tpu.memory_space<semaphore_mem>>) src(%dma_wait3A_406 : memref<6480000xf32, #tpu.memory_space<hbm>>) dst(%arg11 : memref<640xf32, #tpu.memory_space<vmem>>)
    %get3A_407 = arith.constant 0 : index
    %get3A_408 = tpu.vector_load %arg8[%get3A_407] {strides = array<i32>} : memref<640xi32, #tpu.memory_space<vmem>>, vector<16xi32>,
    %get3A_409 = vector.shape_cast %get3A_408 : vector<16xi32> to vector<16xi32>
    %add3A_410 = arith.constant 2 : i32
    %add3A_411 = vector.broadcast %add3A_410 : i32 to vector<16xi32>
    %add3A_412 = arith.addi %get3A_409, %add3A_411 : vector<16xi32>
    %swap3A_413 = arith.constant 0 : index
    %swap3A_414 = tpu.vector_load %arg9[%swap3A_413] {strides = array<i32>} : memref<640xi32, #tpu.memory_space<vmem>>, vector<16xi32>,
    %swap3A_415 = vector.shape_cast %swap3A_414 : vector<16xi32> to vector<16xi32>
    %swap3A_416 = vector.shape_cast %add3A_412 : vector<16xi32> to vector<16xi32>
    tpu.vector_store %arg9[%swap3A_413], %swap3A_416 {strides = array<i32>} : memref<640xi32, #tpu.memory_space<vmem>>, vector<16xi32>,
    %get3A_417 = arith.constant 16 : index
    %get3A_418 = tpu.vector_load %arg8[%get3A_417] {strides = array<i32>} : memref<640xi32, #tpu.memory_space<vmem>>, vector<16xi32>,
    %get3A_419 = vector.shape_cast %get3A_418 : vector<16xi32> to vector<16xi32>
    %add3A_420 = arith.constant 2 : i32
    %add3A_421 = vector.broadcast %add3A_420 : i32 to vector<16xi32>
    %add3A_422 = arith.addi %get3A_419, %add3A_421 : vector<16xi32>
    %swap3A_423 = arith.constant 16 : index
    %swap3A_424 = tpu.vector_load %arg9[%swap3A_423] {strides = array<i32>} : memref<640xi32, #tpu.memory_space<vmem>>, vector<16xi32>,
    %swap3A_425 = vector.shape_cast %swap3A_424 : vector<16xi32> to vector<16xi32>
    %swap3A_426 = vector.shape_cast %add3A_422 : vector<16xi32> to vector<16xi32>
    tpu.vector_store %arg9[%swap3A_423], %swap3A_426 {strides = array<i32>} : memref<640xi32, #tpu.memory_space<vmem>>, vector<16xi32>,
    %get3A_427 = arith.constant 32 : index
    %get3A_428 = tpu.vector_load %arg8[%get3A_427] {strides = array<i32>} : memref<640xi32, #tpu.memory_space<vmem>>, vector<16xi32>,
    %get3A_429 = vector.shape_cast %get3A_428 : vector<16xi32> to vector<16xi32>
    %add3A_430 = arith.constant 2 : i32
    %add3A_431 = vector.broadcast %add3A_430 : i32 to vector<16xi32>
    %add3A_432 = arith.addi %get3A_429, %add3A_431 : vector<16xi32>
    %swap3A_433 = arith.constant 32 : index
    %swap3A_434 = tpu.vector_load %arg9[%swap3A_433] {strides = array<i32>} : memref<640xi32, #tpu.memory_space<vmem>>, vector<16xi32>,
    %swap3A_435 = vector.shape_cast %swap3A_434 : vector<16xi32> to vector<16xi32>
    %swap3A_436 = vector.shape_cast %add3A_432 : vector<16xi32> to vector<16xi32>
    tpu.vector_store %arg9[%swap3A_433], %swap3A_436 {strides = array<i32>} : memref<640xi32, #tpu.memory_space<vmem>>, vector<16xi32>,
    %get3A_437 = arith.constant 48 : index
    %get3A_438 = tpu.vector_load %arg8[%get3A_437] {strides = array<i32>} : memref<640xi32, #tpu.memory_space<vmem>>, vector<16xi32>,
    %get3A_439 = vector.shape_cast %get3A_438 : vector<16xi32> to vector<16xi32>
    %add3A_440 = arith.constant 2 : i32
    %add3A_441 = vector.broadcast %add3A_440 : i32 to vector<16xi32>
    %add3A_442 = arith.addi %get3A_439, %add3A_441 : vector<16xi32>
    %swap3A_443 = arith.constant 48 : index
    %swap3A_444 = tpu.vector_load %arg9[%swap3A_443] {strides = array<i32>} : memref<640xi32, #tpu.memory_space<vmem>>, vector<16xi32>,
    %swap3A_445 = vector.shape_cast %swap3A_444 : vector<16xi32> to vector<16xi32>
    %swap3A_446 = vector.shape_cast %add3A_442 : vector<16xi32> to vector<16xi32>
    tpu.vector_store %arg9[%swap3A_443], %swap3A_446 {strides = array<i32>} : memref<640xi32, #tpu.memory_space<vmem>>, vector<16xi32>,
    %get3A_447 = arith.constant 64 : index
    %get3A_448 = tpu.vector_load %arg8[%get3A_447] {strides = array<i32>} : memref<640xi32, #tpu.memory_space<vmem>>, vector<16xi32>,
    %get3A_449 = vector.shape_cast %get3A_448 : vector<16xi32> to vector<16xi32>
    %add3A_450 = arith.constant 2 : i32
    %add3A_451 = vector.broadcast %add3A_450 : i32 to vector<16xi32>
    %add3A_452 = arith.addi %get3A_449, %add3A_451 : vector<16xi32>
    %swap3A_453 = arith.constant 64 : index
    %swap3A_454 = tpu.vector_load %arg9[%swap3A_453] {strides = array<i32>} : memref<640xi32, #tpu.memory_space<vmem>>, vector<16xi32>,
    %swap3A_455 = vector.shape_cast %swap3A_454 : vector<16xi32> to vector<16xi32>
    %swap3A_456 = vector.shape_cast %add3A_452 : vector<16xi32> to vector<16xi32>
    tpu.vector_store %arg9[%swap3A_453], %swap3A_456 {strides = array<i32>} : memref<640xi32, #tpu.memory_space<vmem>>, vector<16xi32>,
    %get3A_457 = arith.constant 80 : index
    %get3A_458 = tpu.vector_load %arg8[%get3A_457] {strides = array<i32>} : memref<640xi32, #tpu.memory_space<vmem>>, vector<16xi32>,
    %get3A_459 = vector.shape_cast %get3A_458 : vector<16xi32> to vector<16xi32>
    %add3A_460 = arith.constant 2 : i32
    %add3A_461 = vector.broadcast %add3A_460 : i32 to vector<16xi32>
    %add3A_462 = arith.addi %get3A_459, %add3A_461 : vector<16xi32>
    %swap3A_463 = arith.constant 80 : index
    %swap3A_464 = tpu.vector_load %arg9[%swap3A_463] {strides = array<i32>} : memref<640xi32, #tpu.memory_space<vmem>>, vector<16xi32>,
    %swap3A_465 = vector.shape_cast %swap3A_464 : vector<16xi32> to vector<16xi32>
    %swap3A_466 = vector.shape_cast %add3A_462 : vector<16xi32> to vector<16xi32>
    tpu.vector_store %arg9[%swap3A_463], %swap3A_466 {strides = array<i32>} : memref<640xi32, #tpu.memory_space<vmem>>, vector<16xi32>,
    %get3A_467 = arith.constant 96 : index
    %get3A_468 = tpu.vector_load %arg8[%get3A_467] {strides = array<i32>} : memref<640xi32, #tpu.memory_space<vmem>>, vector<16xi32>,
    %get3A_469 = vector.shape_cast %get3A_468 : vector<16xi32> to vector<16xi32>
    %add3A_470 = arith.constant 2 : i32
    %add3A_471 = vector.broadcast %add3A_470 : i32 to vector<16xi32>
    %add3A_472 = arith.addi %get3A_469, %add3A_471 : vector<16xi32>
    %swap3A_473 = arith.constant 96 : index
    %swap3A_474 = tpu.vector_load %arg9[%swap3A_473] {strides = array<i32>} : memref<640xi32, #tpu.memory_space<vmem>>, vector<16xi32>,
    %swap3A_475 = vector.shape_cast %swap3A_474 : vector<16xi32> to vector<16xi32>
    %swap3A_476 = vector.shape_cast %add3A_472 : vector<16xi32> to vector<16xi32>
    tpu.vector_store %arg9[%swap3A_473], %swap3A_476 {strides = array<i32>} : memref<640xi32, #tpu.memory_space<vmem>>, vector<16xi32>,
    %get3A_477 = arith.constant 112 : index
    %get3A_478 = tpu.vector_load %arg8[%get3A_477] {strides = array<i32>} : memref<640xi32, #tpu.memory_space<vmem>>, vector<16xi32>,
    %get3A_479 = vector.shape_cast %get3A_478 : vector<16xi32> to vector<16xi32>
    %add3A_480 = arith.constant 2 : i32
    %add3A_481 = vector.broadcast %add3A_480 : i32 to vector<16xi32>
    %add3A_482 = arith.addi %get3A_479, %add3A_481 : vector<16xi32>
    %swap3A_483 = arith.constant 112 : index
    %swap3A_484 = tpu.vector_load %arg9[%swap3A_483] {strides = array<i32>} : memref<640xi32, #tpu.memory_space<vmem>>, vector<16xi32>,
    %swap3A_485 = vector.shape_cast %swap3A_484 : vector<16xi32> to vector<16xi32>
    %swap3A_486 = vector.shape_cast %add3A_482 : vector<16xi32> to vector<16xi32>
    tpu.vector_store %arg9[%swap3A_483], %swap3A_486 {strides = array<i32>} : memref<640xi32, #tpu.memory_space<vmem>>, vector<16xi32>,
    %get3A_487 = arith.constant 128 : index
    %get3A_488 = tpu.vector_load %arg8[%get3A_487] {strides = array<i32>} : memref<640xi32, #tpu.memory_space<vmem>>, vector<16xi32>,
    %get3A_489 = vector.shape_cast %get3A_488 : vector<16xi32> to vector<16xi32>
    %add3A_490 = arith.constant 2 : i32
    %add3A_491 = vector.broadcast %add3A_490 : i32 to vector<16xi32>
    %add3A_492 = arith.addi %get3A_489, %add3A_491 : vector<16xi32>
    %swap3A_493 = arith.constant 128 : index
    %swap3A_494 = tpu.vector_load %arg9[%swap3A_493] {strides = array<i32>} : memref<640xi32, #tpu.memory_space<vmem>>, vector<16xi32>,
    %swap3A_495 = vector.shape_cast %swap3A_494 : vector<16xi32> to vector<16xi32>
    %swap3A_496 = vector.shape_cast %add3A_492 : vector<16xi32> to vector<16xi32>
    tpu.vector_store %arg9[%swap3A_493], %swap3A_496 {strides = array<i32>} : memref<640xi32, #tpu.memory_space<vmem>>, vector<16xi32>,
    %get3A_497 = arith.constant 144 : index
    %get3A_498 = tpu.vector_load %arg8[%get3A_497] {strides = array<i32>} : memref<640xi32, #tpu.memory_space<vmem>>, vector<16xi32>,
    %get3A_499 = vector.shape_cast %get3A_498 : vector<16xi32> to vector<16xi32>
    %add3A_500 = arith.constant 2 : i32
    %add3A_501 = vector.broadcast %add3A_500 : i32 to vector<16xi32>
    %add3A_502 = arith.addi %get3A_499, %add3A_501 : vector<16xi32>
    %swap3A_503 = arith.constant 144 : index
    %swap3A_504 = tpu.vector_load %arg9[%swap3A_503] {strides = array<i32>} : memref<640xi32, #tpu.memory_space<vmem>>, vector<16xi32>,
    %swap3A_505 = vector.shape_cast %swap3A_504 : vector<16xi32> to vector<16xi32>
    %swap3A_506 = vector.shape_cast %add3A_502 : vector<16xi32> to vector<16xi32>
    tpu.vector_store %arg9[%swap3A_503], %swap3A_506 {strides = array<i32>} : memref<640xi32, #tpu.memory_space<vmem>>, vector<16xi32>,
    %get3A_507 = arith.constant 160 : index
    %get3A_508 = tpu.vector_load %arg8[%get3A_507] {strides = array<i32>} : memref<640xi32, #tpu.memory_space<vmem>>, vector<16xi32>,
    %get3A_509 = vector.shape_cast %get3A_508 : vector<16xi32> to vector<16xi32>
    %add3A_510 = arith.constant 2 : i32
    %add3A_511 = vector.broadcast %add3A_510 : i32 to vector<16xi32>
    %add3A_512 = arith.addi %get3A_509, %add3A_511 : vector<16xi32>
    %swap3A_513 = arith.constant 160 : index
    %swap3A_514 = tpu.vector_load %arg9[%swap3A_513] {strides = array<i32>} : memref<640xi32, #tpu.memory_space<vmem>>, vector<16xi32>,
    %swap3A_515 = vector.shape_cast %swap3A_514 : vector<16xi32> to vector<16xi32>
    %swap3A_516 = vector.shape_cast %add3A_512 : vector<16xi32> to vector<16xi32>
    tpu.vector_store %arg9[%swap3A_513], %swap3A_516 {strides = array<i32>} : memref<640xi32, #tpu.memory_space<vmem>>, vector<16xi32>,
    %get3A_517 = arith.constant 176 : index
    %get3A_518 = tpu.vector_load %arg8[%get3A_517] {strides = array<i32>} : memref<640xi32, #tpu.memory_space<vmem>>, vector<16xi32>,
    %get3A_519 = vector.shape_cast %get3A_518 : vector<16xi32> to vector<16xi32>
    %add3A_520 = arith.constant 2 : i32
    %add3A_521 = vector.broadcast %add3A_520 : i32 to vector<16xi32>
    %add3A_522 = arith.addi %get3A_519, %add3A_521 : vector<16xi32>
    %swap3A_523 = arith.constant 176 : index
    %swap3A_524 = tpu.vector_load %arg9[%swap3A_523] {strides = array<i32>} : memref<640xi32, #tpu.memory_space<vmem>>, vector<16xi32>,
    %swap3A_525 = vector.shape_cast %swap3A_524 : vector<16xi32> to vector<16xi32>
    %swap3A_526 = vector.shape_cast %add3A_522 : vector<16xi32> to vector<16xi32>
    tpu.vector_store %arg9[%swap3A_523], %swap3A_526 {strides = array<i32>} : memref<640xi32, #tpu.memory_space<vmem>>, vector<16xi32>,
    %get3A_527 = arith.constant 192 : index
    %get3A_528 = tpu.vector_load %arg8[%get3A_527] {strides = array<i32>} : memref<640xi32, #tpu.memory_space<vmem>>, vector<16xi32>,
    %get3A_529 = vector.shape_cast %get3A_528 : vector<16xi32> to vector<16xi32>
    %add3A_530 = arith.constant 2 : i32
    %add3A_531 = vector.broadcast %add3A_530 : i32 to vector<16xi32>
    %add3A_532 = arith.addi %get3A_529, %add3A_531 : vector<16xi32>
    %swap3A_533 = arith.constant 192 : index
    %swap3A_534 = tpu.vector_load %arg9[%swap3A_533] {strides = array<i32>} : memref<640xi32, #tpu.memory_space<vmem>>, vector<16xi32>,
    %swap3A_535 = vector.shape_cast %swap3A_534 : vector<16xi32> to vector<16xi32>
    %swap3A_536 = vector.shape_cast %add3A_532 : vector<16xi32> to vector<16xi32>
    tpu.vector_store %arg9[%swap3A_533], %swap3A_536 {strides = array<i32>} : memref<640xi32, #tpu.memory_space<vmem>>, vector<16xi32>,
    %get3A_537 = arith.constant 208 : index
    %get3A_538 = tpu.vector_load %arg8[%get3A_537] {strides = array<i32>} : memref<640xi32, #tpu.memory_space<vmem>>, vector<16xi32>,
    %get3A_539 = vector.shape_cast %get3A_538 : vector<16xi32> to vector<16xi32>
    %add3A_540 = arith.constant 2 : i32
    %add3A_541 = vector.broadcast %add3A_540 : i32 to vector<16xi32>
    %add3A_542 = arith.addi %get3A_539, %add3A_541 : vector<16xi32>
    %swap3A_543 = arith.constant 208 : index
    %swap3A_544 = tpu.vector_load %arg9[%swap3A_543] {strides = array<i32>} : memref<640xi32, #tpu.memory_space<vmem>>, vector<16xi32>,
    %swap3A_545 = vector.shape_cast %swap3A_544 : vector<16xi32> to vector<16xi32>
    %swap3A_546 = vector.shape_cast %add3A_542 : vector<16xi32> to vector<16xi32>
    tpu.vector_store %arg9[%swap3A_543], %swap3A_546 {strides = array<i32>} : memref<640xi32, #tpu.memory_space<vmem>>, vector<16xi32>,
    %get3A_547 = arith.constant 224 : index
    %get3A_548 = tpu.vector_load %arg8[%get3A_547] {strides = array<i32>} : memref<640xi32, #tpu.memory_space<vmem>>, vector<16xi32>,
    %get3A_549 = vector.shape_cast %get3A_548 : vector<16xi32> to vector<16xi32>
    %add3A_550 = arith.constant 2 : i32
    %add3A_551 = vector.broadcast %add3A_550 : i32 to vector<16xi32>
    %add3A_552 = arith.addi %get3A_549, %add3A_551 : vector<16xi32>
    %swap3A_553 = arith.constant 224 : index
    %swap3A_554 = tpu.vector_load %arg9[%swap3A_553] {strides = array<i32>} : memref<640xi32, #tpu.memory_space<vmem>>, vector<16xi32>,
    %swap3A_555 = vector.shape_cast %swap3A_554 : vector<16xi32> to vector<16xi32>
    %swap3A_556 = vector.shape_cast %add3A_552 : vector<16xi32> to vector<16xi32>
    tpu.vector_store %arg9[%swap3A_553], %swap3A_556 {strides = array<i32>} : memref<640xi32, #tpu.memory_space<vmem>>, vector<16xi32>,
    %get3A_557 = arith.constant 240 : index
    %get3A_558 = tpu.vector_load %arg8[%get3A_557] {strides = array<i32>} : memref<640xi32, #tpu.memory_space<vmem>>, vector<16xi32>,
    %get3A_559 = vector.shape_cast %get3A_558 : vector<16xi32> to vector<16xi32>
    %add3A_560 = arith.constant 2 : i32
    %add3A_561 = vector.broadcast %add3A_560 : i32 to vector<16xi32>
    %add3A_562 = arith.addi %get3A_559, %add3A_561 : vector<16xi32>
    %swap3A_563 = arith.constant 240 : index
    %swap3A_564 = tpu.vector_load %arg9[%swap3A_563] {strides = array<i32>} : memref<640xi32, #tpu.memory_space<vmem>>, vector<16xi32>,
    %swap3A_565 = vector.shape_cast %swap3A_564 : vector<16xi32> to vector<16xi32>
    %swap3A_566 = vector.shape_cast %add3A_562 : vector<16xi32> to vector<16xi32>
    tpu.vector_store %arg9[%swap3A_563], %swap3A_566 {strides = array<i32>} : memref<640xi32, #tpu.memory_space<vmem>>, vector<16xi32>,
    %get3A_567 = arith.constant 256 : index
    %get3A_568 = tpu.vector_load %arg8[%get3A_567] {strides = array<i32>} : memref<640xi32, #tpu.memory_space<vmem>>, vector<16xi32>,
    %get3A_569 = vector.shape_cast %get3A_568 : vector<16xi32> to vector<16xi32>
    %add3A_570 = arith.constant 2 : i32
    %add3A_571 = vector.broadcast %add3A_570 : i32 to vector<16xi32>
    %add3A_572 = arith.addi %get3A_569, %add3A_571 : vector<16xi32>
    %swap3A_573 = arith.constant 256 : index
    %swap3A_574 = tpu.vector_load %arg9[%swap3A_573] {strides = array<i32>} : memref<640xi32, #tpu.memory_space<vmem>>, vector<16xi32>,
    %swap3A_575 = vector.shape_cast %swap3A_574 : vector<16xi32> to vector<16xi32>
    %swap3A_576 = vector.shape_cast %add3A_572 : vector<16xi32> to vector<16xi32>
    tpu.vector_store %arg9[%swap3A_573], %swap3A_576 {strides = array<i32>} : memref<640xi32, #tpu.memory_space<vmem>>, vector<16xi32>,
    %get3A_577 = arith.constant 272 : index
    %get3A_578 = tpu.vector_load %arg8[%get3A_577] {strides = array<i32>} : memref<640xi32, #tpu.memory_space<vmem>>, vector<16xi32>,
    %get3A_579 = vector.shape_cast %get3A_578 : vector<16xi32> to vector<16xi32>
    %add3A_580 = arith.constant 2 : i32
    %add3A_581 = vector.broadcast %add3A_580 : i32 to vector<16xi32>
    %add3A_582 = arith.addi %get3A_579, %add3A_581 : vector<16xi32>
    %swap3A_583 = arith.constant 272 : index
    %swap3A_584 = tpu.vector_load %arg9[%swap3A_583] {strides = array<i32>} : memref<640xi32, #tpu.memory_space<vmem>>, vector<16xi32>,
    %swap3A_585 = vector.shape_cast %swap3A_584 : vector<16xi32> to vector<16xi32>
    %swap3A_586 = vector.shape_cast %add3A_582 : vector<16xi32> to vector<16xi32>
    tpu.vector_store %arg9[%swap3A_583], %swap3A_586 {strides = array<i32>} : memref<640xi32, #tpu.memory_space<vmem>>, vector<16xi32>,
    %get3A_587 = arith.constant 288 : index
    %get3A_588 = tpu.vector_load %arg8[%get3A_587] {strides = array<i32>} : memref<640xi32, #tpu.memory_space<vmem>>, vector<16xi32>,
    %get3A_589 = vector.shape_cast %get3A_588 : vector<16xi32> to vector<16xi32>
    %add3A_590 = arith.constant 2 : i32
    %add3A_591 = vector.broadcast %add3A_590 : i32 to vector<16xi32>
    %add3A_592 = arith.addi %get3A_589, %add3A_591 : vector<16xi32>
    %swap3A_593 = arith.constant 288 : index
    %swap3A_594 = tpu.vector_load %arg9[%swap3A_593] {strides = array<i32>} : memref<640xi32, #tpu.memory_space<vmem>>, vector<16xi32>,
    %swap3A_595 = vector.shape_cast %swap3A_594 : vector<16xi32> to vector<16xi32>
    %swap3A_596 = vector.shape_cast %add3A_592 : vector<16xi32> to vector<16xi32>
    tpu.vector_store %arg9[%swap3A_593], %swap3A_596 {strides = array<i32>} : memref<640xi32, #tpu.memory_space<vmem>>, vector<16xi32>,
    %get3A_597 = arith.constant 304 : index
    %get3A_598 = tpu.vector_load %arg8[%get3A_597] {strides = array<i32>} : memref<640xi32, #tpu.memory_space<vmem>>, vector<16xi32>,
    %get3A_599 = vector.shape_cast %get3A_598 : vector<16xi32> to vector<16xi32>
    %add3A_600 = arith.constant 2 : i32
    %add3A_601 = vector.broadcast %add3A_600 : i32 to vector<16xi32>
    %add3A_602 = arith.addi %get3A_599, %add3A_601 : vector<16xi32>
    %swap3A_603 = arith.constant 304 : index
    %swap3A_604 = tpu.vector_load %arg9[%swap3A_603] {strides = array<i32>} : memref<640xi32, #tpu.memory_space<vmem>>, vector<16xi32>,
    %swap3A_605 = vector.shape_cast %swap3A_604 : vector<16xi32> to vector<16xi32>
    %swap3A_606 = vector.shape_cast %add3A_602 : vector<16xi32> to vector<16xi32>
    tpu.vector_store %arg9[%swap3A_603], %swap3A_606 {strides = array<i32>} : memref<640xi32, #tpu.memory_space<vmem>>, vector<16xi32>,
    %get3A_607 = arith.constant 320 : index
    %get3A_608 = tpu.vector_load %arg8[%get3A_607] {strides = array<i32>} : memref<640xi32, #tpu.memory_space<vmem>>, vector<16xi32>,
    %get3A_609 = vector.shape_cast %get3A_608 : vector<16xi32> to vector<16xi32>
    %add3A_610 = arith.constant 2 : i32
    %add3A_611 = vector.broadcast %add3A_610 : i32 to vector<16xi32>
    %add3A_612 = arith.addi %get3A_609, %add3A_611 : vector<16xi32>
    %swap3A_613 = arith.constant 320 : index
    %swap3A_614 = tpu.vector_load %arg9[%swap3A_613] {strides = array<i32>} : memref<640xi32, #tpu.memory_space<vmem>>, vector<16xi32>,
    %swap3A_615 = vector.shape_cast %swap3A_614 : vector<16xi32> to vector<16xi32>
    %swap3A_616 = vector.shape_cast %add3A_612 : vector<16xi32> to vector<16xi32>
    tpu.vector_store %arg9[%swap3A_613], %swap3A_616 {strides = array<i32>} : memref<640xi32, #tpu.memory_space<vmem>>, vector<16xi32>,
    %get3A_617 = arith.constant 336 : index
    %get3A_618 = tpu.vector_load %arg8[%get3A_617] {strides = array<i32>} : memref<640xi32, #tpu.memory_space<vmem>>, vector<16xi32>,
    %get3A_619 = vector.shape_cast %get3A_618 : vector<16xi32> to vector<16xi32>
    %add3A_620 = arith.constant 2 : i32
    %add3A_621 = vector.broadcast %add3A_620 : i32 to vector<16xi32>
    %add3A_622 = arith.addi %get3A_619, %add3A_621 : vector<16xi32>
    %swap3A_623 = arith.constant 336 : index
    %swap3A_624 = tpu.vector_load %arg9[%swap3A_623] {strides = array<i32>} : memref<640xi32, #tpu.memory_space<vmem>>, vector<16xi32>,
    %swap3A_625 = vector.shape_cast %swap3A_624 : vector<16xi32> to vector<16xi32>
    %swap3A_626 = vector.shape_cast %add3A_622 : vector<16xi32> to vector<16xi32>
    tpu.vector_store %arg9[%swap3A_623], %swap3A_626 {strides = array<i32>} : memref<640xi32, #tpu.memory_space<vmem>>, vector<16xi32>,
    %get3A_627 = arith.constant 352 : index
    %get3A_628 = tpu.vector_load %arg8[%get3A_627] {strides = array<i32>} : memref<640xi32, #tpu.memory_space<vmem>>, vector<16xi32>,
    %get3A_629 = vector.shape_cast %get3A_628 : vector<16xi32> to vector<16xi32>
    %add3A_630 = arith.constant 2 : i32
    %add3A_631 = vector.broadcast %add3A_630 : i32 to vector<16xi32>
    %add3A_632 = arith.addi %get3A_629, %add3A_631 : vector<16xi32>
    %swap3A_633 = arith.constant 352 : index
    %swap3A_634 = tpu.vector_load %arg9[%swap3A_633] {strides = array<i32>} : memref<640xi32, #tpu.memory_space<vmem>>, vector<16xi32>,
    %swap3A_635 = vector.shape_cast %swap3A_634 : vector<16xi32> to vector<16xi32>
    %swap3A_636 = vector.shape_cast %add3A_632 : vector<16xi32> to vector<16xi32>
    tpu.vector_store %arg9[%swap3A_633], %swap3A_636 {strides = array<i32>} : memref<640xi32, #tpu.memory_space<vmem>>, vector<16xi32>,
    %get3A_637 = arith.constant 368 : index
    %get3A_638 = tpu.vector_load %arg8[%get3A_637] {strides = array<i32>} : memref<640xi32, #tpu.memory_space<vmem>>, vector<16xi32>,
    %get3A_639 = vector.shape_cast %get3A_638 : vector<16xi32> to vector<16xi32>
    %add3A_640 = arith.constant 2 : i32
    %add3A_641 = vector.broadcast %add3A_640 : i32 to vector<16xi32>
    %add3A_642 = arith.addi %get3A_639, %add3A_641 : vector<16xi32>
    %swap3A_643 = arith.constant 368 : index
    %swap3A_644 = tpu.vector_load %arg9[%swap3A_643] {strides = array<i32>} : memref<640xi32, #tpu.memory_space<vmem>>, vector<16xi32>,
    %swap3A_645 = vector.shape_cast %swap3A_644 : vector<16xi32> to vector<16xi32>
    %swap3A_646 = vector.shape_cast %add3A_642 : vector<16xi32> to vector<16xi32>
    tpu.vector_store %arg9[%swap3A_643], %swap3A_646 {strides = array<i32>} : memref<640xi32, #tpu.memory_space<vmem>>, vector<16xi32>,
    %get3A_647 = arith.constant 384 : index
    %get3A_648 = tpu.vector_load %arg8[%get3A_647] {strides = array<i32>} : memref<640xi32, #tpu.memory_space<vmem>>, vector<16xi32>,
    %get3A_649 = vector.shape_cast %get3A_648 : vector<16xi32> to vector<16xi32>
    %add3A_650 = arith.constant 2 : i32
    %add3A_651 = vector.broadcast %add3A_650 : i32 to vector<16xi32>
    %add3A_652 = arith.addi %get3A_649, %add3A_651 : vector<16xi32>
    %swap3A_653 = arith.constant 384 : index
    %swap3A_654 = tpu.vector_load %arg9[%swap3A_653] {strides = array<i32>} : memref<640xi32, #tpu.memory_space<vmem>>, vector<16xi32>,
    %swap3A_655 = vector.shape_cast %swap3A_654 : vector<16xi32> to vector<16xi32>
    %swap3A_656 = vector.shape_cast %add3A_652 : vector<16xi32> to vector<16xi32>
    tpu.vector_store %arg9[%swap3A_653], %swap3A_656 {strides = array<i32>} : memref<640xi32, #tpu.memory_space<vmem>>, vector<16xi32>,
    %get3A_657 = arith.constant 400 : index
    %get3A_658 = tpu.vector_load %arg8[%get3A_657] {strides = array<i32>} : memref<640xi32, #tpu.memory_space<vmem>>, vector<16xi32>,
    %get3A_659 = vector.shape_cast %get3A_658 : vector<16xi32> to vector<16xi32>
    %add3A_660 = arith.constant 2 : i32
    %add3A_661 = vector.broadcast %add3A_660 : i32 to vector<16xi32>
    %add3A_662 = arith.addi %get3A_659, %add3A_661 : vector<16xi32>
    %swap3A_663 = arith.constant 400 : index
    %swap3A_664 = tpu.vector_load %arg9[%swap3A_663] {strides = array<i32>} : memref<640xi32, #tpu.memory_space<vmem>>, vector<16xi32>,
    %swap3A_665 = vector.shape_cast %swap3A_664 : vector<16xi32> to vector<16xi32>
    %swap3A_666 = vector.shape_cast %add3A_662 : vector<16xi32> to vector<16xi32>
    tpu.vector_store %arg9[%swap3A_663], %swap3A_666 {strides = array<i32>} : memref<640xi32, #tpu.memory_space<vmem>>, vector<16xi32>,
    %get3A_667 = arith.constant 416 : index
    %get3A_668 = tpu.vector_load %arg8[%get3A_667] {strides = array<i32>} : memref<640xi32, #tpu.memory_space<vmem>>, vector<16xi32>,
    %get3A_669 = vector.shape_cast %get3A_668 : vector<16xi32> to vector<16xi32>
    %add3A_670 = arith.constant 2 : i32
    %add3A_671 = vector.broadcast %add3A_670 : i32 to vector<16xi32>
    %add3A_672 = arith.addi %get3A_669, %add3A_671 : vector<16xi32>
    %swap3A_673 = arith.constant 416 : index
    %swap3A_674 = tpu.vector_load %arg9[%swap3A_673] {strides = array<i32>} : memref<640xi32, #tpu.memory_space<vmem>>, vector<16xi32>,
    %swap3A_675 = vector.shape_cast %swap3A_674 : vector<16xi32> to vector<16xi32>
    %swap3A_676 = vector.shape_cast %add3A_672 : vector<16xi32> to vector<16xi32>
    tpu.vector_store %arg9[%swap3A_673], %swap3A_676 {strides = array<i32>} : memref<640xi32, #tpu.memory_space<vmem>>, vector<16xi32>,
    %get3A_677 = arith.constant 432 : index
    %get3A_678 = tpu.vector_load %arg8[%get3A_677] {strides = array<i32>} : memref<640xi32, #tpu.memory_space<vmem>>, vector<16xi32>,
    %get3A_679 = vector.shape_cast %get3A_678 : vector<16xi32> to vector<16xi32>
    %add3A_680 = arith.constant 2 : i32
    %add3A_681 = vector.broadcast %add3A_680 : i32 to vector<16xi32>
    %add3A_682 = arith.addi %get3A_679, %add3A_681 : vector<16xi32>
    %swap3A_683 = arith.constant 432 : index
    %swap3A_684 = tpu.vector_load %arg9[%swap3A_683] {strides = array<i32>} : memref<640xi32, #tpu.memory_space<vmem>>, vector<16xi32>,
    %swap3A_685 = vector.shape_cast %swap3A_684 : vector<16xi32> to vector<16xi32>
    %swap3A_686 = vector.shape_cast %add3A_682 : vector<16xi32> to vector<16xi32>
    tpu.vector_store %arg9[%swap3A_683], %swap3A_686 {strides = array<i32>} : memref<640xi32, #tpu.memory_space<vmem>>, vector<16xi32>,
    %get3A_687 = arith.constant 448 : index
    %get3A_688 = tpu.vector_load %arg8[%get3A_687] {strides = array<i32>} : memref<640xi32, #tpu.memory_space<vmem>>, vector<16xi32>,
    %get3A_689 = vector.shape_cast %get3A_688 : vector<16xi32> to vector<16xi32>
    %add3A_690 = arith.constant 2 : i32
    %add3A_691 = vector.broadcast %add3A_690 : i32 to vector<16xi32>
    %add3A_692 = arith.addi %get3A_689, %add3A_691 : vector<16xi32>
    %swap3A_693 = arith.constant 448 : index
    %swap3A_694 = tpu.vector_load %arg9[%swap3A_693] {strides = array<i32>} : memref<640xi32, #tpu.memory_space<vmem>>, vector<16xi32>,
    %swap3A_695 = vector.shape_cast %swap3A_694 : vector<16xi32> to vector<16xi32>
    %swap3A_696 = vector.shape_cast %add3A_692 : vector<16xi32> to vector<16xi32>
    tpu.vector_store %arg9[%swap3A_693], %swap3A_696 {strides = array<i32>} : memref<640xi32, #tpu.memory_space<vmem>>, vector<16xi32>,
    %get3A_697 = arith.constant 464 : index
    %get3A_698 = tpu.vector_load %arg8[%get3A_697] {strides = array<i32>} : memref<640xi32, #tpu.memory_space<vmem>>, vector<16xi32>,
    %get3A_699 = vector.shape_cast %get3A_698 : vector<16xi32> to vector<16xi32>
    %add3A_700 = arith.constant 2 : i32
    %add3A_701 = vector.broadcast %add3A_700 : i32 to vector<16xi32>
    %add3A_702 = arith.addi %get3A_699, %add3A_701 : vector<16xi32>
    %swap3A_703 = arith.constant 464 : index
    %swap3A_704 = tpu.vector_load %arg9[%swap3A_703] {strides = array<i32>} : memref<640xi32, #tpu.memory_space<vmem>>, vector<16xi32>,
    %swap3A_705 = vector.shape_cast %swap3A_704 : vector<16xi32> to vector<16xi32>
    %swap3A_706 = vector.shape_cast %add3A_702 : vector<16xi32> to vector<16xi32>
    tpu.vector_store %arg9[%swap3A_703], %swap3A_706 {strides = array<i32>} : memref<640xi32, #tpu.memory_space<vmem>>, vector<16xi32>,
    %get3A_707 = arith.constant 480 : index
    %get3A_708 = tpu.vector_load %arg8[%get3A_707] {strides = array<i32>} : memref<640xi32, #tpu.memory_space<vmem>>, vector<16xi32>,
    %get3A_709 = vector.shape_cast %get3A_708 : vector<16xi32> to vector<16xi32>
    %add3A_710 = arith.constant 2 : i32
    %add3A_711 = vector.broadcast %add3A_710 : i32 to vector<16xi32>
    %add3A_712 = arith.addi %get3A_709, %add3A_711 : vector<16xi32>
    %swap3A_713 = arith.constant 480 : index
    %swap3A_714 = tpu.vector_load %arg9[%swap3A_713] {strides = array<i32>} : memref<640xi32, #tpu.memory_space<vmem>>, vector<16xi32>,
    %swap3A_715 = vector.shape_cast %swap3A_714 : vector<16xi32> to vector<16xi32>
    %swap3A_716 = vector.shape_cast %add3A_712 : vector<16xi32> to vector<16xi32>
    tpu.vector_store %arg9[%swap3A_713], %swap3A_716 {strides = array<i32>} : memref<640xi32, #tpu.memory_space<vmem>>, vector<16xi32>,
    %get3A_717 = arith.constant 496 : index
    %get3A_718 = tpu.vector_load %arg8[%get3A_717] {strides = array<i32>} : memref<640xi32, #tpu.memory_space<vmem>>, vector<16xi32>,
    %get3A_719 = vector.shape_cast %get3A_718 : vector<16xi32> to vector<16xi32>
    %add3A_720 = arith.constant 2 : i32
    %add3A_721 = vector.broadcast %add3A_720 : i32 to vector<16xi32>
    %add3A_722 = arith.addi %get3A_719, %add3A_721 : vector<16xi32>
    %swap3A_723 = arith.constant 496 : index
    %swap3A_724 = tpu.vector_load %arg9[%swap3A_723] {strides = array<i32>} : memref<640xi32, #tpu.memory_space<vmem>>, vector<16xi32>,
    %swap3A_725 = vector.shape_cast %swap3A_724 : vector<16xi32> to vector<16xi32>
    %swap3A_726 = vector.shape_cast %add3A_722 : vector<16xi32> to vector<16xi32>
    tpu.vector_store %arg9[%swap3A_723], %swap3A_726 {strides = array<i32>} : memref<640xi32, #tpu.memory_space<vmem>>, vector<16xi32>,
    %get3A_727 = arith.constant 512 : index
    %get3A_728 = tpu.vector_load %arg8[%get3A_727] {strides = array<i32>} : memref<640xi32, #tpu.memory_space<vmem>>, vector<16xi32>,
    %get3A_729 = vector.shape_cast %get3A_728 : vector<16xi32> to vector<16xi32>
    %add3A_730 = arith.constant 2 : i32
    %add3A_731 = vector.broadcast %add3A_730 : i32 to vector<16xi32>
    %add3A_732 = arith.addi %get3A_729, %add3A_731 : vector<16xi32>
    %swap3A_733 = arith.constant 512 : index
    %swap3A_734 = tpu.vector_load %arg9[%swap3A_733] {strides = array<i32>} : memref<640xi32, #tpu.memory_space<vmem>>, vector<16xi32>,
    %swap3A_735 = vector.shape_cast %swap3A_734 : vector<16xi32> to vector<16xi32>
    %swap3A_736 = vector.shape_cast %add3A_732 : vector<16xi32> to vector<16xi32>
    tpu.vector_store %arg9[%swap3A_733], %swap3A_736 {strides = array<i32>} : memref<640xi32, #tpu.memory_space<vmem>>, vector<16xi32>,
    %get3A_737 = arith.constant 528 : index
    %get3A_738 = tpu.vector_load %arg8[%get3A_737] {strides = array<i32>} : memref<640xi32, #tpu.memory_space<vmem>>, vector<16xi32>,
    %get3A_739 = vector.shape_cast %get3A_738 : vector<16xi32> to vector<16xi32>
    %add3A_740 = arith.constant 2 : i32
    %add3A_741 = vector.broadcast %add3A_740 : i32 to vector<16xi32>
    %add3A_742 = arith.addi %get3A_739, %add3A_741 : vector<16xi32>
    %swap3A_743 = arith.constant 528 : index
    %swap3A_744 = tpu.vector_load %arg9[%swap3A_743] {strides = array<i32>} : memref<640xi32, #tpu.memory_space<vmem>>, vector<16xi32>,
    %swap3A_745 = vector.shape_cast %swap3A_744 : vector<16xi32> to vector<16xi32>
    %swap3A_746 = vector.shape_cast %add3A_742 : vector<16xi32> to vector<16xi32>
    tpu.vector_store %arg9[%swap3A_743], %swap3A_746 {strides = array<i32>} : memref<640xi32, #tpu.memory_space<vmem>>, vector<16xi32>,
    %get3A_747 = arith.constant 544 : index
    %get3A_748 = tpu.vector_load %arg8[%get3A_747] {strides = array<i32>} : memref<640xi32, #tpu.memory_space<vmem>>, vector<16xi32>,
    %get3A_749 = vector.shape_cast %get3A_748 : vector<16xi32> to vector<16xi32>
    %add3A_750 = arith.constant 2 : i32
    %add3A_751 = vector.broadcast %add3A_750 : i32 to vector<16xi32>
    %add3A_752 = arith.addi %get3A_749, %add3A_751 : vector<16xi32>
    %swap3A_753 = arith.constant 544 : index
    %swap3A_754 = tpu.vector_load %arg9[%swap3A_753] {strides = array<i32>} : memref<640xi32, #tpu.memory_space<vmem>>, vector<16xi32>,
    %swap3A_755 = vector.shape_cast %swap3A_754 : vector<16xi32> to vector<16xi32>
    %swap3A_756 = vector.shape_cast %add3A_752 : vector<16xi32> to vector<16xi32>
    tpu.vector_store %arg9[%swap3A_753], %swap3A_756 {strides = array<i32>} : memref<640xi32, #tpu.memory_space<vmem>>, vector<16xi32>,
    %get3A_757 = arith.constant 560 : index
    %get3A_758 = tpu.vector_load %arg8[%get3A_757] {strides = array<i32>} : memref<640xi32, #tpu.memory_space<vmem>>, vector<16xi32>,
    %get3A_759 = vector.shape_cast %get3A_758 : vector<16xi32> to vector<16xi32>
    %add3A_760 = arith.constant 2 : i32
    %add3A_761 = vector.broadcast %add3A_760 : i32 to vector<16xi32>
    %add3A_762 = arith.addi %get3A_759, %add3A_761 : vector<16xi32>
    %swap3A_763 = arith.constant 560 : index
    %swap3A_764 = tpu.vector_load %arg9[%swap3A_763] {strides = array<i32>} : memref<640xi32, #tpu.memory_space<vmem>>, vector<16xi32>,
    %swap3A_765 = vector.shape_cast %swap3A_764 : vector<16xi32> to vector<16xi32>
    %swap3A_766 = vector.shape_cast %add3A_762 : vector<16xi32> to vector<16xi32>
    tpu.vector_store %arg9[%swap3A_763], %swap3A_766 {strides = array<i32>} : memref<640xi32, #tpu.memory_space<vmem>>, vector<16xi32>,
    %get3A_767 = arith.constant 576 : index
    %get3A_768 = tpu.vector_load %arg8[%get3A_767] {strides = array<i32>} : memref<640xi32, #tpu.memory_space<vmem>>, vector<16xi32>,
    %get3A_769 = vector.shape_cast %get3A_768 : vector<16xi32> to vector<16xi32>
    %add3A_770 = arith.constant 2 : i32
    %add3A_771 = vector.broadcast %add3A_770 : i32 to vector<16xi32>
    %add3A_772 = arith.addi %get3A_769, %add3A_771 : vector<16xi32>
    %swap3A_773 = arith.constant 576 : index
    %swap3A_774 = tpu.vector_load %arg9[%swap3A_773] {strides = array<i32>} : memref<640xi32, #tpu.memory_space<vmem>>, vector<16xi32>,
    %swap3A_775 = vector.shape_cast %swap3A_774 : vector<16xi32> to vector<16xi32>
    %swap3A_776 = vector.shape_cast %add3A_772 : vector<16xi32> to vector<16xi32>
    tpu.vector_store %arg9[%swap3A_773], %swap3A_776 {strides = array<i32>} : memref<640xi32, #tpu.memory_space<vmem>>, vector<16xi32>,
    %get3A_777 = arith.constant 592 : index
    %get3A_778 = tpu.vector_load %arg8[%get3A_777] {strides = array<i32>} : memref<640xi32, #tpu.memory_space<vmem>>, vector<16xi32>,
    %get3A_779 = vector.shape_cast %get3A_778 : vector<16xi32> to vector<16xi32>
    %add3A_780 = arith.constant 2 : i32
    %add3A_781 = vector.broadcast %add3A_780 : i32 to vector<16xi32>
    %add3A_782 = arith.addi %get3A_779, %add3A_781 : vector<16xi32>
    %swap3A_783 = arith.constant 592 : index
    %swap3A_784 = tpu.vector_load %arg9[%swap3A_783] {strides = array<i32>} : memref<640xi32, #tpu.memory_space<vmem>>, vector<16xi32>,
    %swap3A_785 = vector.shape_cast %swap3A_784 : vector<16xi32> to vector<16xi32>
    %swap3A_786 = vector.shape_cast %add3A_782 : vector<16xi32> to vector<16xi32>
    tpu.vector_store %arg9[%swap3A_783], %swap3A_786 {strides = array<i32>} : memref<640xi32, #tpu.memory_space<vmem>>, vector<16xi32>,
    %get3A_787 = arith.constant 608 : index
    %get3A_788 = tpu.vector_load %arg8[%get3A_787] {strides = array<i32>} : memref<640xi32, #tpu.memory_space<vmem>>, vector<16xi32>,
    %get3A_789 = vector.shape_cast %get3A_788 : vector<16xi32> to vector<16xi32>
    %add3A_790 = arith.constant 2 : i32
    %add3A_791 = vector.broadcast %add3A_790 : i32 to vector<16xi32>
    %add3A_792 = arith.addi %get3A_789, %add3A_791 : vector<16xi32>
    %swap3A_793 = arith.constant 608 : index
    %swap3A_794 = tpu.vector_load %arg9[%swap3A_793] {strides = array<i32>} : memref<640xi32, #tpu.memory_space<vmem>>, vector<16xi32>,
    %swap3A_795 = vector.shape_cast %swap3A_794 : vector<16xi32> to vector<16xi32>
    %swap3A_796 = vector.shape_cast %add3A_792 : vector<16xi32> to vector<16xi32>
    tpu.vector_store %arg9[%swap3A_793], %swap3A_796 {strides = array<i32>} : memref<640xi32, #tpu.memory_space<vmem>>, vector<16xi32>,
    %get3A_797 = arith.constant 624 : index
    %get3A_798 = tpu.vector_load %arg8[%get3A_797] {strides = array<i32>} : memref<640xi32, #tpu.memory_space<vmem>>, vector<16xi32>,
    %get3A_799 = vector.shape_cast %get3A_798 : vector<16xi32> to vector<16xi32>
    %add3A_800 = arith.constant 2 : i32
    %add3A_801 = vector.broadcast %add3A_800 : i32 to vector<16xi32>
    %add3A_802 = arith.addi %get3A_799, %add3A_801 : vector<16xi32>
    %swap3A_803 = arith.constant 624 : index
    %swap3A_804 = tpu.vector_load %arg9[%swap3A_803] {strides = array<i32>} : memref<640xi32, #tpu.memory_space<vmem>>, vector<16xi32>,
    %swap3A_805 = vector.shape_cast %swap3A_804 : vector<16xi32> to vector<16xi32>
    %swap3A_806 = vector.shape_cast %add3A_802 : vector<16xi32> to vector<16xi32>
    tpu.vector_store %arg9[%swap3A_803], %swap3A_806 {strides = array<i32>} : memref<640xi32, #tpu.memory_space<vmem>>, vector<16xi32>,
    %dma_start3A_807 = arith.constant 0 : i32
    %dma_start3A_808 = tpu.memref_slice %arg2[%dma_start3A_807] : memref<6480000xf32, #tpu.memory_space<hbm>> -> memref<6480000xf32, #tpu.memory_space<hbm>>
    tpu.enqueue_indirect_dma source(%dma_start3A_808 : memref<6480000xf32, #tpu.memory_space<hbm>>) target(%arg12 : memref<640xf32, #tpu.memory_space<vmem>>) offsets(%arg9 : memref<640xi32, #tpu.memory_space<vmem>>) semaphore(%arg16 : memref<!tpu.dma_semaphore, #tpu.memory_space<semaphore_mem>>)
    %dma_wait3A_809 = arith.constant 0 : i32
    %dma_wait3A_810 = tpu.memref_slice %arg2[%dma_wait3A_809] : memref<6480000xf32, #tpu.memory_space<hbm>> -> memref<6480000xf32, #tpu.memory_space<hbm>>
    tpu.wait_indirect_dma semaphore(%arg16 : memref<!tpu.dma_semaphore, #tpu.memory_space<semaphore_mem>>) src(%dma_wait3A_810 : memref<6480000xf32, #tpu.memory_space<hbm>>) dst(%arg12 : memref<640xf32, #tpu.memory_space<vmem>>)
    %get3A_811 = arith.constant 0 : index
    %get3A_812 = tpu.vector_load %arg8[%get3A_811] {strides = array<i32>} : memref<640xi32, #tpu.memory_space<vmem>>, vector<16xi32>,
    %get3A_813 = vector.shape_cast %get3A_812 : vector<16xi32> to vector<16xi32>
    %add3A_814 = arith.constant 3 : i32
    %add3A_815 = vector.broadcast %add3A_814 : i32 to vector<16xi32>
    %add3A_816 = arith.addi %get3A_813, %add3A_815 : vector<16xi32>
    %swap3A_817 = arith.constant 0 : index
    %swap3A_818 = tpu.vector_load %arg9[%swap3A_817] {strides = array<i32>} : memref<640xi32, #tpu.memory_space<vmem>>, vector<16xi32>,
    %swap3A_819 = vector.shape_cast %swap3A_818 : vector<16xi32> to vector<16xi32>
    %swap3A_820 = vector.shape_cast %add3A_816 : vector<16xi32> to vector<16xi32>
    tpu.vector_store %arg9[%swap3A_817], %swap3A_820 {strides = array<i32>} : memref<640xi32, #tpu.memory_space<vmem>>, vector<16xi32>,
    %get3A_821 = arith.constant 16 : index
    %get3A_822 = tpu.vector_load %arg8[%get3A_821] {strides = array<i32>} : memref<640xi32, #tpu.memory_space<vmem>>, vector<16xi32>,
    %get3A_823 = vector.shape_cast %get3A_822 : vector<16xi32> to vector<16xi32>
    %add3A_824 = arith.constant 3 : i32
    %add3A_825 = vector.broadcast %add3A_824 : i32 to vector<16xi32>
    %add3A_826 = arith.addi %get3A_823, %add3A_825 : vector<16xi32>
    %swap3A_827 = arith.constant 16 : index
    %swap3A_828 = tpu.vector_load %arg9[%swap3A_827] {strides = array<i32>} : memref<640xi32, #tpu.memory_space<vmem>>, vector<16xi32>,
    %swap3A_829 = vector.shape_cast %swap3A_828 : vector<16xi32> to vector<16xi32>
    %swap3A_830 = vector.shape_cast %add3A_826 : vector<16xi32> to vector<16xi32>
    tpu.vector_store %arg9[%swap3A_827], %swap3A_830 {strides = array<i32>} : memref<640xi32, #tpu.memory_space<vmem>>, vector<16xi32>,
    %get3A_831 = arith.constant 32 : index
    %get3A_832 = tpu.vector_load %arg8[%get3A_831] {strides = array<i32>} : memref<640xi32, #tpu.memory_space<vmem>>, vector<16xi32>,
    %get3A_833 = vector.shape_cast %get3A_832 : vector<16xi32> to vector<16xi32>
    %add3A_834 = arith.constant 3 : i32
    %add3A_835 = vector.broadcast %add3A_834 : i32 to vector<16xi32>
    %add3A_836 = arith.addi %get3A_833, %add3A_835 : vector<16xi32>
    %swap3A_837 = arith.constant 32 : index
    %swap3A_838 = tpu.vector_load %arg9[%swap3A_837] {strides = array<i32>} : memref<640xi32, #tpu.memory_space<vmem>>, vector<16xi32>,
    %swap3A_839 = vector.shape_cast %swap3A_838 : vector<16xi32> to vector<16xi32>
    %swap3A_840 = vector.shape_cast %add3A_836 : vector<16xi32> to vector<16xi32>
    tpu.vector_store %arg9[%swap3A_837], %swap3A_840 {strides = array<i32>} : memref<640xi32, #tpu.memory_space<vmem>>, vector<16xi32>,
    %get3A_841 = arith.constant 48 : index
    %get3A_842 = tpu.vector_load %arg8[%get3A_841] {strides = array<i32>} : memref<640xi32, #tpu.memory_space<vmem>>, vector<16xi32>,
    %get3A_843 = vector.shape_cast %get3A_842 : vector<16xi32> to vector<16xi32>
    %add3A_844 = arith.constant 3 : i32
    %add3A_845 = vector.broadcast %add3A_844 : i32 to vector<16xi32>
    %add3A_846 = arith.addi %get3A_843, %add3A_845 : vector<16xi32>
    %swap3A_847 = arith.constant 48 : index
    %swap3A_848 = tpu.vector_load %arg9[%swap3A_847] {strides = array<i32>} : memref<640xi32, #tpu.memory_space<vmem>>, vector<16xi32>,
    %swap3A_849 = vector.shape_cast %swap3A_848 : vector<16xi32> to vector<16xi32>
    %swap3A_850 = vector.shape_cast %add3A_846 : vector<16xi32> to vector<16xi32>
    tpu.vector_store %arg9[%swap3A_847], %swap3A_850 {strides = array<i32>} : memref<640xi32, #tpu.memory_space<vmem>>, vector<16xi32>,
    %get3A_851 = arith.constant 64 : index
    %get3A_852 = tpu.vector_load %arg8[%get3A_851] {strides = array<i32>} : memref<640xi32, #tpu.memory_space<vmem>>, vector<16xi32>,
    %get3A_853 = vector.shape_cast %get3A_852 : vector<16xi32> to vector<16xi32>
    %add3A_854 = arith.constant 3 : i32
    %add3A_855 = vector.broadcast %add3A_854 : i32 to vector<16xi32>
    %add3A_856 = arith.addi %get3A_853, %add3A_855 : vector<16xi32>
    %swap3A_857 = arith.constant 64 : index
    %swap3A_858 = tpu.vector_load %arg9[%swap3A_857] {strides = array<i32>} : memref<640xi32, #tpu.memory_space<vmem>>, vector<16xi32>,
    %swap3A_859 = vector.shape_cast %swap3A_858 : vector<16xi32> to vector<16xi32>
    %swap3A_860 = vector.shape_cast %add3A_856 : vector<16xi32> to vector<16xi32>
    tpu.vector_store %arg9[%swap3A_857], %swap3A_860 {strides = array<i32>} : memref<640xi32, #tpu.memory_space<vmem>>, vector<16xi32>,
    %get3A_861 = arith.constant 80 : index
    %get3A_862 = tpu.vector_load %arg8[%get3A_861] {strides = array<i32>} : memref<640xi32, #tpu.memory_space<vmem>>, vector<16xi32>,
    %get3A_863 = vector.shape_cast %get3A_862 : vector<16xi32> to vector<16xi32>
    %add3A_864 = arith.constant 3 : i32
    %add3A_865 = vector.broadcast %add3A_864 : i32 to vector<16xi32>
    %add3A_866 = arith.addi %get3A_863, %add3A_865 : vector<16xi32>
    %swap3A_867 = arith.constant 80 : index
    %swap3A_868 = tpu.vector_load %arg9[%swap3A_867] {strides = array<i32>} : memref<640xi32, #tpu.memory_space<vmem>>, vector<16xi32>,
    %swap3A_869 = vector.shape_cast %swap3A_868 : vector<16xi32> to vector<16xi32>
    %swap3A_870 = vector.shape_cast %add3A_866 : vector<16xi32> to vector<16xi32>
    tpu.vector_store %arg9[%swap3A_867], %swap3A_870 {strides = array<i32>} : memref<640xi32, #tpu.memory_space<vmem>>, vector<16xi32>,
    %get3A_871 = arith.constant 96 : index
    %get3A_872 = tpu.vector_load %arg8[%get3A_871] {strides = array<i32>} : memref<640xi32, #tpu.memory_space<vmem>>, vector<16xi32>,
    %get3A_873 = vector.shape_cast %get3A_872 : vector<16xi32> to vector<16xi32>
    %add3A_874 = arith.constant 3 : i32
    %add3A_875 = vector.broadcast %add3A_874 : i32 to vector<16xi32>
    %add3A_876 = arith.addi %get3A_873, %add3A_875 : vector<16xi32>
    %swap3A_877 = arith.constant 96 : index
    %swap3A_878 = tpu.vector_load %arg9[%swap3A_877] {strides = array<i32>} : memref<640xi32, #tpu.memory_space<vmem>>, vector<16xi32>,
    %swap3A_879 = vector.shape_cast %swap3A_878 : vector<16xi32> to vector<16xi32>
    %swap3A_880 = vector.shape_cast %add3A_876 : vector<16xi32> to vector<16xi32>
    tpu.vector_store %arg9[%swap3A_877], %swap3A_880 {strides = array<i32>} : memref<640xi32, #tpu.memory_space<vmem>>, vector<16xi32>,
    %get3A_881 = arith.constant 112 : index
    %get3A_882 = tpu.vector_load %arg8[%get3A_881] {strides = array<i32>} : memref<640xi32, #tpu.memory_space<vmem>>, vector<16xi32>,
    %get3A_883 = vector.shape_cast %get3A_882 : vector<16xi32> to vector<16xi32>
    %add3A_884 = arith.constant 3 : i32
    %add3A_885 = vector.broadcast %add3A_884 : i32 to vector<16xi32>
    %add3A_886 = arith.addi %get3A_883, %add3A_885 : vector<16xi32>
    %swap3A_887 = arith.constant 112 : index
    %swap3A_888 = tpu.vector_load %arg9[%swap3A_887] {strides = array<i32>} : memref<640xi32, #tpu.memory_space<vmem>>, vector<16xi32>,
    %swap3A_889 = vector.shape_cast %swap3A_888 : vector<16xi32> to vector<16xi32>
    %swap3A_890 = vector.shape_cast %add3A_886 : vector<16xi32> to vector<16xi32>
    tpu.vector_store %arg9[%swap3A_887], %swap3A_890 {strides = array<i32>} : memref<640xi32, #tpu.memory_space<vmem>>, vector<16xi32>,
    %get3A_891 = arith.constant 128 : index
    %get3A_892 = tpu.vector_load %arg8[%get3A_891] {strides = array<i32>} : memref<640xi32, #tpu.memory_space<vmem>>, vector<16xi32>,
    %get3A_893 = vector.shape_cast %get3A_892 : vector<16xi32> to vector<16xi32>
    %add3A_894 = arith.constant 3 : i32
    %add3A_895 = vector.broadcast %add3A_894 : i32 to vector<16xi32>
    %add3A_896 = arith.addi %get3A_893, %add3A_895 : vector<16xi32>
    %swap3A_897 = arith.constant 128 : index
    %swap3A_898 = tpu.vector_load %arg9[%swap3A_897] {strides = array<i32>} : memref<640xi32, #tpu.memory_space<vmem>>, vector<16xi32>,
    %swap3A_899 = vector.shape_cast %swap3A_898 : vector<16xi32> to vector<16xi32>
    %swap3A_900 = vector.shape_cast %add3A_896 : vector<16xi32> to vector<16xi32>
    tpu.vector_store %arg9[%swap3A_897], %swap3A_900 {strides = array<i32>} : memref<640xi32, #tpu.memory_space<vmem>>, vector<16xi32>,
    %get3A_901 = arith.constant 144 : index
    %get3A_902 = tpu.vector_load %arg8[%get3A_901] {strides = array<i32>} : memref<640xi32, #tpu.memory_space<vmem>>, vector<16xi32>,
    %get3A_903 = vector.shape_cast %get3A_902 : vector<16xi32> to vector<16xi32>
    %add3A_904 = arith.constant 3 : i32
    %add3A_905 = vector.broadcast %add3A_904 : i32 to vector<16xi32>
    %add3A_906 = arith.addi %get3A_903, %add3A_905 : vector<16xi32>
    %swap3A_907 = arith.constant 144 : index
    %swap3A_908 = tpu.vector_load %arg9[%swap3A_907] {strides = array<i32>} : memref<640xi32, #tpu.memory_space<vmem>>, vector<16xi32>,
    %swap3A_909 = vector.shape_cast %swap3A_908 : vector<16xi32> to vector<16xi32>
    %swap3A_910 = vector.shape_cast %add3A_906 : vector<16xi32> to vector<16xi32>
    tpu.vector_store %arg9[%swap3A_907], %swap3A_910 {strides = array<i32>} : memref<640xi32, #tpu.memory_space<vmem>>, vector<16xi32>,
    %get3A_911 = arith.constant 160 : index
    %get3A_912 = tpu.vector_load %arg8[%get3A_911] {strides = array<i32>} : memref<640xi32, #tpu.memory_space<vmem>>, vector<16xi32>,
    %get3A_913 = vector.shape_cast %get3A_912 : vector<16xi32> to vector<16xi32>
    %add3A_914 = arith.constant 3 : i32
    %add3A_915 = vector.broadcast %add3A_914 : i32 to vector<16xi32>
    %add3A_916 = arith.addi %get3A_913, %add3A_915 : vector<16xi32>
    %swap3A_917 = arith.constant 160 : index
    %swap3A_918 = tpu.vector_load %arg9[%swap3A_917] {strides = array<i32>} : memref<640xi32, #tpu.memory_space<vmem>>, vector<16xi32>,
    %swap3A_919 = vector.shape_cast %swap3A_918 : vector<16xi32> to vector<16xi32>
    %swap3A_920 = vector.shape_cast %add3A_916 : vector<16xi32> to vector<16xi32>
    tpu.vector_store %arg9[%swap3A_917], %swap3A_920 {strides = array<i32>} : memref<640xi32, #tpu.memory_space<vmem>>, vector<16xi32>,
    %get3A_921 = arith.constant 176 : index
    %get3A_922 = tpu.vector_load %arg8[%get3A_921] {strides = array<i32>} : memref<640xi32, #tpu.memory_space<vmem>>, vector<16xi32>,
    %get3A_923 = vector.shape_cast %get3A_922 : vector<16xi32> to vector<16xi32>
    %add3A_924 = arith.constant 3 : i32
    %add3A_925 = vector.broadcast %add3A_924 : i32 to vector<16xi32>
    %add3A_926 = arith.addi %get3A_923, %add3A_925 : vector<16xi32>
    %swap3A_927 = arith.constant 176 : index
    %swap3A_928 = tpu.vector_load %arg9[%swap3A_927] {strides = array<i32>} : memref<640xi32, #tpu.memory_space<vmem>>, vector<16xi32>,
    %swap3A_929 = vector.shape_cast %swap3A_928 : vector<16xi32> to vector<16xi32>
    %swap3A_930 = vector.shape_cast %add3A_926 : vector<16xi32> to vector<16xi32>
    tpu.vector_store %arg9[%swap3A_927], %swap3A_930 {strides = array<i32>} : memref<640xi32, #tpu.memory_space<vmem>>, vector<16xi32>,
    %get3A_931 = arith.constant 192 : index
    %get3A_932 = tpu.vector_load %arg8[%get3A_931] {strides = array<i32>} : memref<640xi32, #tpu.memory_space<vmem>>, vector<16xi32>,
    %get3A_933 = vector.shape_cast %get3A_932 : vector<16xi32> to vector<16xi32>
    %add3A_934 = arith.constant 3 : i32
    %add3A_935 = vector.broadcast %add3A_934 : i32 to vector<16xi32>
    %add3A_936 = arith.addi %get3A_933, %add3A_935 : vector<16xi32>
    %swap3A_937 = arith.constant 192 : index
    %swap3A_938 = tpu.vector_load %arg9[%swap3A_937] {strides = array<i32>} : memref<640xi32, #tpu.memory_space<vmem>>, vector<16xi32>,
    %swap3A_939 = vector.shape_cast %swap3A_938 : vector<16xi32> to vector<16xi32>
    %swap3A_940 = vector.shape_cast %add3A_936 : vector<16xi32> to vector<16xi32>
    tpu.vector_store %arg9[%swap3A_937], %swap3A_940 {strides = array<i32>} : memref<640xi32, #tpu.memory_space<vmem>>, vector<16xi32>,
    %get3A_941 = arith.constant 208 : index
    %get3A_942 = tpu.vector_load %arg8[%get3A_941] {strides = array<i32>} : memref<640xi32, #tpu.memory_space<vmem>>, vector<16xi32>,
    %get3A_943 = vector.shape_cast %get3A_942 : vector<16xi32> to vector<16xi32>
    %add3A_944 = arith.constant 3 : i32
    %add3A_945 = vector.broadcast %add3A_944 : i32 to vector<16xi32>
    %add3A_946 = arith.addi %get3A_943, %add3A_945 : vector<16xi32>
    %swap3A_947 = arith.constant 208 : index
    %swap3A_948 = tpu.vector_load %arg9[%swap3A_947] {strides = array<i32>} : memref<640xi32, #tpu.memory_space<vmem>>, vector<16xi32>,
    %swap3A_949 = vector.shape_cast %swap3A_948 : vector<16xi32> to vector<16xi32>
    %swap3A_950 = vector.shape_cast %add3A_946 : vector<16xi32> to vector<16xi32>
    tpu.vector_store %arg9[%swap3A_947], %swap3A_950 {strides = array<i32>} : memref<640xi32, #tpu.memory_space<vmem>>, vector<16xi32>,
    %get3A_951 = arith.constant 224 : index
    %get3A_952 = tpu.vector_load %arg8[%get3A_951] {strides = array<i32>} : memref<640xi32, #tpu.memory_space<vmem>>, vector<16xi32>,
    %get3A_953 = vector.shape_cast %get3A_952 : vector<16xi32> to vector<16xi32>
    %add3A_954 = arith.constant 3 : i32
    %add3A_955 = vector.broadcast %add3A_954 : i32 to vector<16xi32>
    %add3A_956 = arith.addi %get3A_953, %add3A_955 : vector<16xi32>
    %swap3A_957 = arith.constant 224 : index
    %swap3A_958 = tpu.vector_load %arg9[%swap3A_957] {strides = array<i32>} : memref<640xi32, #tpu.memory_space<vmem>>, vector<16xi32>,
    %swap3A_959 = vector.shape_cast %swap3A_958 : vector<16xi32> to vector<16xi32>
    %swap3A_960 = vector.shape_cast %add3A_956 : vector<16xi32> to vector<16xi32>
    tpu.vector_store %arg9[%swap3A_957], %swap3A_960 {strides = array<i32>} : memref<640xi32, #tpu.memory_space<vmem>>, vector<16xi32>,
    %get3A_961 = arith.constant 240 : index
    %get3A_962 = tpu.vector_load %arg8[%get3A_961] {strides = array<i32>} : memref<640xi32, #tpu.memory_space<vmem>>, vector<16xi32>,
    %get3A_963 = vector.shape_cast %get3A_962 : vector<16xi32> to vector<16xi32>
    %add3A_964 = arith.constant 3 : i32
    %add3A_965 = vector.broadcast %add3A_964 : i32 to vector<16xi32>
    %add3A_966 = arith.addi %get3A_963, %add3A_965 : vector<16xi32>
    %swap3A_967 = arith.constant 240 : index
    %swap3A_968 = tpu.vector_load %arg9[%swap3A_967] {strides = array<i32>} : memref<640xi32, #tpu.memory_space<vmem>>, vector<16xi32>,
    %swap3A_969 = vector.shape_cast %swap3A_968 : vector<16xi32> to vector<16xi32>
    %swap3A_970 = vector.shape_cast %add3A_966 : vector<16xi32> to vector<16xi32>
    tpu.vector_store %arg9[%swap3A_967], %swap3A_970 {strides = array<i32>} : memref<640xi32, #tpu.memory_space<vmem>>, vector<16xi32>,
    %get3A_971 = arith.constant 256 : index
    %get3A_972 = tpu.vector_load %arg8[%get3A_971] {strides = array<i32>} : memref<640xi32, #tpu.memory_space<vmem>>, vector<16xi32>,
    %get3A_973 = vector.shape_cast %get3A_972 : vector<16xi32> to vector<16xi32>
    %add3A_974 = arith.constant 3 : i32
    %add3A_975 = vector.broadcast %add3A_974 : i32 to vector<16xi32>
    %add3A_976 = arith.addi %get3A_973, %add3A_975 : vector<16xi32>
    %swap3A_977 = arith.constant 256 : index
    %swap3A_978 = tpu.vector_load %arg9[%swap3A_977] {strides = array<i32>} : memref<640xi32, #tpu.memory_space<vmem>>, vector<16xi32>,
    %swap3A_979 = vector.shape_cast %swap3A_978 : vector<16xi32> to vector<16xi32>
    %swap3A_980 = vector.shape_cast %add3A_976 : vector<16xi32> to vector<16xi32>
    tpu.vector_store %arg9[%swap3A_977], %swap3A_980 {strides = array<i32>} : memref<640xi32, #tpu.memory_space<vmem>>, vector<16xi32>,
    %get3A_981 = arith.constant 272 : index
    %get3A_982 = tpu.vector_load %arg8[%get3A_981] {strides = array<i32>} : memref<640xi32, #tpu.memory_space<vmem>>, vector<16xi32>,
    %get3A_983 = vector.shape_cast %get3A_982 : vector<16xi32> to vector<16xi32>
    %add3A_984 = arith.constant 3 : i32
    %add3A_985 = vector.broadcast %add3A_984 : i32 to vector<16xi32>
    %add3A_986 = arith.addi %get3A_983, %add3A_985 : vector<16xi32>
    %swap3A_987 = arith.constant 272 : index
    %swap3A_988 = tpu.vector_load %arg9[%swap3A_987] {strides = array<i32>} : memref<640xi32, #tpu.memory_space<vmem>>, vector<16xi32>,
    %swap3A_989 = vector.shape_cast %swap3A_988 : vector<16xi32> to vector<16xi32>
    %swap3A_990 = vector.shape_cast %add3A_986 : vector<16xi32> to vector<16xi32>
    tpu.vector_store %arg9[%swap3A_987], %swap3A_990 {strides = array<i32>} : memref<640xi32, #tpu.memory_space<vmem>>, vector<16xi32>,
    %get3A_991 = arith.constant 288 : index
    %get3A_992 = tpu.vector_load %arg8[%get3A_991] {strides = array<i32>} : memref<640xi32, #tpu.memory_space<vmem>>, vector<16xi32>,
    %get3A_993 = vector.shape_cast %get3A_992 : vector<16xi32> to vector<16xi32>
    %add3A_994 = arith.constant 3 : i32
    %add3A_995 = vector.broadcast %add3A_994 : i32 to vector<16xi32>
    %add3A_996 = arith.addi %get3A_993, %add3A_995 : vector<16xi32>
    %swap3A_997 = arith.constant 288 : index
    %swap3A_998 = tpu.vector_load %arg9[%swap3A_997] {strides = array<i32>} : memref<640xi32, #tpu.memory_space<vmem>>, vector<16xi32>,
    %swap3A_999 = vector.shape_cast %swap3A_998 : vector<16xi32> to vector<16xi32>
    %swap3A_1000 = vector.shape_cast %add3A_996 : vector<16xi32> to vector<16xi32>
    tpu.vector_store %arg9[%swap3A_997], %swap3A_1000 {strides = array<i32>} : memref<640xi32, #tpu.memory_space<vmem>>, vector<16xi32>,
    %get3A_1001 = arith.constant 304 : index
    %get3A_1002 = tpu.vector_load %arg8[%get3A_1001] {strides = array<i32>} : memref<640xi32, #tpu.memory_space<vmem>>, vector<16xi32>,
    %get3A_1003 = vector.shape_cast %get3A_1002 : vector<16xi32> to vector<16xi32>
    %add3A_1004 = arith.constant 3 : i32
    %add3A_1005 = vector.broadcast %add3A_1004 : i32 to vector<16xi32>
    %add3A_1006 = arith.addi %get3A_1003, %add3A_1005 : vector<16xi32>
    %swap3A_1007 = arith.constant 304 : index
    %swap3A_1008 = tpu.vector_load %arg9[%swap3A_1007] {strides = array<i32>} : memref<640xi32, #tpu.memory_space<vmem>>, vector<16xi32>,
    %swap3A_1009 = vector.shape_cast %swap3A_1008 : vector<16xi32> to vector<16xi32>
    %swap3A_1010 = vector.shape_cast %add3A_1006 : vector<16xi32> to vector<16xi32>
    tpu.vector_store %arg9[%swap3A_1007], %swap3A_1010 {strides = array<i32>} : memref<640xi32, #tpu.memory_space<vmem>>, vector<16xi32>,
    %get3A_1011 = arith.constant 320 : index
    %get3A_1012 = tpu.vector_load %arg8[%get3A_1011] {strides = array<i32>} : memref<640xi32, #tpu.memory_space<vmem>>, vector<16xi32>,
    %get3A_1013 = vector.shape_cast %get3A_1012 : vector<16xi32> to vector<16xi32>
    %add3A_1014 = arith.constant 3 : i32
    %add3A_1015 = vector.broadcast %add3A_1014 : i32 to vector<16xi32>
    %add3A_1016 = arith.addi %get3A_1013, %add3A_1015 : vector<16xi32>
    %swap3A_1017 = arith.constant 320 : index
    %swap3A_1018 = tpu.vector_load %arg9[%swap3A_1017] {strides = array<i32>} : memref<640xi32, #tpu.memory_space<vmem>>, vector<16xi32>,
    %swap3A_1019 = vector.shape_cast %swap3A_1018 : vector<16xi32> to vector<16xi32>
    %swap3A_1020 = vector.shape_cast %add3A_1016 : vector<16xi32> to vector<16xi32>
    tpu.vector_store %arg9[%swap3A_1017], %swap3A_1020 {strides = array<i32>} : memref<640xi32, #tpu.memory_space<vmem>>, vector<16xi32>,
    %get3A_1021 = arith.constant 336 : index
    %get3A_1022 = tpu.vector_load %arg8[%get3A_1021] {strides = array<i32>} : memref<640xi32, #tpu.memory_space<vmem>>, vector<16xi32>,
    %get3A_1023 = vector.shape_cast %get3A_1022 : vector<16xi32> to vector<16xi32>
    %add3A_1024 = arith.constant 3 : i32
    %add3A_1025 = vector.broadcast %add3A_1024 : i32 to vector<16xi32>
    %add3A_1026 = arith.addi %get3A_1023, %add3A_1025 : vector<16xi32>
    %swap3A_1027 = arith.constant 336 : index
    %swap3A_1028 = tpu.vector_load %arg9[%swap3A_1027] {strides = array<i32>} : memref<640xi32, #tpu.memory_space<vmem>>, vector<16xi32>,
    %swap3A_1029 = vector.shape_cast %swap3A_1028 : vector<16xi32> to vector<16xi32>
    %swap3A_1030 = vector.shape_cast %add3A_1026 : vector<16xi32> to vector<16xi32>
    tpu.vector_store %arg9[%swap3A_1027], %swap3A_1030 {strides = array<i32>} : memref<640xi32, #tpu.memory_space<vmem>>, vector<16xi32>,
    %get3A_1031 = arith.constant 352 : index
    %get3A_1032 = tpu.vector_load %arg8[%get3A_1031] {strides = array<i32>} : memref<640xi32, #tpu.memory_space<vmem>>, vector<16xi32>,
    %get3A_1033 = vector.shape_cast %get3A_1032 : vector<16xi32> to vector<16xi32>
    %add3A_1034 = arith.constant 3 : i32
    %add3A_1035 = vector.broadcast %add3A_1034 : i32 to vector<16xi32>
    %add3A_1036 = arith.addi %get3A_1033, %add3A_1035 : vector<16xi32>
    %swap3A_1037 = arith.constant 352 : index
    %swap3A_1038 = tpu.vector_load %arg9[%swap3A_1037] {strides = array<i32>} : memref<640xi32, #tpu.memory_space<vmem>>, vector<16xi32>,
    %swap3A_1039 = vector.shape_cast %swap3A_1038 : vector<16xi32> to vector<16xi32>
    %swap3A_1040 = vector.shape_cast %add3A_1036 : vector<16xi32> to vector<16xi32>
    tpu.vector_store %arg9[%swap3A_1037], %swap3A_1040 {strides = array<i32>} : memref<640xi32, #tpu.memory_space<vmem>>, vector<16xi32>,
    %get3A_1041 = arith.constant 368 : index
    %get3A_1042 = tpu.vector_load %arg8[%get3A_1041] {strides = array<i32>} : memref<640xi32, #tpu.memory_space<vmem>>, vector<16xi32>,
    %get3A_1043 = vector.shape_cast %get3A_1042 : vector<16xi32> to vector<16xi32>
    %add3A_1044 = arith.constant 3 : i32
    %add3A_1045 = vector.broadcast %add3A_1044 : i32 to vector<16xi32>
    %add3A_1046 = arith.addi %get3A_1043, %add3A_1045 : vector<16xi32>
    %swap3A_1047 = arith.constant 368 : index
    %swap3A_1048 = tpu.vector_load %arg9[%swap3A_1047] {strides = array<i32>} : memref<640xi32, #tpu.memory_space<vmem>>, vector<16xi32>,
    %swap3A_1049 = vector.shape_cast %swap3A_1048 : vector<16xi32> to vector<16xi32>
    %swap3A_1050 = vector.shape_cast %add3A_1046 : vector<16xi32> to vector<16xi32>
    tpu.vector_store %arg9[%swap3A_1047], %swap3A_1050 {strides = array<i32>} : memref<640xi32, #tpu.memory_space<vmem>>, vector<16xi32>,
    %get3A_1051 = arith.constant 384 : index
    %get3A_1052 = tpu.vector_load %arg8[%get3A_1051] {strides = array<i32>} : memref<640xi32, #tpu.memory_space<vmem>>, vector<16xi32>,
    %get3A_1053 = vector.shape_cast %get3A_1052 : vector<16xi32> to vector<16xi32>
    %add3A_1054 = arith.constant 3 : i32
    %add3A_1055 = vector.broadcast %add3A_1054 : i32 to vector<16xi32>
    %add3A_1056 = arith.addi %get3A_1053, %add3A_1055 : vector<16xi32>
    %swap3A_1057 = arith.constant 384 : index
    %swap3A_1058 = tpu.vector_load %arg9[%swap3A_1057] {strides = array<i32>} : memref<640xi32, #tpu.memory_space<vmem>>, vector<16xi32>,
    %swap3A_1059 = vector.shape_cast %swap3A_1058 : vector<16xi32> to vector<16xi32>
    %swap3A_1060 = vector.shape_cast %add3A_1056 : vector<16xi32> to vector<16xi32>
    tpu.vector_store %arg9[%swap3A_1057], %swap3A_1060 {strides = array<i32>} : memref<640xi32, #tpu.memory_space<vmem>>, vector<16xi32>,
    %get3A_1061 = arith.constant 400 : index
    %get3A_1062 = tpu.vector_load %arg8[%get3A_1061] {strides = array<i32>} : memref<640xi32, #tpu.memory_space<vmem>>, vector<16xi32>,
    %get3A_1063 = vector.shape_cast %get3A_1062 : vector<16xi32> to vector<16xi32>
    %add3A_1064 = arith.constant 3 : i32
    %add3A_1065 = vector.broadcast %add3A_1064 : i32 to vector<16xi32>
    %add3A_1066 = arith.addi %get3A_1063, %add3A_1065 : vector<16xi32>
    %swap3A_1067 = arith.constant 400 : index
    %swap3A_1068 = tpu.vector_load %arg9[%swap3A_1067] {strides = array<i32>} : memref<640xi32, #tpu.memory_space<vmem>>, vector<16xi32>,
    %swap3A_1069 = vector.shape_cast %swap3A_1068 : vector<16xi32> to vector<16xi32>
    %swap3A_1070 = vector.shape_cast %add3A_1066 : vector<16xi32> to vector<16xi32>
    tpu.vector_store %arg9[%swap3A_1067], %swap3A_1070 {strides = array<i32>} : memref<640xi32, #tpu.memory_space<vmem>>, vector<16xi32>,
    %get3A_1071 = arith.constant 416 : index
    %get3A_1072 = tpu.vector_load %arg8[%get3A_1071] {strides = array<i32>} : memref<640xi32, #tpu.memory_space<vmem>>, vector<16xi32>,
    %get3A_1073 = vector.shape_cast %get3A_1072 : vector<16xi32> to vector<16xi32>
    %add3A_1074 = arith.constant 3 : i32
    %add3A_1075 = vector.broadcast %add3A_1074 : i32 to vector<16xi32>
    %add3A_1076 = arith.addi %get3A_1073, %add3A_1075 : vector<16xi32>
    %swap3A_1077 = arith.constant 416 : index
    %swap3A_1078 = tpu.vector_load %arg9[%swap3A_1077] {strides = array<i32>} : memref<640xi32, #tpu.memory_space<vmem>>, vector<16xi32>,
    %swap3A_1079 = vector.shape_cast %swap3A_1078 : vector<16xi32> to vector<16xi32>
    %swap3A_1080 = vector.shape_cast %add3A_1076 : vector<16xi32> to vector<16xi32>
    tpu.vector_store %arg9[%swap3A_1077], %swap3A_1080 {strides = array<i32>} : memref<640xi32, #tpu.memory_space<vmem>>, vector<16xi32>,
    %get3A_1081 = arith.constant 432 : index
    %get3A_1082 = tpu.vector_load %arg8[%get3A_1081] {strides = array<i32>} : memref<640xi32, #tpu.memory_space<vmem>>, vector<16xi32>,
    %get3A_1083 = vector.shape_cast %get3A_1082 : vector<16xi32> to vector<16xi32>
    %add3A_1084 = arith.constant 3 : i32
    %add3A_1085 = vector.broadcast %add3A_1084 : i32 to vector<16xi32>
    %add3A_1086 = arith.addi %get3A_1083, %add3A_1085 : vector<16xi32>
    %swap3A_1087 = arith.constant 432 : index
    %swap3A_1088 = tpu.vector_load %arg9[%swap3A_1087] {strides = array<i32>} : memref<640xi32, #tpu.memory_space<vmem>>, vector<16xi32>,
    %swap3A_1089 = vector.shape_cast %swap3A_1088 : vector<16xi32> to vector<16xi32>
    %swap3A_1090 = vector.shape_cast %add3A_1086 : vector<16xi32> to vector<16xi32>
    tpu.vector_store %arg9[%swap3A_1087], %swap3A_1090 {strides = array<i32>} : memref<640xi32, #tpu.memory_space<vmem>>, vector<16xi32>,
    %get3A_1091 = arith.constant 448 : index
    %get3A_1092 = tpu.vector_load %arg8[%get3A_1091] {strides = array<i32>} : memref<640xi32, #tpu.memory_space<vmem>>, vector<16xi32>,
    %get3A_1093 = vector.shape_cast %get3A_1092 : vector<16xi32> to vector<16xi32>
    %add3A_1094 = arith.constant 3 : i32
    %add3A_1095 = vector.broadcast %add3A_1094 : i32 to vector<16xi32>
    %add3A_1096 = arith.addi %get3A_1093, %add3A_1095 : vector<16xi32>
    %swap3A_1097 = arith.constant 448 : index
    %swap3A_1098 = tpu.vector_load %arg9[%swap3A_1097] {strides = array<i32>} : memref<640xi32, #tpu.memory_space<vmem>>, vector<16xi32>,
    %swap3A_1099 = vector.shape_cast %swap3A_1098 : vector<16xi32> to vector<16xi32>
    %swap3A_1100 = vector.shape_cast %add3A_1096 : vector<16xi32> to vector<16xi32>
    tpu.vector_store %arg9[%swap3A_1097], %swap3A_1100 {strides = array<i32>} : memref<640xi32, #tpu.memory_space<vmem>>, vector<16xi32>,
    %get3A_1101 = arith.constant 464 : index
    %get3A_1102 = tpu.vector_load %arg8[%get3A_1101] {strides = array<i32>} : memref<640xi32, #tpu.memory_space<vmem>>, vector<16xi32>,
    %get3A_1103 = vector.shape_cast %get3A_1102 : vector<16xi32> to vector<16xi32>
    %add3A_1104 = arith.constant 3 : i32
    %add3A_1105 = vector.broadcast %add3A_1104 : i32 to vector<16xi32>
    %add3A_1106 = arith.addi %get3A_1103, %add3A_1105 : vector<16xi32>
    %swap3A_1107 = arith.constant 464 : index
    %swap3A_1108 = tpu.vector_load %arg9[%swap3A_1107] {strides = array<i32>} : memref<640xi32, #tpu.memory_space<vmem>>, vector<16xi32>,
    %swap3A_1109 = vector.shape_cast %swap3A_1108 : vector<16xi32> to vector<16xi32>
    %swap3A_1110 = vector.shape_cast %add3A_1106 : vector<16xi32> to vector<16xi32>
    tpu.vector_store %arg9[%swap3A_1107], %swap3A_1110 {strides = array<i32>} : memref<640xi32, #tpu.memory_space<vmem>>, vector<16xi32>,
    %get3A_1111 = arith.constant 480 : index
    %get3A_1112 = tpu.vector_load %arg8[%get3A_1111] {strides = array<i32>} : memref<640xi32, #tpu.memory_space<vmem>>, vector<16xi32>,
    %get3A_1113 = vector.shape_cast %get3A_1112 : vector<16xi32> to vector<16xi32>
    %add3A_1114 = arith.constant 3 : i32
    %add3A_1115 = vector.broadcast %add3A_1114 : i32 to vector<16xi32>
    %add3A_1116 = arith.addi %get3A_1113, %add3A_1115 : vector<16xi32>
    %swap3A_1117 = arith.constant 480 : index
    %swap3A_1118 = tpu.vector_load %arg9[%swap3A_1117] {strides = array<i32>} : memref<640xi32, #tpu.memory_space<vmem>>, vector<16xi32>,
    %swap3A_1119 = vector.shape_cast %swap3A_1118 : vector<16xi32> to vector<16xi32>
    %swap3A_1120 = vector.shape_cast %add3A_1116 : vector<16xi32> to vector<16xi32>
    tpu.vector_store %arg9[%swap3A_1117], %swap3A_1120 {strides = array<i32>} : memref<640xi32, #tpu.memory_space<vmem>>, vector<16xi32>,
    %get3A_1121 = arith.constant 496 : index
    %get3A_1122 = tpu.vector_load %arg8[%get3A_1121] {strides = array<i32>} : memref<640xi32, #tpu.memory_space<vmem>>, vector<16xi32>,
    %get3A_1123 = vector.shape_cast %get3A_1122 : vector<16xi32> to vector<16xi32>
    %add3A_1124 = arith.constant 3 : i32
    %add3A_1125 = vector.broadcast %add3A_1124 : i32 to vector<16xi32>
    %add3A_1126 = arith.addi %get3A_1123, %add3A_1125 : vector<16xi32>
    %swap3A_1127 = arith.constant 496 : index
    %swap3A_1128 = tpu.vector_load %arg9[%swap3A_1127] {strides = array<i32>} : memref<640xi32, #tpu.memory_space<vmem>>, vector<16xi32>,
    %swap3A_1129 = vector.shape_cast %swap3A_1128 : vector<16xi32> to vector<16xi32>
    %swap3A_1130 = vector.shape_cast %add3A_1126 : vector<16xi32> to vector<16xi32>
    tpu.vector_store %arg9[%swap3A_1127], %swap3A_1130 {strides = array<i32>} : memref<640xi32, #tpu.memory_space<vmem>>, vector<16xi32>,
    %get3A_1131 = arith.constant 512 : index
    %get3A_1132 = tpu.vector_load %arg8[%get3A_1131] {strides = array<i32>} : memref<640xi32, #tpu.memory_space<vmem>>, vector<16xi32>,
    %get3A_1133 = vector.shape_cast %get3A_1132 : vector<16xi32> to vector<16xi32>
    %add3A_1134 = arith.constant 3 : i32
    %add3A_1135 = vector.broadcast %add3A_1134 : i32 to vector<16xi32>
    %add3A_1136 = arith.addi %get3A_1133, %add3A_1135 : vector<16xi32>
    %swap3A_1137 = arith.constant 512 : index
    %swap3A_1138 = tpu.vector_load %arg9[%swap3A_1137] {strides = array<i32>} : memref<640xi32, #tpu.memory_space<vmem>>, vector<16xi32>,
    %swap3A_1139 = vector.shape_cast %swap3A_1138 : vector<16xi32> to vector<16xi32>
    %swap3A_1140 = vector.shape_cast %add3A_1136 : vector<16xi32> to vector<16xi32>
    tpu.vector_store %arg9[%swap3A_1137], %swap3A_1140 {strides = array<i32>} : memref<640xi32, #tpu.memory_space<vmem>>, vector<16xi32>,
    %get3A_1141 = arith.constant 528 : index
    %get3A_1142 = tpu.vector_load %arg8[%get3A_1141] {strides = array<i32>} : memref<640xi32, #tpu.memory_space<vmem>>, vector<16xi32>,
    %get3A_1143 = vector.shape_cast %get3A_1142 : vector<16xi32> to vector<16xi32>
    %add3A_1144 = arith.constant 3 : i32
    %add3A_1145 = vector.broadcast %add3A_1144 : i32 to vector<16xi32>
    %add3A_1146 = arith.addi %get3A_1143, %add3A_1145 : vector<16xi32>
    %swap3A_1147 = arith.constant 528 : index
    %swap3A_1148 = tpu.vector_load %arg9[%swap3A_1147] {strides = array<i32>} : memref<640xi32, #tpu.memory_space<vmem>>, vector<16xi32>,
    %swap3A_1149 = vector.shape_cast %swap3A_1148 : vector<16xi32> to vector<16xi32>
    %swap3A_1150 = vector.shape_cast %add3A_1146 : vector<16xi32> to vector<16xi32>
    tpu.vector_store %arg9[%swap3A_1147], %swap3A_1150 {strides = array<i32>} : memref<640xi32, #tpu.memory_space<vmem>>, vector<16xi32>,
    %get3A_1151 = arith.constant 544 : index
    %get3A_1152 = tpu.vector_load %arg8[%get3A_1151] {strides = array<i32>} : memref<640xi32, #tpu.memory_space<vmem>>, vector<16xi32>,
    %get3A_1153 = vector.shape_cast %get3A_1152 : vector<16xi32> to vector<16xi32>
    %add3A_1154 = arith.constant 3 : i32
    %add3A_1155 = vector.broadcast %add3A_1154 : i32 to vector<16xi32>
    %add3A_1156 = arith.addi %get3A_1153, %add3A_1155 : vector<16xi32>
    %swap3A_1157 = arith.constant 544 : index
    %swap3A_1158 = tpu.vector_load %arg9[%swap3A_1157] {strides = array<i32>} : memref<640xi32, #tpu.memory_space<vmem>>, vector<16xi32>,
    %swap3A_1159 = vector.shape_cast %swap3A_1158 : vector<16xi32> to vector<16xi32>
    %swap3A_1160 = vector.shape_cast %add3A_1156 : vector<16xi32> to vector<16xi32>
    tpu.vector_store %arg9[%swap3A_1157], %swap3A_1160 {strides = array<i32>} : memref<640xi32, #tpu.memory_space<vmem>>, vector<16xi32>,
    %get3A_1161 = arith.constant 560 : index
    %get3A_1162 = tpu.vector_load %arg8[%get3A_1161] {strides = array<i32>} : memref<640xi32, #tpu.memory_space<vmem>>, vector<16xi32>,
    %get3A_1163 = vector.shape_cast %get3A_1162 : vector<16xi32> to vector<16xi32>
    %add3A_1164 = arith.constant 3 : i32
    %add3A_1165 = vector.broadcast %add3A_1164 : i32 to vector<16xi32>
    %add3A_1166 = arith.addi %get3A_1163, %add3A_1165 : vector<16xi32>
    %swap3A_1167 = arith.constant 560 : index
    %swap3A_1168 = tpu.vector_load %arg9[%swap3A_1167] {strides = array<i32>} : memref<640xi32, #tpu.memory_space<vmem>>, vector<16xi32>,
    %swap3A_1169 = vector.shape_cast %swap3A_1168 : vector<16xi32> to vector<16xi32>
    %swap3A_1170 = vector.shape_cast %add3A_1166 : vector<16xi32> to vector<16xi32>
    tpu.vector_store %arg9[%swap3A_1167], %swap3A_1170 {strides = array<i32>} : memref<640xi32, #tpu.memory_space<vmem>>, vector<16xi32>,
    %get3A_1171 = arith.constant 576 : index
    %get3A_1172 = tpu.vector_load %arg8[%get3A_1171] {strides = array<i32>} : memref<640xi32, #tpu.memory_space<vmem>>, vector<16xi32>,
    %get3A_1173 = vector.shape_cast %get3A_1172 : vector<16xi32> to vector<16xi32>
    %add3A_1174 = arith.constant 3 : i32
    %add3A_1175 = vector.broadcast %add3A_1174 : i32 to vector<16xi32>
    %add3A_1176 = arith.addi %get3A_1173, %add3A_1175 : vector<16xi32>
    %swap3A_1177 = arith.constant 576 : index
    %swap3A_1178 = tpu.vector_load %arg9[%swap3A_1177] {strides = array<i32>} : memref<640xi32, #tpu.memory_space<vmem>>, vector<16xi32>,
    %swap3A_1179 = vector.shape_cast %swap3A_1178 : vector<16xi32> to vector<16xi32>
    %swap3A_1180 = vector.shape_cast %add3A_1176 : vector<16xi32> to vector<16xi32>
    tpu.vector_store %arg9[%swap3A_1177], %swap3A_1180 {strides = array<i32>} : memref<640xi32, #tpu.memory_space<vmem>>, vector<16xi32>,
    %get3A_1181 = arith.constant 592 : index
    %get3A_1182 = tpu.vector_load %arg8[%get3A_1181] {strides = array<i32>} : memref<640xi32, #tpu.memory_space<vmem>>, vector<16xi32>,
    %get3A_1183 = vector.shape_cast %get3A_1182 : vector<16xi32> to vector<16xi32>
    %add3A_1184 = arith.constant 3 : i32
    %add3A_1185 = vector.broadcast %add3A_1184 : i32 to vector<16xi32>
    %add3A_1186 = arith.addi %get3A_1183, %add3A_1185 : vector<16xi32>
    %swap3A_1187 = arith.constant 592 : index
    %swap3A_1188 = tpu.vector_load %arg9[%swap3A_1187] {strides = array<i32>} : memref<640xi32, #tpu.memory_space<vmem>>, vector<16xi32>,
    %swap3A_1189 = vector.shape_cast %swap3A_1188 : vector<16xi32> to vector<16xi32>
    %swap3A_1190 = vector.shape_cast %add3A_1186 : vector<16xi32> to vector<16xi32>
    tpu.vector_store %arg9[%swap3A_1187], %swap3A_1190 {strides = array<i32>} : memref<640xi32, #tpu.memory_space<vmem>>, vector<16xi32>,
    %get3A_1191 = arith.constant 608 : index
    %get3A_1192 = tpu.vector_load %arg8[%get3A_1191] {strides = array<i32>} : memref<640xi32, #tpu.memory_space<vmem>>, vector<16xi32>,
    %get3A_1193 = vector.shape_cast %get3A_1192 : vector<16xi32> to vector<16xi32>
    %add3A_1194 = arith.constant 3 : i32
    %add3A_1195 = vector.broadcast %add3A_1194 : i32 to vector<16xi32>
    %add3A_1196 = arith.addi %get3A_1193, %add3A_1195 : vector<16xi32>
    %swap3A_1197 = arith.constant 608 : index
    %swap3A_1198 = tpu.vector_load %arg9[%swap3A_1197] {strides = array<i32>} : memref<640xi32, #tpu.memory_space<vmem>>, vector<16xi32>,
    %swap3A_1199 = vector.shape_cast %swap3A_1198 : vector<16xi32> to vector<16xi32>
    %swap3A_1200 = vector.shape_cast %add3A_1196 : vector<16xi32> to vector<16xi32>
    tpu.vector_store %arg9[%swap3A_1197], %swap3A_1200 {strides = array<i32>} : memref<640xi32, #tpu.memory_space<vmem>>, vector<16xi32>,
    %get3A_1201 = arith.constant 624 : index
    %get3A_1202 = tpu.vector_load %arg8[%get3A_1201] {strides = array<i32>} : memref<640xi32, #tpu.memory_space<vmem>>, vector<16xi32>,
    %get3A_1203 = vector.shape_cast %get3A_1202 : vector<16xi32> to vector<16xi32>
    %add3A_1204 = arith.constant 3 : i32
    %add3A_1205 = vector.broadcast %add3A_1204 : i32 to vector<16xi32>
    %add3A_1206 = arith.addi %get3A_1203, %add3A_1205 : vector<16xi32>
    %swap3A_1207 = arith.constant 624 : index
    %swap3A_1208 = tpu.vector_load %arg9[%swap3A_1207] {strides = array<i32>} : memref<640xi32, #tpu.memory_space<vmem>>, vector<16xi32>,
    %swap3A_1209 = vector.shape_cast %swap3A_1208 : vector<16xi32> to vector<16xi32>
    %swap3A_1210 = vector.shape_cast %add3A_1206 : vector<16xi32> to vector<16xi32>
    tpu.vector_store %arg9[%swap3A_1207], %swap3A_1210 {strides = array<i32>} : memref<640xi32, #tpu.memory_space<vmem>>, vector<16xi32>,
    %dma_start3A_1211 = arith.constant 0 : i32
    %dma_start3A_1212 = tpu.memref_slice %arg2[%dma_start3A_1211] : memref<6480000xf32, #tpu.memory_space<hbm>> -> memref<6480000xf32, #tpu.memory_space<hbm>>
    tpu.enqueue_indirect_dma source(%dma_start3A_1212 : memref<6480000xf32, #tpu.memory_space<hbm>>) target(%arg13 : memref<640xf32, #tpu.memory_space<vmem>>) offsets(%arg9 : memref<640xi32, #tpu.memory_space<vmem>>) semaphore(%arg17 : memref<!tpu.dma_semaphore, #tpu.memory_space<semaphore_mem>>)
    %dma_wait3A_1213 = arith.constant 0 : i32
    %dma_wait3A_1214 = tpu.memref_slice %arg2[%dma_wait3A_1213] : memref<6480000xf32, #tpu.memory_space<hbm>> -> memref<6480000xf32, #tpu.memory_space<hbm>>
    tpu.wait_indirect_dma semaphore(%arg17 : memref<!tpu.dma_semaphore, #tpu.memory_space<semaphore_mem>>) src(%dma_wait3A_1214 : memref<6480000xf32, #tpu.memory_space<hbm>>) dst(%arg13 : memref<640xf32, #tpu.memory_space<vmem>>)
    "tpu.region"() ({
      %run_scoped3A = tpu.sem_alloc : memref<!tpu.dma_semaphore, #tpu.memory_space<semaphore_mem>>
      %dma_start3A_1215 = tpu.memref_slice %arg4[%mul3A_2] : memref<20480xf32, #tpu.memory_space<hbm>> -> memref<640xf32, #tpu.memory_space<hbm>>
      %dma_start3A_1216 = tpu.memref_slice %arg4[%mul3A_2] : memref<20480xf32, #tpu.memory_space<hbm>> -> memref<640xf32, #tpu.memory_space<hbm>>
      tpu.enqueue_dma source(%arg10 : memref<640xf32, #tpu.memory_space<vmem>>) target(%dma_start3A_1216 : memref<640xf32, #tpu.memory_space<hbm>>) target_semaphore(%run_scoped3A : memref<!tpu.dma_semaphore, #tpu.memory_space<semaphore_mem>>)
      %dma_wait3A_1217 = tpu.memref_slice %arg4[%mul3A_2] : memref<20480xf32, #tpu.memory_space<hbm>> -> memref<640xf32, #tpu.memory_space<hbm>>
      %dma_wait3A_1218 = tpu.memref_slice %arg4[%mul3A_2] : memref<20480xf32, #tpu.memory_space<hbm>> -> memref<640xf32, #tpu.memory_space<hbm>>
      tpu.wait_dma2 semaphore(%run_scoped3A : memref<!tpu.dma_semaphore, #tpu.memory_space<semaphore_mem>>) src(%arg10 : memref<640xf32, #tpu.memory_space<vmem>>) dst(%dma_wait3A_1218 : memref<640xf32, #tpu.memory_space<hbm>>)
      tpu.yield
    }) : () -> ()
    "tpu.region"() ({
      %run_scoped3A = tpu.sem_alloc : memref<!tpu.dma_semaphore, #tpu.memory_space<semaphore_mem>>
      %dma_start3A_1215 = tpu.memref_slice %arg5[%mul3A_2] : memref<20480xf32, #tpu.memory_space<hbm>> -> memref<640xf32, #tpu.memory_space<hbm>>
      %dma_start3A_1216 = tpu.memref_slice %arg5[%mul3A_2] : memref<20480xf32, #tpu.memory_space<hbm>> -> memref<640xf32, #tpu.memory_space<hbm>>
      tpu.enqueue_dma source(%arg11 : memref<640xf32, #tpu.memory_space<vmem>>) target(%dma_start3A_1216 : memref<640xf32, #tpu.memory_space<hbm>>) target_semaphore(%run_scoped3A : memref<!tpu.dma_semaphore, #tpu.memory_space<semaphore_mem>>)
      %dma_wait3A_1217 = tpu.memref_slice %arg5[%mul3A_2] : memref<20480xf32, #tpu.memory_space<hbm>> -> memref<640xf32, #tpu.memory_space<hbm>>
      %dma_wait3A_1218 = tpu.memref_slice %arg5[%mul3A_2] : memref<20480xf32, #tpu.memory_space<hbm>> -> memref<640xf32, #tpu.memory_space<hbm>>
      tpu.wait_dma2 semaphore(%run_scoped3A : memref<!tpu.dma_semaphore, #tpu.memory_space<semaphore_mem>>) src(%arg11 : memref<640xf32, #tpu.memory_space<vmem>>) dst(%dma_wait3A_1218 : memref<640xf32, #tpu.memory_space<hbm>>)
      tpu.yield
    }) : () -> ()
    "tpu.region"() ({
      %run_scoped3A = tpu.sem_alloc : memref<!tpu.dma_semaphore, #tpu.memory_space<semaphore_mem>>
      %dma_start3A_1215 = tpu.memref_slice %arg6[%mul3A_2] : memref<20480xf32, #tpu.memory_space<hbm>> -> memref<640xf32, #tpu.memory_space<hbm>>
      %dma_start3A_1216 = tpu.memref_slice %arg6[%mul3A_2] : memref<20480xf32, #tpu.memory_space<hbm>> -> memref<640xf32, #tpu.memory_space<hbm>>
      tpu.enqueue_dma source(%arg12 : memref<640xf32, #tpu.memory_space<vmem>>) target(%dma_start3A_1216 : memref<640xf32, #tpu.memory_space<hbm>>) target_semaphore(%run_scoped3A : memref<!tpu.dma_semaphore, #tpu.memory_space<semaphore_mem>>)
      %dma_wait3A_1217 = tpu.memref_slice %arg6[%mul3A_2] : memref<20480xf32, #tpu.memory_space<hbm>> -> memref<640xf32, #tpu.memory_space<hbm>>
      %dma_wait3A_1218 = tpu.memref_slice %arg6[%mul3A_2] : memref<20480xf32, #tpu.memory_space<hbm>> -> memref<640xf32, #tpu.memory_space<hbm>>
      tpu.wait_dma2 semaphore(%run_scoped3A : memref<!tpu.dma_semaphore, #tpu.memory_space<semaphore_mem>>) src(%arg12 : memref<640xf32, #tpu.memory_space<vmem>>) dst(%dma_wait3A_1218 : memref<640xf32, #tpu.memory_space<hbm>>)
      tpu.yield
    }) : () -> ()
    "tpu.region"() ({
      %run_scoped3A = tpu.sem_alloc : memref<!tpu.dma_semaphore, #tpu.memory_space<semaphore_mem>>
      %dma_start3A_1215 = tpu.memref_slice %arg7[%mul3A_2] : memref<20480xf32, #tpu.memory_space<hbm>> -> memref<640xf32, #tpu.memory_space<hbm>>
      %dma_start3A_1216 = tpu.memref_slice %arg7[%mul3A_2] : memref<20480xf32, #tpu.memory_space<hbm>> -> memref<640xf32, #tpu.memory_space<hbm>>
      tpu.enqueue_dma source(%arg13 : memref<640xf32, #tpu.memory_space<vmem>>) target(%dma_start3A_1216 : memref<640xf32, #tpu.memory_space<hbm>>) target_semaphore(%run_scoped3A : memref<!tpu.dma_semaphore, #tpu.memory_space<semaphore_mem>>)
      %dma_wait3A_1217 = tpu.memref_slice %arg7[%mul3A_2] : memref<20480xf32, #tpu.memory_space<hbm>> -> memref<640xf32, #tpu.memory_space<hbm>>
      %dma_wait3A_1218 = tpu.memref_slice %arg7[%mul3A_2] : memref<20480xf32, #tpu.memory_space<hbm>> -> memref<640xf32, #tpu.memory_space<hbm>>
      tpu.wait_dma2 semaphore(%run_scoped3A : memref<!tpu.dma_semaphore, #tpu.memory_space<semaphore_mem>>) src(%arg13 : memref<640xf32, #tpu.memory_space<vmem>>) dst(%dma_wait3A_1218 : memref<640xf32, #tpu.memory_space<hbm>>)
      tpu.yield
    }) : () -> ()
    return
  }
}

module attributes {stable_mosaic.version = 14 : i64} {
  func.func @_stage1_kernel(%arg0: i32, %arg1: i32, %arg2: memref<1x1000x81xf32, #tpu.memory_space<vmem>>, %arg3: memref<1x1000x1xf32, #tpu.memory_space<vmem>>, %arg4: memref<1x1000x1xf32, #tpu.memory_space<vmem>>, %arg5: memref<1x1000x1xi32, #tpu.memory_space<vmem>>, %arg6: memref<1x1000x1xi32, #tpu.memory_space<vmem>>) attributes {dimension_semantics = [#tpu.dimension_semantics<arbitrary>, #tpu.dimension_semantics<arbitrary>], iteration_bounds = array<i64: 4, 5>, scalar_prefetch = 0 : i64, scratch_operands = 0 : i64, tpu.core_type = #tpu.core_type<tc>, window_params = [{transform_indices = @transform_0, window_bounds = array<i64: 1, 1000, 81>}, {transform_indices = @transform_1, window_bounds = array<i64: 1, 1000, 1>}, {transform_indices = @transform_2, window_bounds = array<i64: 1, 1000, 1>}, {transform_indices = @transform_3, window_bounds = array<i64: 1, 1000, 1>}, {transform_indices = @transform_4, window_bounds = array<i64: 1, 1000, 1>}]} {
    %get3A = arith.constant 0 : index
    %get3A_0 = arith.constant 0 : index
    %get3A_1 = arith.constant 0 : index
    %get3A_2 = vector.load %arg2[%get3A, %get3A_0, %get3A_1] : memref<1x1000x81xf32, #tpu.memory_space<vmem>>, vector<1x1000x81xf32>
    %get3A_3 = vector.shape_cast %get3A_2 : vector<1x1000x81xf32> to vector<1000x81xf32>
    %reduce_max3A = arith.constant dense<0xFF800000> : vector<1000xf32>
    %reduce_max3A_4 = vector.multi_reduction <maximumf>, %get3A_3, %reduce_max3A [1] : vector<1000x81xf32> to vector<1000xf32>
    %broadcast_in_dim3A = vector.shape_cast %reduce_max3A_4 : vector<1000xf32> to vector<1000x1xf32>
    %sub3A = vector.broadcast %broadcast_in_dim3A : vector<1000x1xf32> to vector<1000x81xf32>
    %sub3A_5 = arith.subf %get3A_3, %sub3A : vector<1000x81xf32>
    %exp3A = math.exp %sub3A_5 : vector<1000x81xf32>
    %reduce_sum3A = arith.constant dense<0.000000e+00> : vector<1000xf32>
    %reduce_sum3A_6 = vector.multi_reduction <add>, %exp3A, %reduce_sum3A [1] : vector<1000x81xf32> to vector<1000xf32>
    %broadcast_in_dim3A_7 = vector.shape_cast %reduce_sum3A_6 : vector<1000xf32> to vector<1000x1xf32>
    %div3A = arith.constant 1.000000e+00 : f32
    %div3A_8 = vector.broadcast %div3A : f32 to vector<1000x1xf32>
    %div3A_9 = arith.divf %div3A_8, %broadcast_in_dim3A_7 : vector<1000x1xf32>
    %iota3A = tpu.iota {dimensions = array<i32: 1>} : vector<1000x81xi32>
    %convert_element_type3A = arith.sitofp %iota3A : vector<1000x81xi32> to vector<1000x81xf32>
    %eq3A = arith.constant 1.000000e+00 : f32
    %eq3A_10 = vector.broadcast %eq3A : f32 to vector<1000x81xf32>
    %eq3A_11 = arith.cmpf oeq, %exp3A, %eq3A_10 : vector<1000x81xf32>
    %jit3A = arith.constant 8.100000e+01 : f32
    %broadcast_in_dim3A_12 = vector.broadcast %jit3A : f32 to vector<1000x81xf32>
    %select_n3A = arith.select %eq3A_11, %convert_element_type3A, %broadcast_in_dim3A_12 : vector<1000x81xi1>, vector<1000x81xf32>
    %reduce_min3A = arith.constant dense<0x7F800000> : vector<1000xf32>
    %reduce_min3A_13 = vector.multi_reduction <minimumf>, %select_n3A, %reduce_min3A [1] : vector<1000x81xf32> to vector<1000xf32>
    %broadcast_in_dim3A_14 = vector.shape_cast %reduce_min3A_13 : vector<1000xf32> to vector<1000x1xf32>
    %mul3A = arith.constant 5 : i32
    %mul3A_15 = arith.muli %arg0, %mul3A : i32
    %add3A = arith.addi %mul3A_15, %arg1 : i32
    %mul3A_16 = arith.constant 1000 : i32
    %mul3A_17 = arith.muli %add3A, %mul3A_16 : i32
    %iota3A_18 = tpu.iota {dimensions = array<i32: 0>} : vector<1000x1xi32>
    %add3A_19 = vector.broadcast %mul3A_17 : i32 to vector<1000x1xi32>
    %add3A_20 = arith.addi %add3A_19, %iota3A_18 : vector<1000x1xi32>
    %mul3A_21 = arith.constant 324 : i32
    %mul3A_22 = vector.broadcast %mul3A_21 : i32 to vector<1000x1xi32>
    %mul3A_23 = arith.muli %add3A_20, %mul3A_22 : vector<1000x1xi32>
    %convert_element_type3A_24 = arith.fptosi %broadcast_in_dim3A_14 : vector<1000x1xf32> to vector<1000x1xi32>
    %mul3A_25 = arith.constant 4 : i32
    %mul3A_26 = vector.broadcast %mul3A_25 : i32 to vector<1000x1xi32>
    %mul3A_27 = arith.muli %convert_element_type3A_24, %mul3A_26 : vector<1000x1xi32>
    %add3A_28 = arith.addi %mul3A_23, %mul3A_27 : vector<1000x1xi32>
    %swap3A = arith.constant 0 : index
    %swap3A_29 = arith.constant 0 : index
    %swap3A_30 = arith.constant 0 : index
    %swap3A_31 = vector.load %arg3[%swap3A, %swap3A_29, %swap3A_30] : memref<1x1000x1xf32, #tpu.memory_space<vmem>>, vector<1x1000x1xf32>
    %swap3A_32 = vector.shape_cast %swap3A_31 : vector<1x1000x1xf32> to vector<1000x1xf32>
    %swap3A_33 = vector.shape_cast %div3A_9 : vector<1000x1xf32> to vector<1x1000x1xf32>
    tpu.vector_store %arg3[%swap3A, %swap3A_29, %swap3A_30], %swap3A_33 {strides = array<i32>} : memref<1x1000x1xf32, #tpu.memory_space<vmem>>, vector<1x1000x1xf32>,
    %swap3A_34 = arith.constant 0 : index
    %swap3A_35 = arith.constant 0 : index
    %swap3A_36 = arith.constant 0 : index
    %swap3A_37 = vector.load %arg4[%swap3A_34, %swap3A_35, %swap3A_36] : memref<1x1000x1xf32, #tpu.memory_space<vmem>>, vector<1x1000x1xf32>
    %swap3A_38 = vector.shape_cast %swap3A_37 : vector<1x1000x1xf32> to vector<1000x1xf32>
    %swap3A_39 = vector.shape_cast %broadcast_in_dim3A_14 : vector<1000x1xf32> to vector<1x1000x1xf32>
    tpu.vector_store %arg4[%swap3A_34, %swap3A_35, %swap3A_36], %swap3A_39 {strides = array<i32>} : memref<1x1000x1xf32, #tpu.memory_space<vmem>>, vector<1x1000x1xf32>,
    %jit3A_40 = arith.constant 128 : i32
    %div3A_41 = vector.broadcast %jit3A_40 : i32 to vector<1000x1xi32>
    %div3A_42 = arith.divsi %add3A_28, %div3A_41 : vector<1000x1xi32>
    %sign3A = arith.constant 0 : i32
    %sign3A_43 = vector.broadcast %sign3A : i32 to vector<1000x1xi32>
    %sign3A_44 = arith.cmpi sgt, %add3A_28, %sign3A_43 : vector<1000x1xi32>
    %sign3A_45 = arith.extui %sign3A_44 : vector<1000x1xi1> to vector<1000x1xi32>
    %sign3A_46 = arith.constant 0 : i32
    %sign3A_47 = vector.broadcast %sign3A_46 : i32 to vector<1000x1xi32>
    %sign3A_48 = arith.cmpi slt, %add3A_28, %sign3A_47 : vector<1000x1xi32>
    %sign3A_49 = arith.extui %sign3A_48 : vector<1000x1xi1> to vector<1000x1xi32>
    %sign3A_50 = arith.subi %sign3A_45, %sign3A_49 : vector<1000x1xi32>
    %sign3A_51 = arith.constant 0 : i32
    %sign3A_52 = arith.cmpi sgt, %jit3A_40, %sign3A_51 : i32
    %sign3A_53 = arith.extui %sign3A_52 : i1 to i32
    %sign3A_54 = arith.constant 0 : i32
    %sign3A_55 = arith.cmpi slt, %jit3A_40, %sign3A_54 : i32
    %sign3A_56 = arith.extui %sign3A_55 : i1 to i32
    %sign3A_57 = arith.subi %sign3A_53, %sign3A_56 : i32
    %ne3A = vector.broadcast %sign3A_57 : i32 to vector<1000x1xi32>
    %ne3A_58 = arith.cmpi ne, %sign3A_50, %ne3A : vector<1000x1xi32>
    %rem3A = vector.broadcast %jit3A_40 : i32 to vector<1000x1xi32>
    %rem3A_59 = arith.remsi %add3A_28, %rem3A : vector<1000x1xi32>
    %ne3A_60 = arith.constant 0 : i32
    %ne3A_61 = vector.broadcast %ne3A_60 : i32 to vector<1000x1xi32>
    %ne3A_62 = arith.cmpi ne, %rem3A_59, %ne3A_61 : vector<1000x1xi32>
    %and3A = arith.andi %ne3A_58, %ne3A_62 : vector<1000x1xi1>
    %sub3A_63 = arith.constant 1 : i32
    %sub3A_64 = vector.broadcast %sub3A_63 : i32 to vector<1000x1xi32>
    %sub3A_65 = arith.subi %div3A_42, %sub3A_64 : vector<1000x1xi32>
    %select_n3A_66 = arith.select %and3A, %sub3A_65, %div3A_42 : vector<1000x1xi1>, vector<1000x1xi32>
    %swap3A_67 = arith.constant 0 : index
    %swap3A_68 = arith.constant 0 : index
    %swap3A_69 = arith.constant 0 : index
    %swap3A_70 = vector.load %arg5[%swap3A_67, %swap3A_68, %swap3A_69] : memref<1x1000x1xi32, #tpu.memory_space<vmem>>, vector<1x1000x1xi32>
    %swap3A_71 = vector.shape_cast %swap3A_70 : vector<1x1000x1xi32> to vector<1000x1xi32>
    %swap3A_72 = vector.shape_cast %select_n3A_66 : vector<1000x1xi32> to vector<1x1000x1xi32>
    tpu.vector_store %arg5[%swap3A_67, %swap3A_68, %swap3A_69], %swap3A_72 {strides = array<i32>} : memref<1x1000x1xi32, #tpu.memory_space<vmem>>, vector<1x1000x1xi32>,
    %jit3A_73 = arith.constant 128 : i32
    %eq3A_74 = arith.constant 0 : i32
    %eq3A_75 = arith.cmpi eq, %jit3A_73, %eq3A_74 : i32
    %jit3A_76 = arith.constant 1 : i32
    %select_n3A_77 = arith.select %eq3A_75, %jit3A_76, %jit3A_73 : i32
    %rem3A_78 = vector.broadcast %select_n3A_77 : i32 to vector<1000x1xi32>
    %rem3A_79 = arith.remsi %add3A_28, %rem3A_78 : vector<1000x1xi32>
    %ne3A_80 = arith.constant 0 : i32
    %ne3A_81 = vector.broadcast %ne3A_80 : i32 to vector<1000x1xi32>
    %ne3A_82 = arith.cmpi ne, %rem3A_79, %ne3A_81 : vector<1000x1xi32>
    %lt3A = arith.constant 0 : i32
    %lt3A_83 = vector.broadcast %lt3A : i32 to vector<1000x1xi32>
    %lt3A_84 = arith.cmpi slt, %rem3A_79, %lt3A_83 : vector<1000x1xi32>
    %lt3A_85 = arith.constant 0 : i32
    %lt3A_86 = arith.cmpi slt, %select_n3A_77, %lt3A_85 : i32
    %ne3A_87 = vector.broadcast %lt3A_86 : i1 to vector<1000x1xi1>
    %ne3A_88 = vector.broadcast %ne3A_87 : vector<1000x1xi1> to vector<1000x1xi1>
    %ne3A_89 = arith.xori %lt3A_84, %ne3A_88 : vector<1000x1xi1>
    %and3A_90 = arith.andi %ne3A_89, %ne3A_82 : vector<1000x1xi1>
    %add3A_91 = vector.broadcast %select_n3A_77 : i32 to vector<1000x1xi32>
    %add3A_92 = arith.addi %rem3A_79, %add3A_91 : vector<1000x1xi32>
    %select_n3A_93 = arith.select %and3A_90, %add3A_92, %rem3A_79 : vector<1000x1xi1>, vector<1000x1xi32>
    %swap3A_94 = arith.constant 0 : index
    %swap3A_95 = arith.constant 0 : index
    %swap3A_96 = arith.constant 0 : index
    %swap3A_97 = vector.load %arg6[%swap3A_94, %swap3A_95, %swap3A_96] : memref<1x1000x1xi32, #tpu.memory_space<vmem>>, vector<1x1000x1xi32>
    %swap3A_98 = vector.shape_cast %swap3A_97 : vector<1x1000x1xi32> to vector<1000x1xi32>
    %swap3A_99 = vector.shape_cast %select_n3A_93 : vector<1000x1xi32> to vector<1x1000x1xi32>
    tpu.vector_store %arg6[%swap3A_94, %swap3A_95, %swap3A_96], %swap3A_99 {strides = array<i32>} : memref<1x1000x1xi32, #tpu.memory_space<vmem>>, vector<1x1000x1xi32>,
    return
  }
  func.func @transform_0(%arg0: i32, %arg1: i32) -> (i32, i32, i32) {
    %c0_i32 = arith.constant 0 : i32
    %c0_i32_0 = arith.constant 0 : i32
    return %arg0, %arg1, %c0_i32 : i32, i32, i32
  }
  func.func @transform_1(%arg0: i32, %arg1: i32) -> (i32, i32, i32) {
    %c0_i32 = arith.constant 0 : i32
    %c0_i32_0 = arith.constant 0 : i32
    return %arg0, %arg1, %c0_i32 : i32, i32, i32
  }
  func.func @transform_2(%arg0: i32, %arg1: i32) -> (i32, i32, i32) {
    %c0_i32 = arith.constant 0 : i32
    %c0_i32_0 = arith.constant 0 : i32
    return %arg0, %arg1, %c0_i32 : i32, i32, i32
  }
  func.func @transform_3(%arg0: i32, %arg1: i32) -> (i32, i32, i32) {
    %c0_i32 = arith.constant 0 : i32
    %c0_i32_0 = arith.constant 0 : i32
    return %arg0, %arg1, %c0_i32 : i32, i32, i32
  }
  func.func @transform_4(%arg0: i32, %arg1: i32) -> (i32, i32, i32) {
    %c0_i32 = arith.constant 0 : i32
    %c0_i32_0 = arith.constant 0 : i32
    return %arg0, %arg1, %c0_i32 : i32, i32, i32
  }
}

module attributes {stable_mosaic.version = 14 : i64} {
  func.func @_stage2_kernel(%arg0: memref<40x512xf32, #tpu.memory_space<vmem>>, %arg1: memref<40x512xf32, #tpu.memory_space<vmem>>, %arg2: memref<40x512xf32, #tpu.memory_space<vmem>>, %arg3: memref<40x512xf32, #tpu.memory_space<vmem>>, %arg4: memref<40x512xf32, #tpu.memory_space<vmem>>, %arg5: memref<40x512xf32, #tpu.memory_space<vmem>>, %arg6: memref<40x512xf32, #tpu.memory_space<vmem>>, %arg7: memref<40x512xf32, #tpu.memory_space<vmem>>, %arg8: memref<40x512xf32, #tpu.memory_space<vmem>>, %arg9: memref<40x512xf32, #tpu.memory_space<vmem>>, %arg10: memref<1x512xf32, #tpu.memory_space<vmem>>, %arg11: memref<1x512xf32, #tpu.memory_space<vmem>>, %arg12: memref<4x100x4xf32, #tpu.memory_space<vmem>>, %arg13: memref<4x1x100xf32, #tpu.memory_space<vmem>>, %arg14: memref<4x1x100xi32, #tpu.memory_space<vmem>>) attributes {dimension_semantics = [], scalar_prefetch = 0 : i64, scratch_operands = 0 : i64, tpu.core_type = #tpu.core_type<tc>} {
    %get3A = arith.constant 0 : index
    %get3A_0 = arith.constant 0 : index
    %get3A_1 = vector.load %arg0[%get3A, %get3A_0] : memref<40x512xf32, #tpu.memory_space<vmem>>, vector<40x512xf32>
    %get3A_2 = arith.constant 0 : index
    %get3A_3 = arith.constant 0 : index
    %get3A_4 = vector.load %arg1[%get3A_2, %get3A_3] : memref<40x512xf32, #tpu.memory_space<vmem>>, vector<40x512xf32>
    %get3A_5 = arith.constant 0 : index
    %get3A_6 = arith.constant 0 : index
    %get3A_7 = vector.load %arg6[%get3A_5, %get3A_6] : memref<40x512xf32, #tpu.memory_space<vmem>>, vector<40x512xf32>
    %get3A_8 = arith.constant 0 : index
    %get3A_9 = arith.constant 0 : index
    %get3A_10 = vector.load %arg7[%get3A_8, %get3A_9] : memref<40x512xf32, #tpu.memory_space<vmem>>, vector<40x512xf32>
    %get3A_11 = arith.constant 0 : index
    %get3A_12 = arith.constant 0 : index
    %get3A_13 = vector.load %arg8[%get3A_11, %get3A_12] : memref<40x512xf32, #tpu.memory_space<vmem>>, vector<40x512xf32>
    %get3A_14 = arith.constant 0 : index
    %get3A_15 = arith.constant 0 : index
    %get3A_16 = vector.load %arg9[%get3A_14, %get3A_15] : memref<40x512xf32, #tpu.memory_space<vmem>>, vector<40x512xf32>
    %sub3A = arith.subf %get3A_13, %get3A_7 : vector<40x512xf32>
    %sub3A_17 = arith.subf %get3A_16, %get3A_10 : vector<40x512xf32>
    %mul3A = arith.constant 5.000000e-01 : f32
    %mul3A_18 = vector.broadcast %mul3A : f32 to vector<40x512xf32>
    %mul3A_19 = arith.mulf %mul3A_18, %sub3A : vector<40x512xf32>
    %add3A = arith.addf %get3A_7, %mul3A_19 : vector<40x512xf32>
    %mul3A_20 = arith.constant 5.000000e-01 : f32
    %mul3A_21 = vector.broadcast %mul3A_20 : f32 to vector<40x512xf32>
    %mul3A_22 = arith.mulf %mul3A_21, %sub3A_17 : vector<40x512xf32>
    %add3A_23 = arith.addf %get3A_10, %mul3A_22 : vector<40x512xf32>
    %get3A_24 = arith.constant 0 : index
    %get3A_25 = arith.constant 0 : index
    %get3A_26 = vector.load %arg2[%get3A_24, %get3A_25] : memref<40x512xf32, #tpu.memory_space<vmem>>, vector<40x512xf32>
    %get3A_27 = arith.constant 0 : index
    %get3A_28 = arith.constant 0 : index
    %get3A_29 = vector.load %arg3[%get3A_27, %get3A_28] : memref<40x512xf32, #tpu.memory_space<vmem>>, vector<40x512xf32>
    %get3A_30 = arith.constant 0 : index
    %get3A_31 = arith.constant 0 : index
    %get3A_32 = vector.load %arg4[%get3A_30, %get3A_31] : memref<40x512xf32, #tpu.memory_space<vmem>>, vector<40x512xf32>
    %min3A = arith.constant 4.13516665 : f32
    %min3A_33 = vector.broadcast %min3A : f32 to vector<40x512xf32>
    %min3A_34 = arith.minimumf %get3A_32, %min3A_33 : vector<40x512xf32>
    %get3A_35 = arith.constant 0 : index
    %get3A_36 = arith.constant 0 : index
    %get3A_37 = vector.load %arg5[%get3A_35, %get3A_36] : memref<40x512xf32, #tpu.memory_space<vmem>>, vector<40x512xf32>
    %min3A_38 = arith.constant 4.13516665 : f32
    %min3A_39 = vector.broadcast %min3A_38 : f32 to vector<40x512xf32>
    %min3A_40 = arith.minimumf %get3A_37, %min3A_39 : vector<40x512xf32>
    %mul3A_41 = arith.mulf %get3A_26, %sub3A : vector<40x512xf32>
    %add3A_42 = arith.addf %mul3A_41, %add3A : vector<40x512xf32>
    %mul3A_43 = arith.mulf %get3A_29, %sub3A_17 : vector<40x512xf32>
    %add3A_44 = arith.addf %mul3A_43, %add3A_23 : vector<40x512xf32>
    %exp3A = math.exp %min3A_34 : vector<40x512xf32>
    %mul3A_45 = arith.mulf %exp3A, %sub3A : vector<40x512xf32>
    %exp3A_46 = math.exp %min3A_40 : vector<40x512xf32>
    %mul3A_47 = arith.mulf %exp3A_46, %sub3A_17 : vector<40x512xf32>
    %mul3A_48 = arith.constant 5.000000e-01 : f32
    %mul3A_49 = vector.broadcast %mul3A_48 : f32 to vector<40x512xf32>
    %mul3A_50 = arith.mulf %mul3A_49, %mul3A_45 : vector<40x512xf32>
    %sub3A_51 = arith.subf %add3A_42, %mul3A_50 : vector<40x512xf32>
    %mul3A_52 = arith.constant 5.000000e-01 : f32
    %mul3A_53 = vector.broadcast %mul3A_52 : f32 to vector<40x512xf32>
    %mul3A_54 = arith.mulf %mul3A_53, %mul3A_47 : vector<40x512xf32>
    %sub3A_55 = arith.subf %add3A_44, %mul3A_54 : vector<40x512xf32>
    %mul3A_56 = arith.constant 5.000000e-01 : f32
    %mul3A_57 = vector.broadcast %mul3A_56 : f32 to vector<40x512xf32>
    %mul3A_58 = arith.mulf %mul3A_57, %mul3A_45 : vector<40x512xf32>
    %add3A_59 = arith.addf %add3A_42, %mul3A_58 : vector<40x512xf32>
    %mul3A_60 = arith.constant 5.000000e-01 : f32
    %mul3A_61 = vector.broadcast %mul3A_60 : f32 to vector<40x512xf32>
    %mul3A_62 = arith.mulf %mul3A_61, %mul3A_47 : vector<40x512xf32>
    %add3A_63 = arith.addf %add3A_44, %mul3A_62 : vector<40x512xf32>
    %get3A_64 = arith.constant 0 : index
    %get3A_65 = arith.constant 0 : index
    %get3A_66 = vector.load %arg10[%get3A_64, %get3A_65] : memref<1x512xf32, #tpu.memory_space<vmem>>, vector<1x512xf32>
    %get3A_67 = arith.constant 0 : index
    %get3A_68 = arith.constant 0 : index
    %get3A_69 = vector.load %arg11[%get3A_67, %get3A_68] : memref<1x512xf32, #tpu.memory_space<vmem>>, vector<1x512xf32>
    %jit3A = arith.constant 0.000000e+00 : f32
    %max3A = vector.broadcast %jit3A : f32 to vector<40x512xf32>
    %max3A_70 = arith.maximumf %max3A, %sub3A_51 : vector<40x512xf32>
    %min3A_71 = vector.broadcast %get3A_69 : vector<1x512xf32> to vector<40x512xf32>
    %min3A_72 = arith.minimumf %min3A_71, %max3A_70 : vector<40x512xf32>
    %jit3A_73 = arith.constant 0.000000e+00 : f32
    %max3A_74 = vector.broadcast %jit3A_73 : f32 to vector<40x512xf32>
    %max3A_75 = arith.maximumf %max3A_74, %sub3A_55 : vector<40x512xf32>
    %min3A_76 = vector.broadcast %get3A_66 : vector<1x512xf32> to vector<40x512xf32>
    %min3A_77 = arith.minimumf %min3A_76, %max3A_75 : vector<40x512xf32>
    %jit3A_78 = arith.constant 0.000000e+00 : f32
    %max3A_79 = vector.broadcast %jit3A_78 : f32 to vector<40x512xf32>
    %max3A_80 = arith.maximumf %max3A_79, %add3A_59 : vector<40x512xf32>
    %min3A_81 = vector.broadcast %get3A_69 : vector<1x512xf32> to vector<40x512xf32>
    %min3A_82 = arith.minimumf %min3A_81, %max3A_80 : vector<40x512xf32>
    %jit3A_83 = arith.constant 0.000000e+00 : f32
    %max3A_84 = vector.broadcast %jit3A_83 : f32 to vector<40x512xf32>
    %max3A_85 = arith.maximumf %max3A_84, %add3A_63 : vector<40x512xf32>
    %min3A_86 = vector.broadcast %get3A_66 : vector<1x512xf32> to vector<40x512xf32>
    %min3A_87 = arith.minimumf %min3A_86, %max3A_85 : vector<40x512xf32>
    %gt3A = arith.constant 0.000000e+00 : f32
    %gt3A_88 = vector.broadcast %gt3A : f32 to vector<40x512xf32>
    %gt3A_89 = arith.cmpf ogt, %get3A_4, %gt3A_88 : vector<40x512xf32>
    %gt3A_90 = arith.constant 5.000000e-02 : f32
    %gt3A_91 = vector.broadcast %gt3A_90 : f32 to vector<40x512xf32>
    %gt3A_92 = arith.cmpf ogt, %get3A_1, %gt3A_91 : vector<40x512xf32>
    %and3A = arith.andi %gt3A_89, %gt3A_92 : vector<40x512xi1>
    %jit3A_93 = arith.constant -1.000000e+00 : f32
    %broadcast_in_dim3A = vector.broadcast %jit3A_93 : f32 to vector<40x512xf32>
    %select_n3A = arith.select %and3A, %get3A_1, %broadcast_in_dim3A : vector<40x512xi1>, vector<40x512xf32>
    %iota3A = tpu.iota {dimensions = array<i32: 1>} : vector<8x128xi32>
    %convert_element_type3A = arith.sitofp %iota3A : vector<8x128xi32> to vector<8x128xf32>
    %iota3A_94 = tpu.iota {dimensions = array<i32: 0>} : vector<8x128xi32>
    %convert_element_type3A_95 = arith.sitofp %iota3A_94 : vector<8x128xi32> to vector<8x128xf32>
    %iota3A_96 = tpu.iota {dimensions = array<i32: 0>} : vector<40x128xi32>
    %mul3A_97 = arith.constant 128 : i32
    %mul3A_98 = vector.broadcast %mul3A_97 : i32 to vector<40x128xi32>
    %mul3A_99 = arith.muli %iota3A_96, %mul3A_98 : vector<40x128xi32>
    %iota3A_100 = tpu.iota {dimensions = array<i32: 1>} : vector<40x128xi32>
    %add3A_101 = arith.addi %mul3A_99, %iota3A_100 : vector<40x128xi32>
    %convert_element_type3A_102 = arith.sitofp %add3A_101 : vector<40x128xi32> to vector<40x128xf32>
    %slice3A = vector.extract_strided_slice %min3A_72 {offsets = [0, 0], sizes = [40, 128], strides = [1, 1]} : vector<40x512xf32> to vector<40x128xf32>
    %reduce_max3A = vector.shape_cast %slice3A : vector<40x128xf32> to vector<1x40x128xf32>
    %reduce_max3A_103 = arith.constant dense<0xFF800000> : vector<1xf32>
    %reduce_max3A_104 = vector.multi_reduction <maximumf>, %reduce_max3A, %reduce_max3A_103 [1, 2] : vector<1x40x128xf32> to vector<1xf32>
    %reduce_max3A_105 = vector.shape_cast %reduce_max3A_104 : vector<1xf32> to vector<1x1x1xf32>
    %reduce_max3A_106 = vector.extract %reduce_max3A_105[0, 0, 0] : f32 from vector<1x1x1xf32>
    %slice3A_107 = vector.extract_strided_slice %min3A_77 {offsets = [0, 0], sizes = [40, 128], strides = [1, 1]} : vector<40x512xf32> to vector<40x128xf32>
    %reduce_max3A_108 = vector.shape_cast %slice3A_107 : vector<40x128xf32> to vector<1x40x128xf32>
    %reduce_max3A_109 = arith.constant dense<0xFF800000> : vector<1xf32>
    %reduce_max3A_110 = vector.multi_reduction <maximumf>, %reduce_max3A_108, %reduce_max3A_109 [1, 2] : vector<1x40x128xf32> to vector<1xf32>
    %reduce_max3A_111 = vector.shape_cast %reduce_max3A_110 : vector<1xf32> to vector<1x1x1xf32>
    %reduce_max3A_112 = vector.extract %reduce_max3A_111[0, 0, 0] : f32 from vector<1x1x1xf32>
    %max3A_113 = arith.maximumf %reduce_max3A_106, %reduce_max3A_112 : f32
    %slice3A_114 = vector.extract_strided_slice %min3A_82 {offsets = [0, 0], sizes = [40, 128], strides = [1, 1]} : vector<40x512xf32> to vector<40x128xf32>
    %reduce_max3A_115 = vector.shape_cast %slice3A_114 : vector<40x128xf32> to vector<1x40x128xf32>
    %reduce_max3A_116 = arith.constant dense<0xFF800000> : vector<1xf32>
    %reduce_max3A_117 = vector.multi_reduction <maximumf>, %reduce_max3A_115, %reduce_max3A_116 [1, 2] : vector<1x40x128xf32> to vector<1xf32>
    %reduce_max3A_118 = vector.shape_cast %reduce_max3A_117 : vector<1xf32> to vector<1x1x1xf32>
    %reduce_max3A_119 = vector.extract %reduce_max3A_118[0, 0, 0] : f32 from vector<1x1x1xf32>
    %slice3A_120 = vector.extract_strided_slice %min3A_87 {offsets = [0, 0], sizes = [40, 128], strides = [1, 1]} : vector<40x512xf32> to vector<40x128xf32>
    %reduce_max3A_121 = vector.shape_cast %slice3A_120 : vector<40x128xf32> to vector<1x40x128xf32>
    %reduce_max3A_122 = arith.constant dense<0xFF800000> : vector<1xf32>
    %reduce_max3A_123 = vector.multi_reduction <maximumf>, %reduce_max3A_121, %reduce_max3A_122 [1, 2] : vector<1x40x128xf32> to vector<1xf32>
    %reduce_max3A_124 = vector.shape_cast %reduce_max3A_123 : vector<1xf32> to vector<1x1x1xf32>
    %reduce_max3A_125 = vector.extract %reduce_max3A_124[0, 0, 0] : f32 from vector<1x1x1xf32>
    %max3A_126 = arith.maximumf %reduce_max3A_119, %reduce_max3A_125 : f32
    %max3A_127 = arith.maximumf %max3A_113, %max3A_126 : f32
    %slice3A_128 = vector.extract_strided_slice %get3A_4 {offsets = [0, 0], sizes = [40, 128], strides = [1, 1]} : vector<40x512xf32> to vector<40x128xf32>
    %add3A_129 = arith.constant 1.000000e+00 : f32
    %add3A_130 = arith.addf %max3A_127, %add3A_129 : f32
    %mul3A_131 = vector.broadcast %add3A_130 : f32 to vector<40x128xf32>
    %mul3A_132 = arith.mulf %slice3A_128, %mul3A_131 : vector<40x128xf32>
    %slice3A_133 = vector.extract_strided_slice %min3A_72 {offsets = [0, 0], sizes = [40, 128], strides = [1, 1]} : vector<40x512xf32> to vector<40x128xf32>
    %add3A_134 = arith.addf %slice3A_133, %mul3A_132 : vector<40x128xf32>
    %slice3A_135 = vector.extract_strided_slice %min3A_77 {offsets = [0, 0], sizes = [40, 128], strides = [1, 1]} : vector<40x512xf32> to vector<40x128xf32>
    %add3A_136 = arith.addf %slice3A_135, %mul3A_132 : vector<40x128xf32>
    %slice3A_137 = vector.extract_strided_slice %min3A_82 {offsets = [0, 0], sizes = [40, 128], strides = [1, 1]} : vector<40x512xf32> to vector<40x128xf32>
    %add3A_138 = arith.addf %slice3A_137, %mul3A_132 : vector<40x128xf32>
    %slice3A_139 = vector.extract_strided_slice %min3A_87 {offsets = [0, 0], sizes = [40, 128], strides = [1, 1]} : vector<40x512xf32> to vector<40x128xf32>
    %add3A_140 = arith.addf %slice3A_139, %mul3A_132 : vector<40x128xf32>
    %sub3A_141 = arith.subf %add3A_138, %add3A_134 : vector<40x128xf32>
    %sub3A_142 = arith.subf %add3A_140, %add3A_136 : vector<40x128xf32>
    %mul3A_143 = arith.mulf %sub3A_141, %sub3A_142 : vector<40x128xf32>
    %slice3A_144 = vector.extract_strided_slice %select_n3A {offsets = [0, 0], sizes = [40, 128], strides = [1, 1]} : vector<40x512xf32> to vector<40x128xf32>
    %slice3A_145 = vector.extract_strided_slice %min3A_72 {offsets = [0, 128], sizes = [40, 128], strides = [1, 1]} : vector<40x512xf32> to vector<40x128xf32>
    %reduce_max3A_146 = vector.shape_cast %slice3A_145 : vector<40x128xf32> to vector<1x40x128xf32>
    %reduce_max3A_147 = arith.constant dense<0xFF800000> : vector<1xf32>
    %reduce_max3A_148 = vector.multi_reduction <maximumf>, %reduce_max3A_146, %reduce_max3A_147 [1, 2] : vector<1x40x128xf32> to vector<1xf32>
    %reduce_max3A_149 = vector.shape_cast %reduce_max3A_148 : vector<1xf32> to vector<1x1x1xf32>
    %reduce_max3A_150 = vector.extract %reduce_max3A_149[0, 0, 0] : f32 from vector<1x1x1xf32>
    %slice3A_151 = vector.extract_strided_slice %min3A_77 {offsets = [0, 128], sizes = [40, 128], strides = [1, 1]} : vector<40x512xf32> to vector<40x128xf32>
    %reduce_max3A_152 = vector.shape_cast %slice3A_151 : vector<40x128xf32> to vector<1x40x128xf32>
    %reduce_max3A_153 = arith.constant dense<0xFF800000> : vector<1xf32>
    %reduce_max3A_154 = vector.multi_reduction <maximumf>, %reduce_max3A_152, %reduce_max3A_153 [1, 2] : vector<1x40x128xf32> to vector<1xf32>
    %reduce_max3A_155 = vector.shape_cast %reduce_max3A_154 : vector<1xf32> to vector<1x1x1xf32>
    %reduce_max3A_156 = vector.extract %reduce_max3A_155[0, 0, 0] : f32 from vector<1x1x1xf32>
    %max3A_157 = arith.maximumf %reduce_max3A_150, %reduce_max3A_156 : f32
    %slice3A_158 = vector.extract_strided_slice %min3A_82 {offsets = [0, 128], sizes = [40, 128], strides = [1, 1]} : vector<40x512xf32> to vector<40x128xf32>
    %reduce_max3A_159 = vector.shape_cast %slice3A_158 : vector<40x128xf32> to vector<1x40x128xf32>
    %reduce_max3A_160 = arith.constant dense<0xFF800000> : vector<1xf32>
    %reduce_max3A_161 = vector.multi_reduction <maximumf>, %reduce_max3A_159, %reduce_max3A_160 [1, 2] : vector<1x40x128xf32> to vector<1xf32>
    %reduce_max3A_162 = vector.shape_cast %reduce_max3A_161 : vector<1xf32> to vector<1x1x1xf32>
    %reduce_max3A_163 = vector.extract %reduce_max3A_162[0, 0, 0] : f32 from vector<1x1x1xf32>
    %slice3A_164 = vector.extract_strided_slice %min3A_87 {offsets = [0, 128], sizes = [40, 128], strides = [1, 1]} : vector<40x512xf32> to vector<40x128xf32>
    %reduce_max3A_165 = vector.shape_cast %slice3A_164 : vector<40x128xf32> to vector<1x40x128xf32>
    %reduce_max3A_166 = arith.constant dense<0xFF800000> : vector<1xf32>
    %reduce_max3A_167 = vector.multi_reduction <maximumf>, %reduce_max3A_165, %reduce_max3A_166 [1, 2] : vector<1x40x128xf32> to vector<1xf32>
    %reduce_max3A_168 = vector.shape_cast %reduce_max3A_167 : vector<1xf32> to vector<1x1x1xf32>
    %reduce_max3A_169 = vector.extract %reduce_max3A_168[0, 0, 0] : f32 from vector<1x1x1xf32>
    %max3A_170 = arith.maximumf %reduce_max3A_163, %reduce_max3A_169 : f32
    %max3A_171 = arith.maximumf %max3A_157, %max3A_170 : f32
    %slice3A_172 = vector.extract_strided_slice %get3A_4 {offsets = [0, 128], sizes = [40, 128], strides = [1, 1]} : vector<40x512xf32> to vector<40x128xf32>
    %add3A_173 = arith.constant 1.000000e+00 : f32
    %add3A_174 = arith.addf %max3A_171, %add3A_173 : f32
    %mul3A_175 = vector.broadcast %add3A_174 : f32 to vector<40x128xf32>
    %mul3A_176 = arith.mulf %slice3A_172, %mul3A_175 : vector<40x128xf32>
    %slice3A_177 = vector.extract_strided_slice %min3A_72 {offsets = [0, 128], sizes = [40, 128], strides = [1, 1]} : vector<40x512xf32> to vector<40x128xf32>
    %add3A_178 = arith.addf %slice3A_177, %mul3A_176 : vector<40x128xf32>
    %slice3A_179 = vector.extract_strided_slice %min3A_77 {offsets = [0, 128], sizes = [40, 128], strides = [1, 1]} : vector<40x512xf32> to vector<40x128xf32>
    %add3A_180 = arith.addf %slice3A_179, %mul3A_176 : vector<40x128xf32>
    %slice3A_181 = vector.extract_strided_slice %min3A_82 {offsets = [0, 128], sizes = [40, 128], strides = [1, 1]} : vector<40x512xf32> to vector<40x128xf32>
    %add3A_182 = arith.addf %slice3A_181, %mul3A_176 : vector<40x128xf32>
    %slice3A_183 = vector.extract_strided_slice %min3A_87 {offsets = [0, 128], sizes = [40, 128], strides = [1, 1]} : vector<40x512xf32> to vector<40x128xf32>
    %add3A_184 = arith.addf %slice3A_183, %mul3A_176 : vector<40x128xf32>
    %sub3A_185 = arith.subf %add3A_182, %add3A_178 : vector<40x128xf32>
    %sub3A_186 = arith.subf %add3A_184, %add3A_180 : vector<40x128xf32>
    %mul3A_187 = arith.mulf %sub3A_185, %sub3A_186 : vector<40x128xf32>
    %slice3A_188 = vector.extract_strided_slice %select_n3A {offsets = [0, 128], sizes = [40, 128], strides = [1, 1]} : vector<40x512xf32> to vector<40x128xf32>
    %slice3A_189 = vector.extract_strided_slice %min3A_72 {offsets = [0, 256], sizes = [40, 128], strides = [1, 1]} : vector<40x512xf32> to vector<40x128xf32>
    %reduce_max3A_190 = vector.shape_cast %slice3A_189 : vector<40x128xf32> to vector<1x40x128xf32>
    %reduce_max3A_191 = arith.constant dense<0xFF800000> : vector<1xf32>
    %reduce_max3A_192 = vector.multi_reduction <maximumf>, %reduce_max3A_190, %reduce_max3A_191 [1, 2] : vector<1x40x128xf32> to vector<1xf32>
    %reduce_max3A_193 = vector.shape_cast %reduce_max3A_192 : vector<1xf32> to vector<1x1x1xf32>
    %reduce_max3A_194 = vector.extract %reduce_max3A_193[0, 0, 0] : f32 from vector<1x1x1xf32>
    %slice3A_195 = vector.extract_strided_slice %min3A_77 {offsets = [0, 256], sizes = [40, 128], strides = [1, 1]} : vector<40x512xf32> to vector<40x128xf32>
    %reduce_max3A_196 = vector.shape_cast %slice3A_195 : vector<40x128xf32> to vector<1x40x128xf32>
    %reduce_max3A_197 = arith.constant dense<0xFF800000> : vector<1xf32>
    %reduce_max3A_198 = vector.multi_reduction <maximumf>, %reduce_max3A_196, %reduce_max3A_197 [1, 2] : vector<1x40x128xf32> to vector<1xf32>
    %reduce_max3A_199 = vector.shape_cast %reduce_max3A_198 : vector<1xf32> to vector<1x1x1xf32>
    %reduce_max3A_200 = vector.extract %reduce_max3A_199[0, 0, 0] : f32 from vector<1x1x1xf32>
    %max3A_201 = arith.maximumf %reduce_max3A_194, %reduce_max3A_200 : f32
    %slice3A_202 = vector.extract_strided_slice %min3A_82 {offsets = [0, 256], sizes = [40, 128], strides = [1, 1]} : vector<40x512xf32> to vector<40x128xf32>
    %reduce_max3A_203 = vector.shape_cast %slice3A_202 : vector<40x128xf32> to vector<1x40x128xf32>
    %reduce_max3A_204 = arith.constant dense<0xFF800000> : vector<1xf32>
    %reduce_max3A_205 = vector.multi_reduction <maximumf>, %reduce_max3A_203, %reduce_max3A_204 [1, 2] : vector<1x40x128xf32> to vector<1xf32>
    %reduce_max3A_206 = vector.shape_cast %reduce_max3A_205 : vector<1xf32> to vector<1x1x1xf32>
    %reduce_max3A_207 = vector.extract %reduce_max3A_206[0, 0, 0] : f32 from vector<1x1x1xf32>
    %slice3A_208 = vector.extract_strided_slice %min3A_87 {offsets = [0, 256], sizes = [40, 128], strides = [1, 1]} : vector<40x512xf32> to vector<40x128xf32>
    %reduce_max3A_209 = vector.shape_cast %slice3A_208 : vector<40x128xf32> to vector<1x40x128xf32>
    %reduce_max3A_210 = arith.constant dense<0xFF800000> : vector<1xf32>
    %reduce_max3A_211 = vector.multi_reduction <maximumf>, %reduce_max3A_209, %reduce_max3A_210 [1, 2] : vector<1x40x128xf32> to vector<1xf32>
    %reduce_max3A_212 = vector.shape_cast %reduce_max3A_211 : vector<1xf32> to vector<1x1x1xf32>
    %reduce_max3A_213 = vector.extract %reduce_max3A_212[0, 0, 0] : f32 from vector<1x1x1xf32>
    %max3A_214 = arith.maximumf %reduce_max3A_207, %reduce_max3A_213 : f32
    %max3A_215 = arith.maximumf %max3A_201, %max3A_214 : f32
    %slice3A_216 = vector.extract_strided_slice %get3A_4 {offsets = [0, 256], sizes = [40, 128], strides = [1, 1]} : vector<40x512xf32> to vector<40x128xf32>
    %add3A_217 = arith.constant 1.000000e+00 : f32
    %add3A_218 = arith.addf %max3A_215, %add3A_217 : f32
    %mul3A_219 = vector.broadcast %add3A_218 : f32 to vector<40x128xf32>
    %mul3A_220 = arith.mulf %slice3A_216, %mul3A_219 : vector<40x128xf32>
    %slice3A_221 = vector.extract_strided_slice %min3A_72 {offsets = [0, 256], sizes = [40, 128], strides = [1, 1]} : vector<40x512xf32> to vector<40x128xf32>
    %add3A_222 = arith.addf %slice3A_221, %mul3A_220 : vector<40x128xf32>
    %slice3A_223 = vector.extract_strided_slice %min3A_77 {offsets = [0, 256], sizes = [40, 128], strides = [1, 1]} : vector<40x512xf32> to vector<40x128xf32>
    %add3A_224 = arith.addf %slice3A_223, %mul3A_220 : vector<40x128xf32>
    %slice3A_225 = vector.extract_strided_slice %min3A_82 {offsets = [0, 256], sizes = [40, 128], strides = [1, 1]} : vector<40x512xf32> to vector<40x128xf32>
    %add3A_226 = arith.addf %slice3A_225, %mul3A_220 : vector<40x128xf32>
    %slice3A_227 = vector.extract_strided_slice %min3A_87 {offsets = [0, 256], sizes = [40, 128], strides = [1, 1]} : vector<40x512xf32> to vector<40x128xf32>
    %add3A_228 = arith.addf %slice3A_227, %mul3A_220 : vector<40x128xf32>
    %sub3A_229 = arith.subf %add3A_226, %add3A_222 : vector<40x128xf32>
    %sub3A_230 = arith.subf %add3A_228, %add3A_224 : vector<40x128xf32>
    %mul3A_231 = arith.mulf %sub3A_229, %sub3A_230 : vector<40x128xf32>
    %slice3A_232 = vector.extract_strided_slice %select_n3A {offsets = [0, 256], sizes = [40, 128], strides = [1, 1]} : vector<40x512xf32> to vector<40x128xf32>
    %slice3A_233 = vector.extract_strided_slice %min3A_72 {offsets = [0, 384], sizes = [40, 128], strides = [1, 1]} : vector<40x512xf32> to vector<40x128xf32>
    %reduce_max3A_234 = vector.shape_cast %slice3A_233 : vector<40x128xf32> to vector<1x40x128xf32>
    %reduce_max3A_235 = arith.constant dense<0xFF800000> : vector<1xf32>
    %reduce_max3A_236 = vector.multi_reduction <maximumf>, %reduce_max3A_234, %reduce_max3A_235 [1, 2] : vector<1x40x128xf32> to vector<1xf32>
    %reduce_max3A_237 = vector.shape_cast %reduce_max3A_236 : vector<1xf32> to vector<1x1x1xf32>
    %reduce_max3A_238 = vector.extract %reduce_max3A_237[0, 0, 0] : f32 from vector<1x1x1xf32>
    %slice3A_239 = vector.extract_strided_slice %min3A_77 {offsets = [0, 384], sizes = [40, 128], strides = [1, 1]} : vector<40x512xf32> to vector<40x128xf32>
    %reduce_max3A_240 = vector.shape_cast %slice3A_239 : vector<40x128xf32> to vector<1x40x128xf32>
    %reduce_max3A_241 = arith.constant dense<0xFF800000> : vector<1xf32>
    %reduce_max3A_242 = vector.multi_reduction <maximumf>, %reduce_max3A_240, %reduce_max3A_241 [1, 2] : vector<1x40x128xf32> to vector<1xf32>
    %reduce_max3A_243 = vector.shape_cast %reduce_max3A_242 : vector<1xf32> to vector<1x1x1xf32>
    %reduce_max3A_244 = vector.extract %reduce_max3A_243[0, 0, 0] : f32 from vector<1x1x1xf32>
    %max3A_245 = arith.maximumf %reduce_max3A_238, %reduce_max3A_244 : f32
    %slice3A_246 = vector.extract_strided_slice %min3A_82 {offsets = [0, 384], sizes = [40, 128], strides = [1, 1]} : vector<40x512xf32> to vector<40x128xf32>
    %reduce_max3A_247 = vector.shape_cast %slice3A_246 : vector<40x128xf32> to vector<1x40x128xf32>
    %reduce_max3A_248 = arith.constant dense<0xFF800000> : vector<1xf32>
    %reduce_max3A_249 = vector.multi_reduction <maximumf>, %reduce_max3A_247, %reduce_max3A_248 [1, 2] : vector<1x40x128xf32> to vector<1xf32>
    %reduce_max3A_250 = vector.shape_cast %reduce_max3A_249 : vector<1xf32> to vector<1x1x1xf32>
    %reduce_max3A_251 = vector.extract %reduce_max3A_250[0, 0, 0] : f32 from vector<1x1x1xf32>
    %slice3A_252 = vector.extract_strided_slice %min3A_87 {offsets = [0, 384], sizes = [40, 128], strides = [1, 1]} : vector<40x512xf32> to vector<40x128xf32>
    %reduce_max3A_253 = vector.shape_cast %slice3A_252 : vector<40x128xf32> to vector<1x40x128xf32>
    %reduce_max3A_254 = arith.constant dense<0xFF800000> : vector<1xf32>
    %reduce_max3A_255 = vector.multi_reduction <maximumf>, %reduce_max3A_253, %reduce_max3A_254 [1, 2] : vector<1x40x128xf32> to vector<1xf32>
    %reduce_max3A_256 = vector.shape_cast %reduce_max3A_255 : vector<1xf32> to vector<1x1x1xf32>
    %reduce_max3A_257 = vector.extract %reduce_max3A_256[0, 0, 0] : f32 from vector<1x1x1xf32>
    %max3A_258 = arith.maximumf %reduce_max3A_251, %reduce_max3A_257 : f32
    %max3A_259 = arith.maximumf %max3A_245, %max3A_258 : f32
    %slice3A_260 = vector.extract_strided_slice %get3A_4 {offsets = [0, 384], sizes = [40, 128], strides = [1, 1]} : vector<40x512xf32> to vector<40x128xf32>
    %add3A_261 = arith.constant 1.000000e+00 : f32
    %add3A_262 = arith.addf %max3A_259, %add3A_261 : f32
    %mul3A_263 = vector.broadcast %add3A_262 : f32 to vector<40x128xf32>
    %mul3A_264 = arith.mulf %slice3A_260, %mul3A_263 : vector<40x128xf32>
    %slice3A_265 = vector.extract_strided_slice %min3A_72 {offsets = [0, 384], sizes = [40, 128], strides = [1, 1]} : vector<40x512xf32> to vector<40x128xf32>
    %add3A_266 = arith.addf %slice3A_265, %mul3A_264 : vector<40x128xf32>
    %slice3A_267 = vector.extract_strided_slice %min3A_77 {offsets = [0, 384], sizes = [40, 128], strides = [1, 1]} : vector<40x512xf32> to vector<40x128xf32>
    %add3A_268 = arith.addf %slice3A_267, %mul3A_264 : vector<40x128xf32>
    %slice3A_269 = vector.extract_strided_slice %min3A_82 {offsets = [0, 384], sizes = [40, 128], strides = [1, 1]} : vector<40x512xf32> to vector<40x128xf32>
    %add3A_270 = arith.addf %slice3A_269, %mul3A_264 : vector<40x128xf32>
    %slice3A_271 = vector.extract_strided_slice %min3A_87 {offsets = [0, 384], sizes = [40, 128], strides = [1, 1]} : vector<40x512xf32> to vector<40x128xf32>
    %add3A_272 = arith.addf %slice3A_271, %mul3A_264 : vector<40x128xf32>
    %sub3A_273 = arith.subf %add3A_270, %add3A_266 : vector<40x128xf32>
    %sub3A_274 = arith.subf %add3A_272, %add3A_268 : vector<40x128xf32>
    %mul3A_275 = arith.mulf %sub3A_273, %sub3A_274 : vector<40x128xf32>
    %slice3A_276 = vector.extract_strided_slice %select_n3A {offsets = [0, 384], sizes = [40, 128], strides = [1, 1]} : vector<40x512xf32> to vector<40x128xf32>
    %iota3A_277 = tpu.iota {dimensions = array<i32: 0>} : vector<5x200xi32>
    %iota3A_278 = tpu.iota {dimensions = array<i32: 1>} : vector<5x200xi32>
    %jit3A_279 = arith.constant 40 : i32
    %div3A = vector.broadcast %jit3A_279 : i32 to vector<5x200xi32>
    %div3A_280 = arith.divsi %iota3A_278, %div3A : vector<5x200xi32>
    %sign3A = arith.constant 0 : i32
    %sign3A_281 = vector.broadcast %sign3A : i32 to vector<5x200xi32>
    %sign3A_282 = arith.cmpi sgt, %iota3A_278, %sign3A_281 : vector<5x200xi32>
    %sign3A_283 = arith.extui %sign3A_282 : vector<5x200xi1> to vector<5x200xi32>
    %sign3A_284 = arith.constant 0 : i32
    %sign3A_285 = vector.broadcast %sign3A_284 : i32 to vector<5x200xi32>
    %sign3A_286 = arith.cmpi slt, %iota3A_278, %sign3A_285 : vector<5x200xi32>
    %sign3A_287 = arith.extui %sign3A_286 : vector<5x200xi1> to vector<5x200xi32>
    %sign3A_288 = arith.subi %sign3A_283, %sign3A_287 : vector<5x200xi32>
    %sign3A_289 = arith.constant 0 : i32
    %sign3A_290 = arith.cmpi sgt, %jit3A_279, %sign3A_289 : i32
    %sign3A_291 = arith.extui %sign3A_290 : i1 to i32
    %sign3A_292 = arith.constant 0 : i32
    %sign3A_293 = arith.cmpi slt, %jit3A_279, %sign3A_292 : i32
    %sign3A_294 = arith.extui %sign3A_293 : i1 to i32
    %sign3A_295 = arith.subi %sign3A_291, %sign3A_294 : i32
    %ne3A = vector.broadcast %sign3A_295 : i32 to vector<5x200xi32>
    %ne3A_296 = arith.cmpi ne, %sign3A_288, %ne3A : vector<5x200xi32>
    %rem3A = vector.broadcast %jit3A_279 : i32 to vector<5x200xi32>
    %rem3A_297 = arith.remsi %iota3A_278, %rem3A : vector<5x200xi32>
    %ne3A_298 = arith.constant 0 : i32
    %ne3A_299 = vector.broadcast %ne3A_298 : i32 to vector<5x200xi32>
    %ne3A_300 = arith.cmpi ne, %rem3A_297, %ne3A_299 : vector<5x200xi32>
    %and3A_301 = arith.andi %ne3A_296, %ne3A_300 : vector<5x200xi1>
    %sub3A_302 = arith.constant 1 : i32
    %sub3A_303 = vector.broadcast %sub3A_302 : i32 to vector<5x200xi32>
    %sub3A_304 = arith.subi %div3A_280, %sub3A_303 : vector<5x200xi32>
    %select_n3A_305 = arith.select %and3A_301, %sub3A_304, %div3A_280 : vector<5x200xi1>, vector<5x200xi32>
    %eq3A = arith.cmpi eq, %select_n3A_305, %iota3A_277 : vector<5x200xi32>
    %convert_element_type3A_306 = arith.extui %eq3A : vector<5x200xi1> to vector<5x200xi32>
    %convert_element_type3A_307 = arith.sitofp %convert_element_type3A_306 : vector<5x200xi32> to vector<5x200xf32>
    %broadcast_in_dim3A_308 = arith.constant 1.000000e+00 : f32
    %broadcast_in_dim3A_309 = vector.broadcast %broadcast_in_dim3A_308 : f32 to vector<128x1xf32>
    %broadcast_in_dim3A_310 = arith.constant 0.000000e+00 : f32
    %broadcast_in_dim3A_311 = vector.broadcast %broadcast_in_dim3A_310 : f32 to vector<8x128xf32>
    %broadcast_in_dim3A_312 = arith.constant 0.000000e+00 : f32
    %broadcast_in_dim3A_313 = vector.broadcast %broadcast_in_dim3A_312 : f32 to vector<8x128xf32>
    %broadcast_in_dim3A_314 = arith.constant 0.000000e+00 : f32
    %broadcast_in_dim3A_315 = vector.broadcast %broadcast_in_dim3A_314 : f32 to vector<8x128xf32>
    %broadcast_in_dim3A_316 = arith.constant 0.000000e+00 : f32
    %broadcast_in_dim3A_317 = vector.broadcast %broadcast_in_dim3A_316 : f32 to vector<8x128xf32>
    %scan3A = arith.constant 0 : i32
    %scan3A_318 = arith.constant 100 : i32
    %scan3A_319 = arith.addi %scan3A, %scan3A_318 : i32
    %scan3A_320 = arith.constant 1 : i32
    %scan3A_321:8 = scf.for %scan3A_417 = %scan3A to %scan3A_319 step %scan3A_320 iter_args(%scan3A_418 = %slice3A_144, %scan3A_419 = %slice3A_188, %scan3A_420 = %slice3A_232, %scan3A_421 = %slice3A_276, %scan3A_422 = %broadcast_in_dim3A_311, %scan3A_423 = %broadcast_in_dim3A_313, %scan3A_424 = %broadcast_in_dim3A_315, %scan3A_425 = %broadcast_in_dim3A_317) -> (vector<40x128xf32>, vector<40x128xf32>, vector<40x128xf32>, vector<40x128xf32>, vector<8x128xf32>, vector<8x128xf32>, vector<8x128xf32>, vector<8x128xf32>)  : i32 {
      %convert_element_type3A_426 = arith.sitofp %scan3A_417 : i32 to f32
      %reduce_max3A_427 = vector.shape_cast %scan3A_418 : vector<40x128xf32> to vector<1x40x128xf32>
      %reduce_max3A_428 = arith.constant dense<0xFF800000> : vector<1xf32>
      %reduce_max3A_429 = vector.multi_reduction <maximumf>, %reduce_max3A_427, %reduce_max3A_428 [1, 2] : vector<1x40x128xf32> to vector<1xf32>
      %reduce_max3A_430 = vector.shape_cast %reduce_max3A_429 : vector<1xf32> to vector<1x1x1xf32>
      %reduce_max3A_431 = vector.extract %reduce_max3A_430[0, 0, 0] : f32 from vector<1x1x1xf32>
      %gt3A_432 = arith.constant 0.000000e+00 : f32
      %gt3A_433 = arith.cmpf ogt, %reduce_max3A_431, %gt3A_432 : f32
      %eq3A_434 = vector.broadcast %reduce_max3A_431 : f32 to vector<40x128xf32>
      %eq3A_435 = arith.cmpf oeq, %scan3A_418, %eq3A_434 : vector<40x128xf32>
      %jit3A_436 = arith.constant 1.000000e+09 : f32
      %broadcast_in_dim3A_437 = vector.broadcast %jit3A_436 : f32 to vector<40x128xf32>
      %select_n3A_438 = arith.select %eq3A_435, %convert_element_type3A_102, %broadcast_in_dim3A_437 : vector<40x128xi1>, vector<40x128xf32>
      %reduce_min3A = vector.shape_cast %select_n3A_438 : vector<40x128xf32> to vector<1x40x128xf32>
      %reduce_min3A_439 = arith.constant dense<0x7F800000> : vector<1xf32>
      %reduce_min3A_440 = vector.multi_reduction <minimumf>, %reduce_min3A, %reduce_min3A_439 [1, 2] : vector<1x40x128xf32> to vector<1xf32>
      %reduce_min3A_441 = vector.shape_cast %reduce_min3A_440 : vector<1xf32> to vector<1x1x1xf32>
      %reduce_min3A_442 = vector.extract %reduce_min3A_441[0, 0, 0] : f32 from vector<1x1x1xf32>
      %eq3A_443 = vector.broadcast %reduce_min3A_442 : f32 to vector<40x128xf32>
      %eq3A_444 = arith.cmpf oeq, %convert_element_type3A_102, %eq3A_443 : vector<40x128xf32>
      %and3A_445 = vector.broadcast %gt3A_433 : i1 to vector<40x128xi1>
      %and3A_446 = arith.andi %eq3A_444, %and3A_445 : vector<40x128xi1>
      %jit3A_447 = arith.constant 0.000000e+00 : f32
      %broadcast_in_dim3A_448 = vector.broadcast %jit3A_447 : f32 to vector<40x128xf32>
      %select_n3A_449 = arith.select %and3A_446, %add3A_134, %broadcast_in_dim3A_448 : vector<40x128xi1>, vector<40x128xf32>
      %jit3A_450 = arith.constant 0.000000e+00 : f32
      %broadcast_in_dim3A_451 = vector.broadcast %jit3A_450 : f32 to vector<40x128xf32>
      %select_n3A_452 = arith.select %and3A_446, %add3A_136, %broadcast_in_dim3A_451 : vector<40x128xi1>, vector<40x128xf32>
      %jit3A_453 = arith.constant 0.000000e+00 : f32
      %broadcast_in_dim3A_454 = vector.broadcast %jit3A_453 : f32 to vector<40x128xf32>
      %select_n3A_455 = arith.select %and3A_446, %add3A_138, %broadcast_in_dim3A_454 : vector<40x128xi1>, vector<40x128xf32>
      %jit3A_456 = arith.constant 0.000000e+00 : f32
      %broadcast_in_dim3A_457 = vector.broadcast %jit3A_456 : f32 to vector<40x128xf32>
      %select_n3A_458 = arith.select %and3A_446, %add3A_140, %broadcast_in_dim3A_457 : vector<40x128xi1>, vector<40x128xf32>
      %jit3A_459 = arith.constant 0.000000e+00 : f32
      %broadcast_in_dim3A_460 = vector.broadcast %jit3A_459 : f32 to vector<40x128xf32>
      %select_n3A_461 = arith.select %and3A_446, %mul3A_132, %broadcast_in_dim3A_460 : vector<40x128xi1>, vector<40x128xf32>
      %concatenate3A = tpu.concatenate %select_n3A_449, %select_n3A_452, %select_n3A_455, %select_n3A_458, %select_n3A_461 in 0 : vector<40x128xf32>, vector<40x128xf32>, vector<40x128xf32>, vector<40x128xf32>, vector<40x128xf32> -> vector<200x128xf32>
      %dot_general3A = arith.constant dense<0.000000e+00> : vector<5x128xf32>
      %dot_general3A_462 = tpu.matmul %convert_element_type3A_307, %concatenate3A, %dot_general3A {dimension_numbers = #tpu.dot_dimension_numbers<[1], [0], [0], [1], [0, 0, 1, 1], [], []>, precision = #tpu.contract_precision<fp32>, transpose_lhs_hint = false} : vector<5x200xf32>, vector<200x128xf32>, vector<5x128xf32> -> vector<5x128xf32>
      %dot_general3A_463 = arith.constant dense<0.000000e+00> : vector<5x1xf32>
      %dot_general3A_464 = tpu.matmul %dot_general3A_462, %broadcast_in_dim3A_309, %dot_general3A_463 {dimension_numbers = #tpu.dot_dimension_numbers<[1], [0], [0], [1], [0, 0, 1, 1], [], []>, precision = #tpu.contract_precision<fp32>, transpose_lhs_hint = false} : vector<5x128xf32>, vector<128x1xf32>, vector<5x1xf32> -> vector<5x1xf32>
      %slice3A_465 = vector.extract_strided_slice %dot_general3A_464 {offsets = [0, 0], sizes = [1, 1], strides = [1, 1]} : vector<5x1xf32> to vector<1x1xf32>
      %slice3A_466 = vector.extract_strided_slice %dot_general3A_464 {offsets = [1, 0], sizes = [1, 1], strides = [1, 1]} : vector<5x1xf32> to vector<1x1xf32>
      %slice3A_467 = vector.extract_strided_slice %dot_general3A_464 {offsets = [2, 0], sizes = [1, 1], strides = [1, 1]} : vector<5x1xf32> to vector<1x1xf32>
      %slice3A_468 = vector.extract_strided_slice %dot_general3A_464 {offsets = [3, 0], sizes = [1, 1], strides = [1, 1]} : vector<5x1xf32> to vector<1x1xf32>
      %slice3A_469 = vector.extract_strided_slice %dot_general3A_464 {offsets = [4, 0], sizes = [1, 1], strides = [1, 1]} : vector<5x1xf32> to vector<1x1xf32>
      %sub3A_470 = arith.subf %slice3A_467, %slice3A_465 : vector<1x1xf32>
      %sub3A_471 = arith.subf %slice3A_468, %slice3A_466 : vector<1x1xf32>
      %mul3A_472 = arith.mulf %sub3A_470, %sub3A_471 : vector<1x1xf32>
      %max3A_473 = vector.broadcast %slice3A_465 : vector<1x1xf32> to vector<40x128xf32>
      %max3A_474 = arith.maximumf %max3A_473, %add3A_134 : vector<40x128xf32>
      %max3A_475 = vector.broadcast %slice3A_466 : vector<1x1xf32> to vector<40x128xf32>
      %max3A_476 = arith.maximumf %max3A_475, %add3A_136 : vector<40x128xf32>
      %min3A_477 = vector.broadcast %slice3A_467 : vector<1x1xf32> to vector<40x128xf32>
      %min3A_478 = arith.minimumf %min3A_477, %add3A_138 : vector<40x128xf32>
      %min3A_479 = vector.broadcast %slice3A_468 : vector<1x1xf32> to vector<40x128xf32>
      %min3A_480 = arith.minimumf %min3A_479, %add3A_140 : vector<40x128xf32>
      %sub3A_481 = arith.subf %min3A_478, %max3A_474 : vector<40x128xf32>
      %max3A_482 = arith.constant 0.000000e+00 : f32
      %max3A_483 = vector.broadcast %max3A_482 : f32 to vector<40x128xf32>
      %max3A_484 = arith.maximumf %sub3A_481, %max3A_483 : vector<40x128xf32>
      %sub3A_485 = arith.subf %min3A_480, %max3A_476 : vector<40x128xf32>
      %max3A_486 = arith.constant 0.000000e+00 : f32
      %max3A_487 = vector.broadcast %max3A_486 : f32 to vector<40x128xf32>
      %max3A_488 = arith.maximumf %sub3A_485, %max3A_487 : vector<40x128xf32>
      %mul3A_489 = arith.mulf %max3A_484, %max3A_488 : vector<40x128xf32>
      %add3A_490 = vector.broadcast %mul3A_472 : vector<1x1xf32> to vector<40x128xf32>
      %add3A_491 = arith.addf %add3A_490, %mul3A_143 : vector<40x128xf32>
      %sub3A_492 = arith.subf %add3A_491, %mul3A_489 : vector<40x128xf32>
      %add3A_493 = arith.constant 9.99999971E-10 : f32
      %add3A_494 = vector.broadcast %add3A_493 : f32 to vector<40x128xf32>
      %add3A_495 = arith.addf %sub3A_492, %add3A_494 : vector<40x128xf32>
      %div3A_496 = arith.divf %mul3A_489, %add3A_495 : vector<40x128xf32>
      %gt3A_497 = arith.constant 5.000000e-01 : f32
      %gt3A_498 = vector.broadcast %gt3A_497 : f32 to vector<40x128xf32>
      %gt3A_499 = arith.cmpf ogt, %div3A_496, %gt3A_498 : vector<40x128xf32>
      %or3A = arith.ori %gt3A_499, %and3A_446 : vector<40x128xi1>
      %and3A_500 = vector.broadcast %gt3A_433 : i1 to vector<40x128xi1>
      %and3A_501 = arith.andi %or3A, %and3A_500 : vector<40x128xi1>
      %jit3A_502 = arith.constant -1.000000e+00 : f32
      %broadcast_in_dim3A_503 = vector.broadcast %jit3A_502 : f32 to vector<40x128xf32>
      %select_n3A_504 = arith.select %and3A_501, %broadcast_in_dim3A_503, %scan3A_418 : vector<40x128xi1>, vector<40x128xf32>
      %add3A_505 = arith.constant 1.000000e+00 : f32
      %add3A_506 = arith.addf %max3A_127, %add3A_505 : f32
      %div3A_507 = vector.broadcast %add3A_506 : f32 to vector<1x1xf32>
      %div3A_508 = arith.divf %slice3A_469, %div3A_507 : vector<1x1xf32>
      %add3A_509 = arith.constant 5.000000e-01 : f32
      %add3A_510 = vector.broadcast %add3A_509 : f32 to vector<1x1xf32>
      %add3A_511 = arith.addf %div3A_508, %add3A_510 : vector<1x1xf32>
      %floor3A = math.floor %add3A_511 : vector<1x1xf32>
      %sub3A_512 = arith.subf %slice3A_465, %slice3A_469 : vector<1x1xf32>
      %sub3A_513 = arith.subf %slice3A_466, %slice3A_469 : vector<1x1xf32>
      %sub3A_514 = arith.subf %slice3A_467, %slice3A_469 : vector<1x1xf32>
      %sub3A_515 = arith.subf %slice3A_468, %slice3A_469 : vector<1x1xf32>
      %eq3A_516 = vector.broadcast %convert_element_type3A_426 : f32 to vector<8x128xf32>
      %eq3A_517 = arith.cmpf oeq, %convert_element_type3A, %eq3A_516 : vector<8x128xf32>
      %and3A_518 = vector.broadcast %gt3A_433 : i1 to vector<8x128xi1>
      %and3A_519 = arith.andi %eq3A_517, %and3A_518 : vector<8x128xi1>
      %eq3A_520 = arith.constant 0.000000e+00 : f32
      %eq3A_521 = vector.broadcast %eq3A_520 : f32 to vector<8x128xf32>
      %eq3A_522 = arith.cmpf oeq, %convert_element_type3A_95, %eq3A_521 : vector<8x128xf32>
      %and3A_523 = arith.andi %and3A_519, %eq3A_522 : vector<8x128xi1>
      %broadcast_in_dim3A_524 = vector.shape_cast %sub3A_512 : vector<1x1xf32> to vector<1x1xf32>
      %broadcast_in_dim3A_525 = vector.broadcast %broadcast_in_dim3A_524 : vector<1x1xf32> to vector<8x128xf32>
      %select_n3A_526 = arith.select %and3A_523, %broadcast_in_dim3A_525, %scan3A_422 : vector<8x128xi1>, vector<8x128xf32>
      %eq3A_527 = arith.constant 1.000000e+00 : f32
      %eq3A_528 = vector.broadcast %eq3A_527 : f32 to vector<8x128xf32>
      %eq3A_529 = arith.cmpf oeq, %convert_element_type3A_95, %eq3A_528 : vector<8x128xf32>
      %and3A_530 = arith.andi %and3A_519, %eq3A_529 : vector<8x128xi1>
      %broadcast_in_dim3A_531 = vector.shape_cast %sub3A_513 : vector<1x1xf32> to vector<1x1xf32>
      %broadcast_in_dim3A_532 = vector.broadcast %broadcast_in_dim3A_531 : vector<1x1xf32> to vector<8x128xf32>
      %select_n3A_533 = arith.select %and3A_530, %broadcast_in_dim3A_532, %select_n3A_526 : vector<8x128xi1>, vector<8x128xf32>
      %eq3A_534 = arith.constant 2.000000e+00 : f32
      %eq3A_535 = vector.broadcast %eq3A_534 : f32 to vector<8x128xf32>
      %eq3A_536 = arith.cmpf oeq, %convert_element_type3A_95, %eq3A_535 : vector<8x128xf32>
      %and3A_537 = arith.andi %and3A_519, %eq3A_536 : vector<8x128xi1>
      %broadcast_in_dim3A_538 = vector.shape_cast %sub3A_514 : vector<1x1xf32> to vector<1x1xf32>
      %broadcast_in_dim3A_539 = vector.broadcast %broadcast_in_dim3A_538 : vector<1x1xf32> to vector<8x128xf32>
      %select_n3A_540 = arith.select %and3A_537, %broadcast_in_dim3A_539, %select_n3A_533 : vector<8x128xi1>, vector<8x128xf32>
      %eq3A_541 = arith.constant 3.000000e+00 : f32
      %eq3A_542 = vector.broadcast %eq3A_541 : f32 to vector<8x128xf32>
      %eq3A_543 = arith.cmpf oeq, %convert_element_type3A_95, %eq3A_542 : vector<8x128xf32>
      %and3A_544 = arith.andi %and3A_519, %eq3A_543 : vector<8x128xi1>
      %broadcast_in_dim3A_545 = vector.shape_cast %sub3A_515 : vector<1x1xf32> to vector<1x1xf32>
      %broadcast_in_dim3A_546 = vector.broadcast %broadcast_in_dim3A_545 : vector<1x1xf32> to vector<8x128xf32>
      %select_n3A_547 = arith.select %and3A_544, %broadcast_in_dim3A_546, %select_n3A_540 : vector<8x128xi1>, vector<8x128xf32>
      %eq3A_548 = arith.constant 4.000000e+00 : f32
      %eq3A_549 = vector.broadcast %eq3A_548 : f32 to vector<8x128xf32>
      %eq3A_550 = arith.cmpf oeq, %convert_element_type3A_95, %eq3A_549 : vector<8x128xf32>
      %and3A_551 = arith.andi %and3A_519, %eq3A_550 : vector<8x128xi1>
      %broadcast_in_dim3A_552 = vector.broadcast %reduce_max3A_431 : f32 to vector<8x128xf32>
      %select_n3A_553 = arith.select %and3A_551, %broadcast_in_dim3A_552, %select_n3A_547 : vector<8x128xi1>, vector<8x128xf32>
      %eq3A_554 = arith.constant 5.000000e+00 : f32
      %eq3A_555 = vector.broadcast %eq3A_554 : f32 to vector<8x128xf32>
      %eq3A_556 = arith.cmpf oeq, %convert_element_type3A_95, %eq3A_555 : vector<8x128xf32>
      %and3A_557 = arith.andi %and3A_519, %eq3A_556 : vector<8x128xi1>
      %broadcast_in_dim3A_558 = vector.shape_cast %floor3A : vector<1x1xf32> to vector<1x1xf32>
      %broadcast_in_dim3A_559 = vector.broadcast %broadcast_in_dim3A_558 : vector<1x1xf32> to vector<8x128xf32>
      %select_n3A_560 = arith.select %and3A_557, %broadcast_in_dim3A_559, %select_n3A_553 : vector<8x128xi1>, vector<8x128xf32>
      %reduce_max3A_561 = vector.shape_cast %scan3A_419 : vector<40x128xf32> to vector<1x40x128xf32>
      %reduce_max3A_562 = arith.constant dense<0xFF800000> : vector<1xf32>
      %reduce_max3A_563 = vector.multi_reduction <maximumf>, %reduce_max3A_561, %reduce_max3A_562 [1, 2] : vector<1x40x128xf32> to vector<1xf32>
      %reduce_max3A_564 = vector.shape_cast %reduce_max3A_563 : vector<1xf32> to vector<1x1x1xf32>
      %reduce_max3A_565 = vector.extract %reduce_max3A_564[0, 0, 0] : f32 from vector<1x1x1xf32>
      %gt3A_566 = arith.constant 0.000000e+00 : f32
      %gt3A_567 = arith.cmpf ogt, %reduce_max3A_565, %gt3A_566 : f32
      %eq3A_568 = vector.broadcast %reduce_max3A_565 : f32 to vector<40x128xf32>
      %eq3A_569 = arith.cmpf oeq, %scan3A_419, %eq3A_568 : vector<40x128xf32>
      %jit3A_570 = arith.constant 1.000000e+09 : f32
      %broadcast_in_dim3A_571 = vector.broadcast %jit3A_570 : f32 to vector<40x128xf32>
      %select_n3A_572 = arith.select %eq3A_569, %convert_element_type3A_102, %broadcast_in_dim3A_571 : vector<40x128xi1>, vector<40x128xf32>
      %reduce_min3A_573 = vector.shape_cast %select_n3A_572 : vector<40x128xf32> to vector<1x40x128xf32>
      %reduce_min3A_574 = arith.constant dense<0x7F800000> : vector<1xf32>
      %reduce_min3A_575 = vector.multi_reduction <minimumf>, %reduce_min3A_573, %reduce_min3A_574 [1, 2] : vector<1x40x128xf32> to vector<1xf32>
      %reduce_min3A_576 = vector.shape_cast %reduce_min3A_575 : vector<1xf32> to vector<1x1x1xf32>
      %reduce_min3A_577 = vector.extract %reduce_min3A_576[0, 0, 0] : f32 from vector<1x1x1xf32>
      %eq3A_578 = vector.broadcast %reduce_min3A_577 : f32 to vector<40x128xf32>
      %eq3A_579 = arith.cmpf oeq, %convert_element_type3A_102, %eq3A_578 : vector<40x128xf32>
      %and3A_580 = vector.broadcast %gt3A_567 : i1 to vector<40x128xi1>
      %and3A_581 = arith.andi %eq3A_579, %and3A_580 : vector<40x128xi1>
      %jit3A_582 = arith.constant 0.000000e+00 : f32
      %broadcast_in_dim3A_583 = vector.broadcast %jit3A_582 : f32 to vector<40x128xf32>
      %select_n3A_584 = arith.select %and3A_581, %add3A_178, %broadcast_in_dim3A_583 : vector<40x128xi1>, vector<40x128xf32>
      %jit3A_585 = arith.constant 0.000000e+00 : f32
      %broadcast_in_dim3A_586 = vector.broadcast %jit3A_585 : f32 to vector<40x128xf32>
      %select_n3A_587 = arith.select %and3A_581, %add3A_180, %broadcast_in_dim3A_586 : vector<40x128xi1>, vector<40x128xf32>
      %jit3A_588 = arith.constant 0.000000e+00 : f32
      %broadcast_in_dim3A_589 = vector.broadcast %jit3A_588 : f32 to vector<40x128xf32>
      %select_n3A_590 = arith.select %and3A_581, %add3A_182, %broadcast_in_dim3A_589 : vector<40x128xi1>, vector<40x128xf32>
      %jit3A_591 = arith.constant 0.000000e+00 : f32
      %broadcast_in_dim3A_592 = vector.broadcast %jit3A_591 : f32 to vector<40x128xf32>
      %select_n3A_593 = arith.select %and3A_581, %add3A_184, %broadcast_in_dim3A_592 : vector<40x128xi1>, vector<40x128xf32>
      %jit3A_594 = arith.constant 0.000000e+00 : f32
      %broadcast_in_dim3A_595 = vector.broadcast %jit3A_594 : f32 to vector<40x128xf32>
      %select_n3A_596 = arith.select %and3A_581, %mul3A_176, %broadcast_in_dim3A_595 : vector<40x128xi1>, vector<40x128xf32>
      %concatenate3A_597 = tpu.concatenate %select_n3A_584, %select_n3A_587, %select_n3A_590, %select_n3A_593, %select_n3A_596 in 0 : vector<40x128xf32>, vector<40x128xf32>, vector<40x128xf32>, vector<40x128xf32>, vector<40x128xf32> -> vector<200x128xf32>
      %dot_general3A_598 = arith.constant dense<0.000000e+00> : vector<5x128xf32>
      %dot_general3A_599 = tpu.matmul %convert_element_type3A_307, %concatenate3A_597, %dot_general3A_598 {dimension_numbers = #tpu.dot_dimension_numbers<[1], [0], [0], [1], [0, 0, 1, 1], [], []>, precision = #tpu.contract_precision<fp32>, transpose_lhs_hint = false} : vector<5x200xf32>, vector<200x128xf32>, vector<5x128xf32> -> vector<5x128xf32>
      %dot_general3A_600 = arith.constant dense<0.000000e+00> : vector<5x1xf32>
      %dot_general3A_601 = tpu.matmul %dot_general3A_599, %broadcast_in_dim3A_309, %dot_general3A_600 {dimension_numbers = #tpu.dot_dimension_numbers<[1], [0], [0], [1], [0, 0, 1, 1], [], []>, precision = #tpu.contract_precision<fp32>, transpose_lhs_hint = false} : vector<5x128xf32>, vector<128x1xf32>, vector<5x1xf32> -> vector<5x1xf32>
      %slice3A_602 = vector.extract_strided_slice %dot_general3A_601 {offsets = [0, 0], sizes = [1, 1], strides = [1, 1]} : vector<5x1xf32> to vector<1x1xf32>
      %slice3A_603 = vector.extract_strided_slice %dot_general3A_601 {offsets = [1, 0], sizes = [1, 1], strides = [1, 1]} : vector<5x1xf32> to vector<1x1xf32>
      %slice3A_604 = vector.extract_strided_slice %dot_general3A_601 {offsets = [2, 0], sizes = [1, 1], strides = [1, 1]} : vector<5x1xf32> to vector<1x1xf32>
      %slice3A_605 = vector.extract_strided_slice %dot_general3A_601 {offsets = [3, 0], sizes = [1, 1], strides = [1, 1]} : vector<5x1xf32> to vector<1x1xf32>
      %slice3A_606 = vector.extract_strided_slice %dot_general3A_601 {offsets = [4, 0], sizes = [1, 1], strides = [1, 1]} : vector<5x1xf32> to vector<1x1xf32>
      %sub3A_607 = arith.subf %slice3A_604, %slice3A_602 : vector<1x1xf32>
      %sub3A_608 = arith.subf %slice3A_605, %slice3A_603 : vector<1x1xf32>
      %mul3A_609 = arith.mulf %sub3A_607, %sub3A_608 : vector<1x1xf32>
      %max3A_610 = vector.broadcast %slice3A_602 : vector<1x1xf32> to vector<40x128xf32>
      %max3A_611 = arith.maximumf %max3A_610, %add3A_178 : vector<40x128xf32>
      %max3A_612 = vector.broadcast %slice3A_603 : vector<1x1xf32> to vector<40x128xf32>
      %max3A_613 = arith.maximumf %max3A_612, %add3A_180 : vector<40x128xf32>
      %min3A_614 = vector.broadcast %slice3A_604 : vector<1x1xf32> to vector<40x128xf32>
      %min3A_615 = arith.minimumf %min3A_614, %add3A_182 : vector<40x128xf32>
      %min3A_616 = vector.broadcast %slice3A_605 : vector<1x1xf32> to vector<40x128xf32>
      %min3A_617 = arith.minimumf %min3A_616, %add3A_184 : vector<40x128xf32>
      %sub3A_618 = arith.subf %min3A_615, %max3A_611 : vector<40x128xf32>
      %max3A_619 = arith.constant 0.000000e+00 : f32
      %max3A_620 = vector.broadcast %max3A_619 : f32 to vector<40x128xf32>
      %max3A_621 = arith.maximumf %sub3A_618, %max3A_620 : vector<40x128xf32>
      %sub3A_622 = arith.subf %min3A_617, %max3A_613 : vector<40x128xf32>
      %max3A_623 = arith.constant 0.000000e+00 : f32
      %max3A_624 = vector.broadcast %max3A_623 : f32 to vector<40x128xf32>
      %max3A_625 = arith.maximumf %sub3A_622, %max3A_624 : vector<40x128xf32>
      %mul3A_626 = arith.mulf %max3A_621, %max3A_625 : vector<40x128xf32>
      %add3A_627 = vector.broadcast %mul3A_609 : vector<1x1xf32> to vector<40x128xf32>
      %add3A_628 = arith.addf %add3A_627, %mul3A_187 : vector<40x128xf32>
      %sub3A_629 = arith.subf %add3A_628, %mul3A_626 : vector<40x128xf32>
      %add3A_630 = arith.constant 9.99999971E-10 : f32
      %add3A_631 = vector.broadcast %add3A_630 : f32 to vector<40x128xf32>
      %add3A_632 = arith.addf %sub3A_629, %add3A_631 : vector<40x128xf32>
      %div3A_633 = arith.divf %mul3A_626, %add3A_632 : vector<40x128xf32>
      %gt3A_634 = arith.constant 5.000000e-01 : f32
      %gt3A_635 = vector.broadcast %gt3A_634 : f32 to vector<40x128xf32>
      %gt3A_636 = arith.cmpf ogt, %div3A_633, %gt3A_635 : vector<40x128xf32>
      %or3A_637 = arith.ori %gt3A_636, %and3A_581 : vector<40x128xi1>
      %and3A_638 = vector.broadcast %gt3A_567 : i1 to vector<40x128xi1>
      %and3A_639 = arith.andi %or3A_637, %and3A_638 : vector<40x128xi1>
      %jit3A_640 = arith.constant -1.000000e+00 : f32
      %broadcast_in_dim3A_641 = vector.broadcast %jit3A_640 : f32 to vector<40x128xf32>
      %select_n3A_642 = arith.select %and3A_639, %broadcast_in_dim3A_641, %scan3A_419 : vector<40x128xi1>, vector<40x128xf32>
      %add3A_643 = arith.constant 1.000000e+00 : f32
      %add3A_644 = arith.addf %max3A_171, %add3A_643 : f32
      %div3A_645 = vector.broadcast %add3A_644 : f32 to vector<1x1xf32>
      %div3A_646 = arith.divf %slice3A_606, %div3A_645 : vector<1x1xf32>
      %add3A_647 = arith.constant 5.000000e-01 : f32
      %add3A_648 = vector.broadcast %add3A_647 : f32 to vector<1x1xf32>
      %add3A_649 = arith.addf %div3A_646, %add3A_648 : vector<1x1xf32>
      %floor3A_650 = math.floor %add3A_649 : vector<1x1xf32>
      %sub3A_651 = arith.subf %slice3A_602, %slice3A_606 : vector<1x1xf32>
      %sub3A_652 = arith.subf %slice3A_603, %slice3A_606 : vector<1x1xf32>
      %sub3A_653 = arith.subf %slice3A_604, %slice3A_606 : vector<1x1xf32>
      %sub3A_654 = arith.subf %slice3A_605, %slice3A_606 : vector<1x1xf32>
      %eq3A_655 = vector.broadcast %convert_element_type3A_426 : f32 to vector<8x128xf32>
      %eq3A_656 = arith.cmpf oeq, %convert_element_type3A, %eq3A_655 : vector<8x128xf32>
      %and3A_657 = vector.broadcast %gt3A_567 : i1 to vector<8x128xi1>
      %and3A_658 = arith.andi %eq3A_656, %and3A_657 : vector<8x128xi1>
      %eq3A_659 = arith.constant 0.000000e+00 : f32
      %eq3A_660 = vector.broadcast %eq3A_659 : f32 to vector<8x128xf32>
      %eq3A_661 = arith.cmpf oeq, %convert_element_type3A_95, %eq3A_660 : vector<8x128xf32>
      %and3A_662 = arith.andi %and3A_658, %eq3A_661 : vector<8x128xi1>
      %broadcast_in_dim3A_663 = vector.shape_cast %sub3A_651 : vector<1x1xf32> to vector<1x1xf32>
      %broadcast_in_dim3A_664 = vector.broadcast %broadcast_in_dim3A_663 : vector<1x1xf32> to vector<8x128xf32>
      %select_n3A_665 = arith.select %and3A_662, %broadcast_in_dim3A_664, %scan3A_423 : vector<8x128xi1>, vector<8x128xf32>
      %eq3A_666 = arith.constant 1.000000e+00 : f32
      %eq3A_667 = vector.broadcast %eq3A_666 : f32 to vector<8x128xf32>
      %eq3A_668 = arith.cmpf oeq, %convert_element_type3A_95, %eq3A_667 : vector<8x128xf32>
      %and3A_669 = arith.andi %and3A_658, %eq3A_668 : vector<8x128xi1>
      %broadcast_in_dim3A_670 = vector.shape_cast %sub3A_652 : vector<1x1xf32> to vector<1x1xf32>
      %broadcast_in_dim3A_671 = vector.broadcast %broadcast_in_dim3A_670 : vector<1x1xf32> to vector<8x128xf32>
      %select_n3A_672 = arith.select %and3A_669, %broadcast_in_dim3A_671, %select_n3A_665 : vector<8x128xi1>, vector<8x128xf32>
      %eq3A_673 = arith.constant 2.000000e+00 : f32
      %eq3A_674 = vector.broadcast %eq3A_673 : f32 to vector<8x128xf32>
      %eq3A_675 = arith.cmpf oeq, %convert_element_type3A_95, %eq3A_674 : vector<8x128xf32>
      %and3A_676 = arith.andi %and3A_658, %eq3A_675 : vector<8x128xi1>
      %broadcast_in_dim3A_677 = vector.shape_cast %sub3A_653 : vector<1x1xf32> to vector<1x1xf32>
      %broadcast_in_dim3A_678 = vector.broadcast %broadcast_in_dim3A_677 : vector<1x1xf32> to vector<8x128xf32>
      %select_n3A_679 = arith.select %and3A_676, %broadcast_in_dim3A_678, %select_n3A_672 : vector<8x128xi1>, vector<8x128xf32>
      %eq3A_680 = arith.constant 3.000000e+00 : f32
      %eq3A_681 = vector.broadcast %eq3A_680 : f32 to vector<8x128xf32>
      %eq3A_682 = arith.cmpf oeq, %convert_element_type3A_95, %eq3A_681 : vector<8x128xf32>
      %and3A_683 = arith.andi %and3A_658, %eq3A_682 : vector<8x128xi1>
      %broadcast_in_dim3A_684 = vector.shape_cast %sub3A_654 : vector<1x1xf32> to vector<1x1xf32>
      %broadcast_in_dim3A_685 = vector.broadcast %broadcast_in_dim3A_684 : vector<1x1xf32> to vector<8x128xf32>
      %select_n3A_686 = arith.select %and3A_683, %broadcast_in_dim3A_685, %select_n3A_679 : vector<8x128xi1>, vector<8x128xf32>
      %eq3A_687 = arith.constant 4.000000e+00 : f32
      %eq3A_688 = vector.broadcast %eq3A_687 : f32 to vector<8x128xf32>
      %eq3A_689 = arith.cmpf oeq, %convert_element_type3A_95, %eq3A_688 : vector<8x128xf32>
      %and3A_690 = arith.andi %and3A_658, %eq3A_689 : vector<8x128xi1>
      %broadcast_in_dim3A_691 = vector.broadcast %reduce_max3A_565 : f32 to vector<8x128xf32>
      %select_n3A_692 = arith.select %and3A_690, %broadcast_in_dim3A_691, %select_n3A_686 : vector<8x128xi1>, vector<8x128xf32>
      %eq3A_693 = arith.constant 5.000000e+00 : f32
      %eq3A_694 = vector.broadcast %eq3A_693 : f32 to vector<8x128xf32>
      %eq3A_695 = arith.cmpf oeq, %convert_element_type3A_95, %eq3A_694 : vector<8x128xf32>
      %and3A_696 = arith.andi %and3A_658, %eq3A_695 : vector<8x128xi1>
      %broadcast_in_dim3A_697 = vector.shape_cast %floor3A_650 : vector<1x1xf32> to vector<1x1xf32>
      %broadcast_in_dim3A_698 = vector.broadcast %broadcast_in_dim3A_697 : vector<1x1xf32> to vector<8x128xf32>
      %select_n3A_699 = arith.select %and3A_696, %broadcast_in_dim3A_698, %select_n3A_692 : vector<8x128xi1>, vector<8x128xf32>
      %reduce_max3A_700 = vector.shape_cast %scan3A_420 : vector<40x128xf32> to vector<1x40x128xf32>
      %reduce_max3A_701 = arith.constant dense<0xFF800000> : vector<1xf32>
      %reduce_max3A_702 = vector.multi_reduction <maximumf>, %reduce_max3A_700, %reduce_max3A_701 [1, 2] : vector<1x40x128xf32> to vector<1xf32>
      %reduce_max3A_703 = vector.shape_cast %reduce_max3A_702 : vector<1xf32> to vector<1x1x1xf32>
      %reduce_max3A_704 = vector.extract %reduce_max3A_703[0, 0, 0] : f32 from vector<1x1x1xf32>
      %gt3A_705 = arith.constant 0.000000e+00 : f32
      %gt3A_706 = arith.cmpf ogt, %reduce_max3A_704, %gt3A_705 : f32
      %eq3A_707 = vector.broadcast %reduce_max3A_704 : f32 to vector<40x128xf32>
      %eq3A_708 = arith.cmpf oeq, %scan3A_420, %eq3A_707 : vector<40x128xf32>
      %jit3A_709 = arith.constant 1.000000e+09 : f32
      %broadcast_in_dim3A_710 = vector.broadcast %jit3A_709 : f32 to vector<40x128xf32>
      %select_n3A_711 = arith.select %eq3A_708, %convert_element_type3A_102, %broadcast_in_dim3A_710 : vector<40x128xi1>, vector<40x128xf32>
      %reduce_min3A_712 = vector.shape_cast %select_n3A_711 : vector<40x128xf32> to vector<1x40x128xf32>
      %reduce_min3A_713 = arith.constant dense<0x7F800000> : vector<1xf32>
      %reduce_min3A_714 = vector.multi_reduction <minimumf>, %reduce_min3A_712, %reduce_min3A_713 [1, 2] : vector<1x40x128xf32> to vector<1xf32>
      %reduce_min3A_715 = vector.shape_cast %reduce_min3A_714 : vector<1xf32> to vector<1x1x1xf32>
      %reduce_min3A_716 = vector.extract %reduce_min3A_715[0, 0, 0] : f32 from vector<1x1x1xf32>
      %eq3A_717 = vector.broadcast %reduce_min3A_716 : f32 to vector<40x128xf32>
      %eq3A_718 = arith.cmpf oeq, %convert_element_type3A_102, %eq3A_717 : vector<40x128xf32>
      %and3A_719 = vector.broadcast %gt3A_706 : i1 to vector<40x128xi1>
      %and3A_720 = arith.andi %eq3A_718, %and3A_719 : vector<40x128xi1>
      %jit3A_721 = arith.constant 0.000000e+00 : f32
      %broadcast_in_dim3A_722 = vector.broadcast %jit3A_721 : f32 to vector<40x128xf32>
      %select_n3A_723 = arith.select %and3A_720, %add3A_222, %broadcast_in_dim3A_722 : vector<40x128xi1>, vector<40x128xf32>
      %jit3A_724 = arith.constant 0.000000e+00 : f32
      %broadcast_in_dim3A_725 = vector.broadcast %jit3A_724 : f32 to vector<40x128xf32>
      %select_n3A_726 = arith.select %and3A_720, %add3A_224, %broadcast_in_dim3A_725 : vector<40x128xi1>, vector<40x128xf32>
      %jit3A_727 = arith.constant 0.000000e+00 : f32
      %broadcast_in_dim3A_728 = vector.broadcast %jit3A_727 : f32 to vector<40x128xf32>
      %select_n3A_729 = arith.select %and3A_720, %add3A_226, %broadcast_in_dim3A_728 : vector<40x128xi1>, vector<40x128xf32>
      %jit3A_730 = arith.constant 0.000000e+00 : f32
      %broadcast_in_dim3A_731 = vector.broadcast %jit3A_730 : f32 to vector<40x128xf32>
      %select_n3A_732 = arith.select %and3A_720, %add3A_228, %broadcast_in_dim3A_731 : vector<40x128xi1>, vector<40x128xf32>
      %jit3A_733 = arith.constant 0.000000e+00 : f32
      %broadcast_in_dim3A_734 = vector.broadcast %jit3A_733 : f32 to vector<40x128xf32>
      %select_n3A_735 = arith.select %and3A_720, %mul3A_220, %broadcast_in_dim3A_734 : vector<40x128xi1>, vector<40x128xf32>
      %concatenate3A_736 = tpu.concatenate %select_n3A_723, %select_n3A_726, %select_n3A_729, %select_n3A_732, %select_n3A_735 in 0 : vector<40x128xf32>, vector<40x128xf32>, vector<40x128xf32>, vector<40x128xf32>, vector<40x128xf32> -> vector<200x128xf32>
      %dot_general3A_737 = arith.constant dense<0.000000e+00> : vector<5x128xf32>
      %dot_general3A_738 = tpu.matmul %convert_element_type3A_307, %concatenate3A_736, %dot_general3A_737 {dimension_numbers = #tpu.dot_dimension_numbers<[1], [0], [0], [1], [0, 0, 1, 1], [], []>, precision = #tpu.contract_precision<fp32>, transpose_lhs_hint = false} : vector<5x200xf32>, vector<200x128xf32>, vector<5x128xf32> -> vector<5x128xf32>
      %dot_general3A_739 = arith.constant dense<0.000000e+00> : vector<5x1xf32>
      %dot_general3A_740 = tpu.matmul %dot_general3A_738, %broadcast_in_dim3A_309, %dot_general3A_739 {dimension_numbers = #tpu.dot_dimension_numbers<[1], [0], [0], [1], [0, 0, 1, 1], [], []>, precision = #tpu.contract_precision<fp32>, transpose_lhs_hint = false} : vector<5x128xf32>, vector<128x1xf32>, vector<5x1xf32> -> vector<5x1xf32>
      %slice3A_741 = vector.extract_strided_slice %dot_general3A_740 {offsets = [0, 0], sizes = [1, 1], strides = [1, 1]} : vector<5x1xf32> to vector<1x1xf32>
      %slice3A_742 = vector.extract_strided_slice %dot_general3A_740 {offsets = [1, 0], sizes = [1, 1], strides = [1, 1]} : vector<5x1xf32> to vector<1x1xf32>
      %slice3A_743 = vector.extract_strided_slice %dot_general3A_740 {offsets = [2, 0], sizes = [1, 1], strides = [1, 1]} : vector<5x1xf32> to vector<1x1xf32>
      %slice3A_744 = vector.extract_strided_slice %dot_general3A_740 {offsets = [3, 0], sizes = [1, 1], strides = [1, 1]} : vector<5x1xf32> to vector<1x1xf32>
      %slice3A_745 = vector.extract_strided_slice %dot_general3A_740 {offsets = [4, 0], sizes = [1, 1], strides = [1, 1]} : vector<5x1xf32> to vector<1x1xf32>
      %sub3A_746 = arith.subf %slice3A_743, %slice3A_741 : vector<1x1xf32>
      %sub3A_747 = arith.subf %slice3A_744, %slice3A_742 : vector<1x1xf32>
      %mul3A_748 = arith.mulf %sub3A_746, %sub3A_747 : vector<1x1xf32>
      %max3A_749 = vector.broadcast %slice3A_741 : vector<1x1xf32> to vector<40x128xf32>
      %max3A_750 = arith.maximumf %max3A_749, %add3A_222 : vector<40x128xf32>
      %max3A_751 = vector.broadcast %slice3A_742 : vector<1x1xf32> to vector<40x128xf32>
      %max3A_752 = arith.maximumf %max3A_751, %add3A_224 : vector<40x128xf32>
      %min3A_753 = vector.broadcast %slice3A_743 : vector<1x1xf32> to vector<40x128xf32>
      %min3A_754 = arith.minimumf %min3A_753, %add3A_226 : vector<40x128xf32>
      %min3A_755 = vector.broadcast %slice3A_744 : vector<1x1xf32> to vector<40x128xf32>
      %min3A_756 = arith.minimumf %min3A_755, %add3A_228 : vector<40x128xf32>
      %sub3A_757 = arith.subf %min3A_754, %max3A_750 : vector<40x128xf32>
      %max3A_758 = arith.constant 0.000000e+00 : f32
      %max3A_759 = vector.broadcast %max3A_758 : f32 to vector<40x128xf32>
      %max3A_760 = arith.maximumf %sub3A_757, %max3A_759 : vector<40x128xf32>
      %sub3A_761 = arith.subf %min3A_756, %max3A_752 : vector<40x128xf32>
      %max3A_762 = arith.constant 0.000000e+00 : f32
      %max3A_763 = vector.broadcast %max3A_762 : f32 to vector<40x128xf32>
      %max3A_764 = arith.maximumf %sub3A_761, %max3A_763 : vector<40x128xf32>
      %mul3A_765 = arith.mulf %max3A_760, %max3A_764 : vector<40x128xf32>
      %add3A_766 = vector.broadcast %mul3A_748 : vector<1x1xf32> to vector<40x128xf32>
      %add3A_767 = arith.addf %add3A_766, %mul3A_231 : vector<40x128xf32>
      %sub3A_768 = arith.subf %add3A_767, %mul3A_765 : vector<40x128xf32>
      %add3A_769 = arith.constant 9.99999971E-10 : f32
      %add3A_770 = vector.broadcast %add3A_769 : f32 to vector<40x128xf32>
      %add3A_771 = arith.addf %sub3A_768, %add3A_770 : vector<40x128xf32>
      %div3A_772 = arith.divf %mul3A_765, %add3A_771 : vector<40x128xf32>
      %gt3A_773 = arith.constant 5.000000e-01 : f32
      %gt3A_774 = vector.broadcast %gt3A_773 : f32 to vector<40x128xf32>
      %gt3A_775 = arith.cmpf ogt, %div3A_772, %gt3A_774 : vector<40x128xf32>
      %or3A_776 = arith.ori %gt3A_775, %and3A_720 : vector<40x128xi1>
      %and3A_777 = vector.broadcast %gt3A_706 : i1 to vector<40x128xi1>
      %and3A_778 = arith.andi %or3A_776, %and3A_777 : vector<40x128xi1>
      %jit3A_779 = arith.constant -1.000000e+00 : f32
      %broadcast_in_dim3A_780 = vector.broadcast %jit3A_779 : f32 to vector<40x128xf32>
      %select_n3A_781 = arith.select %and3A_778, %broadcast_in_dim3A_780, %scan3A_420 : vector<40x128xi1>, vector<40x128xf32>
      %add3A_782 = arith.constant 1.000000e+00 : f32
      %add3A_783 = arith.addf %max3A_215, %add3A_782 : f32
      %div3A_784 = vector.broadcast %add3A_783 : f32 to vector<1x1xf32>
      %div3A_785 = arith.divf %slice3A_745, %div3A_784 : vector<1x1xf32>
      %add3A_786 = arith.constant 5.000000e-01 : f32
      %add3A_787 = vector.broadcast %add3A_786 : f32 to vector<1x1xf32>
      %add3A_788 = arith.addf %div3A_785, %add3A_787 : vector<1x1xf32>
      %floor3A_789 = math.floor %add3A_788 : vector<1x1xf32>
      %sub3A_790 = arith.subf %slice3A_741, %slice3A_745 : vector<1x1xf32>
      %sub3A_791 = arith.subf %slice3A_742, %slice3A_745 : vector<1x1xf32>
      %sub3A_792 = arith.subf %slice3A_743, %slice3A_745 : vector<1x1xf32>
      %sub3A_793 = arith.subf %slice3A_744, %slice3A_745 : vector<1x1xf32>
      %eq3A_794 = vector.broadcast %convert_element_type3A_426 : f32 to vector<8x128xf32>
      %eq3A_795 = arith.cmpf oeq, %convert_element_type3A, %eq3A_794 : vector<8x128xf32>
      %and3A_796 = vector.broadcast %gt3A_706 : i1 to vector<8x128xi1>
      %and3A_797 = arith.andi %eq3A_795, %and3A_796 : vector<8x128xi1>
      %eq3A_798 = arith.constant 0.000000e+00 : f32
      %eq3A_799 = vector.broadcast %eq3A_798 : f32 to vector<8x128xf32>
      %eq3A_800 = arith.cmpf oeq, %convert_element_type3A_95, %eq3A_799 : vector<8x128xf32>
      %and3A_801 = arith.andi %and3A_797, %eq3A_800 : vector<8x128xi1>
      %broadcast_in_dim3A_802 = vector.shape_cast %sub3A_790 : vector<1x1xf32> to vector<1x1xf32>
      %broadcast_in_dim3A_803 = vector.broadcast %broadcast_in_dim3A_802 : vector<1x1xf32> to vector<8x128xf32>
      %select_n3A_804 = arith.select %and3A_801, %broadcast_in_dim3A_803, %scan3A_424 : vector<8x128xi1>, vector<8x128xf32>
      %eq3A_805 = arith.constant 1.000000e+00 : f32
      %eq3A_806 = vector.broadcast %eq3A_805 : f32 to vector<8x128xf32>
      %eq3A_807 = arith.cmpf oeq, %convert_element_type3A_95, %eq3A_806 : vector<8x128xf32>
      %and3A_808 = arith.andi %and3A_797, %eq3A_807 : vector<8x128xi1>
      %broadcast_in_dim3A_809 = vector.shape_cast %sub3A_791 : vector<1x1xf32> to vector<1x1xf32>
      %broadcast_in_dim3A_810 = vector.broadcast %broadcast_in_dim3A_809 : vector<1x1xf32> to vector<8x128xf32>
      %select_n3A_811 = arith.select %and3A_808, %broadcast_in_dim3A_810, %select_n3A_804 : vector<8x128xi1>, vector<8x128xf32>
      %eq3A_812 = arith.constant 2.000000e+00 : f32
      %eq3A_813 = vector.broadcast %eq3A_812 : f32 to vector<8x128xf32>
      %eq3A_814 = arith.cmpf oeq, %convert_element_type3A_95, %eq3A_813 : vector<8x128xf32>
      %and3A_815 = arith.andi %and3A_797, %eq3A_814 : vector<8x128xi1>
      %broadcast_in_dim3A_816 = vector.shape_cast %sub3A_792 : vector<1x1xf32> to vector<1x1xf32>
      %broadcast_in_dim3A_817 = vector.broadcast %broadcast_in_dim3A_816 : vector<1x1xf32> to vector<8x128xf32>
      %select_n3A_818 = arith.select %and3A_815, %broadcast_in_dim3A_817, %select_n3A_811 : vector<8x128xi1>, vector<8x128xf32>
      %eq3A_819 = arith.constant 3.000000e+00 : f32
      %eq3A_820 = vector.broadcast %eq3A_819 : f32 to vector<8x128xf32>
      %eq3A_821 = arith.cmpf oeq, %convert_element_type3A_95, %eq3A_820 : vector<8x128xf32>
      %and3A_822 = arith.andi %and3A_797, %eq3A_821 : vector<8x128xi1>
      %broadcast_in_dim3A_823 = vector.shape_cast %sub3A_793 : vector<1x1xf32> to vector<1x1xf32>
      %broadcast_in_dim3A_824 = vector.broadcast %broadcast_in_dim3A_823 : vector<1x1xf32> to vector<8x128xf32>
      %select_n3A_825 = arith.select %and3A_822, %broadcast_in_dim3A_824, %select_n3A_818 : vector<8x128xi1>, vector<8x128xf32>
      %eq3A_826 = arith.constant 4.000000e+00 : f32
      %eq3A_827 = vector.broadcast %eq3A_826 : f32 to vector<8x128xf32>
      %eq3A_828 = arith.cmpf oeq, %convert_element_type3A_95, %eq3A_827 : vector<8x128xf32>
      %and3A_829 = arith.andi %and3A_797, %eq3A_828 : vector<8x128xi1>
      %broadcast_in_dim3A_830 = vector.broadcast %reduce_max3A_704 : f32 to vector<8x128xf32>
      %select_n3A_831 = arith.select %and3A_829, %broadcast_in_dim3A_830, %select_n3A_825 : vector<8x128xi1>, vector<8x128xf32>
      %eq3A_832 = arith.constant 5.000000e+00 : f32
      %eq3A_833 = vector.broadcast %eq3A_832 : f32 to vector<8x128xf32>
      %eq3A_834 = arith.cmpf oeq, %convert_element_type3A_95, %eq3A_833 : vector<8x128xf32>
      %and3A_835 = arith.andi %and3A_797, %eq3A_834 : vector<8x128xi1>
      %broadcast_in_dim3A_836 = vector.shape_cast %floor3A_789 : vector<1x1xf32> to vector<1x1xf32>
      %broadcast_in_dim3A_837 = vector.broadcast %broadcast_in_dim3A_836 : vector<1x1xf32> to vector<8x128xf32>
      %select_n3A_838 = arith.select %and3A_835, %broadcast_in_dim3A_837, %select_n3A_831 : vector<8x128xi1>, vector<8x128xf32>
      %reduce_max3A_839 = vector.shape_cast %scan3A_421 : vector<40x128xf32> to vector<1x40x128xf32>
      %reduce_max3A_840 = arith.constant dense<0xFF800000> : vector<1xf32>
      %reduce_max3A_841 = vector.multi_reduction <maximumf>, %reduce_max3A_839, %reduce_max3A_840 [1, 2] : vector<1x40x128xf32> to vector<1xf32>
      %reduce_max3A_842 = vector.shape_cast %reduce_max3A_841 : vector<1xf32> to vector<1x1x1xf32>
      %reduce_max3A_843 = vector.extract %reduce_max3A_842[0, 0, 0] : f32 from vector<1x1x1xf32>
      %gt3A_844 = arith.constant 0.000000e+00 : f32
      %gt3A_845 = arith.cmpf ogt, %reduce_max3A_843, %gt3A_844 : f32
      %eq3A_846 = vector.broadcast %reduce_max3A_843 : f32 to vector<40x128xf32>
      %eq3A_847 = arith.cmpf oeq, %scan3A_421, %eq3A_846 : vector<40x128xf32>
      %jit3A_848 = arith.constant 1.000000e+09 : f32
      %broadcast_in_dim3A_849 = vector.broadcast %jit3A_848 : f32 to vector<40x128xf32>
      %select_n3A_850 = arith.select %eq3A_847, %convert_element_type3A_102, %broadcast_in_dim3A_849 : vector<40x128xi1>, vector<40x128xf32>
      %reduce_min3A_851 = vector.shape_cast %select_n3A_850 : vector<40x128xf32> to vector<1x40x128xf32>
      %reduce_min3A_852 = arith.constant dense<0x7F800000> : vector<1xf32>
      %reduce_min3A_853 = vector.multi_reduction <minimumf>, %reduce_min3A_851, %reduce_min3A_852 [1, 2] : vector<1x40x128xf32> to vector<1xf32>
      %reduce_min3A_854 = vector.shape_cast %reduce_min3A_853 : vector<1xf32> to vector<1x1x1xf32>
      %reduce_min3A_855 = vector.extract %reduce_min3A_854[0, 0, 0] : f32 from vector<1x1x1xf32>
      %eq3A_856 = vector.broadcast %reduce_min3A_855 : f32 to vector<40x128xf32>
      %eq3A_857 = arith.cmpf oeq, %convert_element_type3A_102, %eq3A_856 : vector<40x128xf32>
      %and3A_858 = vector.broadcast %gt3A_845 : i1 to vector<40x128xi1>
      %and3A_859 = arith.andi %eq3A_857, %and3A_858 : vector<40x128xi1>
      %jit3A_860 = arith.constant 0.000000e+00 : f32
      %broadcast_in_dim3A_861 = vector.broadcast %jit3A_860 : f32 to vector<40x128xf32>
      %select_n3A_862 = arith.select %and3A_859, %add3A_266, %broadcast_in_dim3A_861 : vector<40x128xi1>, vector<40x128xf32>
      %jit3A_863 = arith.constant 0.000000e+00 : f32
      %broadcast_in_dim3A_864 = vector.broadcast %jit3A_863 : f32 to vector<40x128xf32>
      %select_n3A_865 = arith.select %and3A_859, %add3A_268, %broadcast_in_dim3A_864 : vector<40x128xi1>, vector<40x128xf32>
      %jit3A_866 = arith.constant 0.000000e+00 : f32
      %broadcast_in_dim3A_867 = vector.broadcast %jit3A_866 : f32 to vector<40x128xf32>
      %select_n3A_868 = arith.select %and3A_859, %add3A_270, %broadcast_in_dim3A_867 : vector<40x128xi1>, vector<40x128xf32>
      %jit3A_869 = arith.constant 0.000000e+00 : f32
      %broadcast_in_dim3A_870 = vector.broadcast %jit3A_869 : f32 to vector<40x128xf32>
      %select_n3A_871 = arith.select %and3A_859, %add3A_272, %broadcast_in_dim3A_870 : vector<40x128xi1>, vector<40x128xf32>
      %jit3A_872 = arith.constant 0.000000e+00 : f32
      %broadcast_in_dim3A_873 = vector.broadcast %jit3A_872 : f32 to vector<40x128xf32>
      %select_n3A_874 = arith.select %and3A_859, %mul3A_264, %broadcast_in_dim3A_873 : vector<40x128xi1>, vector<40x128xf32>
      %concatenate3A_875 = tpu.concatenate %select_n3A_862, %select_n3A_865, %select_n3A_868, %select_n3A_871, %select_n3A_874 in 0 : vector<40x128xf32>, vector<40x128xf32>, vector<40x128xf32>, vector<40x128xf32>, vector<40x128xf32> -> vector<200x128xf32>
      %dot_general3A_876 = arith.constant dense<0.000000e+00> : vector<5x128xf32>
      %dot_general3A_877 = tpu.matmul %convert_element_type3A_307, %concatenate3A_875, %dot_general3A_876 {dimension_numbers = #tpu.dot_dimension_numbers<[1], [0], [0], [1], [0, 0, 1, 1], [], []>, precision = #tpu.contract_precision<fp32>, transpose_lhs_hint = false} : vector<5x200xf32>, vector<200x128xf32>, vector<5x128xf32> -> vector<5x128xf32>
      %dot_general3A_878 = arith.constant dense<0.000000e+00> : vector<5x1xf32>
      %dot_general3A_879 = tpu.matmul %dot_general3A_877, %broadcast_in_dim3A_309, %dot_general3A_878 {dimension_numbers = #tpu.dot_dimension_numbers<[1], [0], [0], [1], [0, 0, 1, 1], [], []>, precision = #tpu.contract_precision<fp32>, transpose_lhs_hint = false} : vector<5x128xf32>, vector<128x1xf32>, vector<5x1xf32> -> vector<5x1xf32>
      %slice3A_880 = vector.extract_strided_slice %dot_general3A_879 {offsets = [0, 0], sizes = [1, 1], strides = [1, 1]} : vector<5x1xf32> to vector<1x1xf32>
      %slice3A_881 = vector.extract_strided_slice %dot_general3A_879 {offsets = [1, 0], sizes = [1, 1], strides = [1, 1]} : vector<5x1xf32> to vector<1x1xf32>
      %slice3A_882 = vector.extract_strided_slice %dot_general3A_879 {offsets = [2, 0], sizes = [1, 1], strides = [1, 1]} : vector<5x1xf32> to vector<1x1xf32>
      %slice3A_883 = vector.extract_strided_slice %dot_general3A_879 {offsets = [3, 0], sizes = [1, 1], strides = [1, 1]} : vector<5x1xf32> to vector<1x1xf32>
      %slice3A_884 = vector.extract_strided_slice %dot_general3A_879 {offsets = [4, 0], sizes = [1, 1], strides = [1, 1]} : vector<5x1xf32> to vector<1x1xf32>
      %sub3A_885 = arith.subf %slice3A_882, %slice3A_880 : vector<1x1xf32>
      %sub3A_886 = arith.subf %slice3A_883, %slice3A_881 : vector<1x1xf32>
      %mul3A_887 = arith.mulf %sub3A_885, %sub3A_886 : vector<1x1xf32>
      %max3A_888 = vector.broadcast %slice3A_880 : vector<1x1xf32> to vector<40x128xf32>
      %max3A_889 = arith.maximumf %max3A_888, %add3A_266 : vector<40x128xf32>
      %max3A_890 = vector.broadcast %slice3A_881 : vector<1x1xf32> to vector<40x128xf32>
      %max3A_891 = arith.maximumf %max3A_890, %add3A_268 : vector<40x128xf32>
      %min3A_892 = vector.broadcast %slice3A_882 : vector<1x1xf32> to vector<40x128xf32>
      %min3A_893 = arith.minimumf %min3A_892, %add3A_270 : vector<40x128xf32>
      %min3A_894 = vector.broadcast %slice3A_883 : vector<1x1xf32> to vector<40x128xf32>
      %min3A_895 = arith.minimumf %min3A_894, %add3A_272 : vector<40x128xf32>
      %sub3A_896 = arith.subf %min3A_893, %max3A_889 : vector<40x128xf32>
      %max3A_897 = arith.constant 0.000000e+00 : f32
      %max3A_898 = vector.broadcast %max3A_897 : f32 to vector<40x128xf32>
      %max3A_899 = arith.maximumf %sub3A_896, %max3A_898 : vector<40x128xf32>
      %sub3A_900 = arith.subf %min3A_895, %max3A_891 : vector<40x128xf32>
      %max3A_901 = arith.constant 0.000000e+00 : f32
      %max3A_902 = vector.broadcast %max3A_901 : f32 to vector<40x128xf32>
      %max3A_903 = arith.maximumf %sub3A_900, %max3A_902 : vector<40x128xf32>
      %mul3A_904 = arith.mulf %max3A_899, %max3A_903 : vector<40x128xf32>
      %add3A_905 = vector.broadcast %mul3A_887 : vector<1x1xf32> to vector<40x128xf32>
      %add3A_906 = arith.addf %add3A_905, %mul3A_275 : vector<40x128xf32>
      %sub3A_907 = arith.subf %add3A_906, %mul3A_904 : vector<40x128xf32>
      %add3A_908 = arith.constant 9.99999971E-10 : f32
      %add3A_909 = vector.broadcast %add3A_908 : f32 to vector<40x128xf32>
      %add3A_910 = arith.addf %sub3A_907, %add3A_909 : vector<40x128xf32>
      %div3A_911 = arith.divf %mul3A_904, %add3A_910 : vector<40x128xf32>
      %gt3A_912 = arith.constant 5.000000e-01 : f32
      %gt3A_913 = vector.broadcast %gt3A_912 : f32 to vector<40x128xf32>
      %gt3A_914 = arith.cmpf ogt, %div3A_911, %gt3A_913 : vector<40x128xf32>
      %or3A_915 = arith.ori %gt3A_914, %and3A_859 : vector<40x128xi1>
      %and3A_916 = vector.broadcast %gt3A_845 : i1 to vector<40x128xi1>
      %and3A_917 = arith.andi %or3A_915, %and3A_916 : vector<40x128xi1>
      %jit3A_918 = arith.constant -1.000000e+00 : f32
      %broadcast_in_dim3A_919 = vector.broadcast %jit3A_918 : f32 to vector<40x128xf32>
      %select_n3A_920 = arith.select %and3A_917, %broadcast_in_dim3A_919, %scan3A_421 : vector<40x128xi1>, vector<40x128xf32>
      %add3A_921 = arith.constant 1.000000e+00 : f32
      %add3A_922 = arith.addf %max3A_259, %add3A_921 : f32
      %div3A_923 = vector.broadcast %add3A_922 : f32 to vector<1x1xf32>
      %div3A_924 = arith.divf %slice3A_884, %div3A_923 : vector<1x1xf32>
      %add3A_925 = arith.constant 5.000000e-01 : f32
      %add3A_926 = vector.broadcast %add3A_925 : f32 to vector<1x1xf32>
      %add3A_927 = arith.addf %div3A_924, %add3A_926 : vector<1x1xf32>
      %floor3A_928 = math.floor %add3A_927 : vector<1x1xf32>
      %sub3A_929 = arith.subf %slice3A_880, %slice3A_884 : vector<1x1xf32>
      %sub3A_930 = arith.subf %slice3A_881, %slice3A_884 : vector<1x1xf32>
      %sub3A_931 = arith.subf %slice3A_882, %slice3A_884 : vector<1x1xf32>
      %sub3A_932 = arith.subf %slice3A_883, %slice3A_884 : vector<1x1xf32>
      %eq3A_933 = vector.broadcast %convert_element_type3A_426 : f32 to vector<8x128xf32>
      %eq3A_934 = arith.cmpf oeq, %convert_element_type3A, %eq3A_933 : vector<8x128xf32>
      %and3A_935 = vector.broadcast %gt3A_845 : i1 to vector<8x128xi1>
      %and3A_936 = arith.andi %eq3A_934, %and3A_935 : vector<8x128xi1>
      %eq3A_937 = arith.constant 0.000000e+00 : f32
      %eq3A_938 = vector.broadcast %eq3A_937 : f32 to vector<8x128xf32>
      %eq3A_939 = arith.cmpf oeq, %convert_element_type3A_95, %eq3A_938 : vector<8x128xf32>
      %and3A_940 = arith.andi %and3A_936, %eq3A_939 : vector<8x128xi1>
      %broadcast_in_dim3A_941 = vector.shape_cast %sub3A_929 : vector<1x1xf32> to vector<1x1xf32>
      %broadcast_in_dim3A_942 = vector.broadcast %broadcast_in_dim3A_941 : vector<1x1xf32> to vector<8x128xf32>
      %select_n3A_943 = arith.select %and3A_940, %broadcast_in_dim3A_942, %scan3A_425 : vector<8x128xi1>, vector<8x128xf32>
      %eq3A_944 = arith.constant 1.000000e+00 : f32
      %eq3A_945 = vector.broadcast %eq3A_944 : f32 to vector<8x128xf32>
      %eq3A_946 = arith.cmpf oeq, %convert_element_type3A_95, %eq3A_945 : vector<8x128xf32>
      %and3A_947 = arith.andi %and3A_936, %eq3A_946 : vector<8x128xi1>
      %broadcast_in_dim3A_948 = vector.shape_cast %sub3A_930 : vector<1x1xf32> to vector<1x1xf32>
      %broadcast_in_dim3A_949 = vector.broadcast %broadcast_in_dim3A_948 : vector<1x1xf32> to vector<8x128xf32>
      %select_n3A_950 = arith.select %and3A_947, %broadcast_in_dim3A_949, %select_n3A_943 : vector<8x128xi1>, vector<8x128xf32>
      %eq3A_951 = arith.constant 2.000000e+00 : f32
      %eq3A_952 = vector.broadcast %eq3A_951 : f32 to vector<8x128xf32>
      %eq3A_953 = arith.cmpf oeq, %convert_element_type3A_95, %eq3A_952 : vector<8x128xf32>
      %and3A_954 = arith.andi %and3A_936, %eq3A_953 : vector<8x128xi1>
      %broadcast_in_dim3A_955 = vector.shape_cast %sub3A_931 : vector<1x1xf32> to vector<1x1xf32>
      %broadcast_in_dim3A_956 = vector.broadcast %broadcast_in_dim3A_955 : vector<1x1xf32> to vector<8x128xf32>
      %select_n3A_957 = arith.select %and3A_954, %broadcast_in_dim3A_956, %select_n3A_950 : vector<8x128xi1>, vector<8x128xf32>
      %eq3A_958 = arith.constant 3.000000e+00 : f32
      %eq3A_959 = vector.broadcast %eq3A_958 : f32 to vector<8x128xf32>
      %eq3A_960 = arith.cmpf oeq, %convert_element_type3A_95, %eq3A_959 : vector<8x128xf32>
      %and3A_961 = arith.andi %and3A_936, %eq3A_960 : vector<8x128xi1>
      %broadcast_in_dim3A_962 = vector.shape_cast %sub3A_932 : vector<1x1xf32> to vector<1x1xf32>
      %broadcast_in_dim3A_963 = vector.broadcast %broadcast_in_dim3A_962 : vector<1x1xf32> to vector<8x128xf32>
      %select_n3A_964 = arith.select %and3A_961, %broadcast_in_dim3A_963, %select_n3A_957 : vector<8x128xi1>, vector<8x128xf32>
      %eq3A_965 = arith.constant 4.000000e+00 : f32
      %eq3A_966 = vector.broadcast %eq3A_965 : f32 to vector<8x128xf32>
      %eq3A_967 = arith.cmpf oeq, %convert_element_type3A_95, %eq3A_966 : vector<8x128xf32>
      %and3A_968 = arith.andi %and3A_936, %eq3A_967 : vector<8x128xi1>
      %broadcast_in_dim3A_969 = vector.broadcast %reduce_max3A_843 : f32 to vector<8x128xf32>
      %select_n3A_970 = arith.select %and3A_968, %broadcast_in_dim3A_969, %select_n3A_964 : vector<8x128xi1>, vector<8x128xf32>
      %eq3A_971 = arith.constant 5.000000e+00 : f32
      %eq3A_972 = vector.broadcast %eq3A_971 : f32 to vector<8x128xf32>
      %eq3A_973 = arith.cmpf oeq, %convert_element_type3A_95, %eq3A_972 : vector<8x128xf32>
      %and3A_974 = arith.andi %and3A_936, %eq3A_973 : vector<8x128xi1>
      %broadcast_in_dim3A_975 = vector.shape_cast %floor3A_928 : vector<1x1xf32> to vector<1x1xf32>
      %broadcast_in_dim3A_976 = vector.broadcast %broadcast_in_dim3A_975 : vector<1x1xf32> to vector<8x128xf32>
      %select_n3A_977 = arith.select %and3A_974, %broadcast_in_dim3A_976, %select_n3A_970 : vector<8x128xi1>, vector<8x128xf32>
      scf.yield %select_n3A_504, %select_n3A_642, %select_n3A_781, %select_n3A_920, %select_n3A_560, %select_n3A_699, %select_n3A_838, %select_n3A_977 : vector<40x128xf32>, vector<40x128xf32>, vector<40x128xf32>, vector<40x128xf32>, vector<8x128xf32>, vector<8x128xf32>, vector<8x128xf32>, vector<8x128xf32>
    }
    %scan3A_322 = arith.constant 100 : i32
    %slice3A_323 = vector.extract_strided_slice %scan3A_321#4 {offsets = [0, 0], sizes = [4, 128], strides = [1, 1]} : vector<8x128xf32> to vector<4x128xf32>
    %transpose3A = tpu.transpose %slice3A_323, [1, 0] : vector<4x128xf32> -> vector<128x4xf32>
    %slice3A_324 = vector.extract_strided_slice %transpose3A {offsets = [0, 0], sizes = [100, 4], strides = [1, 1]} : vector<128x4xf32> to vector<100x4xf32>
    %swap3A = arith.constant 0 : index
    %swap3A_325 = arith.constant 0 : index
    %swap3A_326 = arith.constant 0 : index
    %swap3A_327 = vector.load %arg12[%swap3A, %swap3A_325, %swap3A_326] : memref<4x100x4xf32, #tpu.memory_space<vmem>>, vector<1x100x4xf32>
    %swap3A_328 = vector.shape_cast %swap3A_327 : vector<1x100x4xf32> to vector<100x4xf32>
    %swap3A_329 = vector.shape_cast %slice3A_324 : vector<100x4xf32> to vector<1x100x4xf32>
    tpu.vector_store %arg12[%swap3A, %swap3A_325, %swap3A_326], %swap3A_329 {strides = array<i32>} : memref<4x100x4xf32, #tpu.memory_space<vmem>>, vector<1x100x4xf32>,
    %slice3A_330 = vector.extract_strided_slice %scan3A_321#4 {offsets = [4, 0], sizes = [1, 100], strides = [1, 1]} : vector<8x128xf32> to vector<1x100xf32>
    %swap3A_331 = arith.constant 0 : index
    %swap3A_332 = arith.constant 0 : index
    %swap3A_333 = arith.constant 0 : index
    %swap3A_334 = vector.load %arg13[%swap3A_331, %swap3A_332, %swap3A_333] : memref<4x1x100xf32, #tpu.memory_space<vmem>>, vector<1x1x100xf32>
    %swap3A_335 = vector.shape_cast %swap3A_334 : vector<1x1x100xf32> to vector<1x100xf32>
    %swap3A_336 = vector.shape_cast %slice3A_330 : vector<1x100xf32> to vector<1x1x100xf32>
    tpu.vector_store %arg13[%swap3A_331, %swap3A_332, %swap3A_333], %swap3A_336 {strides = array<i32>} : memref<4x1x100xf32, #tpu.memory_space<vmem>>, vector<1x1x100xf32>,
    %slice3A_337 = vector.extract_strided_slice %scan3A_321#4 {offsets = [5, 0], sizes = [1, 100], strides = [1, 1]} : vector<8x128xf32> to vector<1x100xf32>
    %convert_element_type3A_338 = arith.fptosi %slice3A_337 : vector<1x100xf32> to vector<1x100xi32>
    %swap3A_339 = arith.constant 0 : index
    %swap3A_340 = arith.constant 0 : index
    %swap3A_341 = arith.constant 0 : index
    %swap3A_342 = vector.load %arg14[%swap3A_339, %swap3A_340, %swap3A_341] : memref<4x1x100xi32, #tpu.memory_space<vmem>>, vector<1x1x100xi32>
    %swap3A_343 = vector.shape_cast %swap3A_342 : vector<1x1x100xi32> to vector<1x100xi32>
    %swap3A_344 = vector.shape_cast %convert_element_type3A_338 : vector<1x100xi32> to vector<1x1x100xi32>
    tpu.vector_store %arg14[%swap3A_339, %swap3A_340, %swap3A_341], %swap3A_344 {strides = array<i32>} : memref<4x1x100xi32, #tpu.memory_space<vmem>>, vector<1x1x100xi32>,
    %slice3A_345 = vector.extract_strided_slice %scan3A_321#5 {offsets = [0, 0], sizes = [4, 128], strides = [1, 1]} : vector<8x128xf32> to vector<4x128xf32>
    %transpose3A_346 = tpu.transpose %slice3A_345, [1, 0] : vector<4x128xf32> -> vector<128x4xf32>
    %slice3A_347 = vector.extract_strided_slice %transpose3A_346 {offsets = [0, 0], sizes = [100, 4], strides = [1, 1]} : vector<128x4xf32> to vector<100x4xf32>
    %swap3A_348 = arith.constant 1 : index
    %swap3A_349 = arith.constant 0 : index
    %swap3A_350 = arith.constant 0 : index
    %swap3A_351 = vector.load %arg12[%swap3A_348, %swap3A_349, %swap3A_350] : memref<4x100x4xf32, #tpu.memory_space<vmem>>, vector<1x100x4xf32>
    %swap3A_352 = vector.shape_cast %swap3A_351 : vector<1x100x4xf32> to vector<100x4xf32>
    %swap3A_353 = vector.shape_cast %slice3A_347 : vector<100x4xf32> to vector<1x100x4xf32>
    tpu.vector_store %arg12[%swap3A_348, %swap3A_349, %swap3A_350], %swap3A_353 {strides = array<i32>} : memref<4x100x4xf32, #tpu.memory_space<vmem>>, vector<1x100x4xf32>,
    %slice3A_354 = vector.extract_strided_slice %scan3A_321#5 {offsets = [4, 0], sizes = [1, 100], strides = [1, 1]} : vector<8x128xf32> to vector<1x100xf32>
    %swap3A_355 = arith.constant 1 : index
    %swap3A_356 = arith.constant 0 : index
    %swap3A_357 = arith.constant 0 : index
    %swap3A_358 = vector.load %arg13[%swap3A_355, %swap3A_356, %swap3A_357] : memref<4x1x100xf32, #tpu.memory_space<vmem>>, vector<1x1x100xf32>
    %swap3A_359 = vector.shape_cast %swap3A_358 : vector<1x1x100xf32> to vector<1x100xf32>
    %swap3A_360 = vector.shape_cast %slice3A_354 : vector<1x100xf32> to vector<1x1x100xf32>
    tpu.vector_store %arg13[%swap3A_355, %swap3A_356, %swap3A_357], %swap3A_360 {strides = array<i32>} : memref<4x1x100xf32, #tpu.memory_space<vmem>>, vector<1x1x100xf32>,
    %slice3A_361 = vector.extract_strided_slice %scan3A_321#5 {offsets = [5, 0], sizes = [1, 100], strides = [1, 1]} : vector<8x128xf32> to vector<1x100xf32>
    %convert_element_type3A_362 = arith.fptosi %slice3A_361 : vector<1x100xf32> to vector<1x100xi32>
    %swap3A_363 = arith.constant 1 : index
    %swap3A_364 = arith.constant 0 : index
    %swap3A_365 = arith.constant 0 : index
    %swap3A_366 = vector.load %arg14[%swap3A_363, %swap3A_364, %swap3A_365] : memref<4x1x100xi32, #tpu.memory_space<vmem>>, vector<1x1x100xi32>
    %swap3A_367 = vector.shape_cast %swap3A_366 : vector<1x1x100xi32> to vector<1x100xi32>
    %swap3A_368 = vector.shape_cast %convert_element_type3A_362 : vector<1x100xi32> to vector<1x1x100xi32>
    tpu.vector_store %arg14[%swap3A_363, %swap3A_364, %swap3A_365], %swap3A_368 {strides = array<i32>} : memref<4x1x100xi32, #tpu.memory_space<vmem>>, vector<1x1x100xi32>,
    %slice3A_369 = vector.extract_strided_slice %scan3A_321#6 {offsets = [0, 0], sizes = [4, 128], strides = [1, 1]} : vector<8x128xf32> to vector<4x128xf32>
    %transpose3A_370 = tpu.transpose %slice3A_369, [1, 0] : vector<4x128xf32> -> vector<128x4xf32>
    %slice3A_371 = vector.extract_strided_slice %transpose3A_370 {offsets = [0, 0], sizes = [100, 4], strides = [1, 1]} : vector<128x4xf32> to vector<100x4xf32>
    %swap3A_372 = arith.constant 2 : index
    %swap3A_373 = arith.constant 0 : index
    %swap3A_374 = arith.constant 0 : index
    %swap3A_375 = vector.load %arg12[%swap3A_372, %swap3A_373, %swap3A_374] : memref<4x100x4xf32, #tpu.memory_space<vmem>>, vector<1x100x4xf32>
    %swap3A_376 = vector.shape_cast %swap3A_375 : vector<1x100x4xf32> to vector<100x4xf32>
    %swap3A_377 = vector.shape_cast %slice3A_371 : vector<100x4xf32> to vector<1x100x4xf32>
    tpu.vector_store %arg12[%swap3A_372, %swap3A_373, %swap3A_374], %swap3A_377 {strides = array<i32>} : memref<4x100x4xf32, #tpu.memory_space<vmem>>, vector<1x100x4xf32>,
    %slice3A_378 = vector.extract_strided_slice %scan3A_321#6 {offsets = [4, 0], sizes = [1, 100], strides = [1, 1]} : vector<8x128xf32> to vector<1x100xf32>
    %swap3A_379 = arith.constant 2 : index
    %swap3A_380 = arith.constant 0 : index
    %swap3A_381 = arith.constant 0 : index
    %swap3A_382 = vector.load %arg13[%swap3A_379, %swap3A_380, %swap3A_381] : memref<4x1x100xf32, #tpu.memory_space<vmem>>, vector<1x1x100xf32>
    %swap3A_383 = vector.shape_cast %swap3A_382 : vector<1x1x100xf32> to vector<1x100xf32>
    %swap3A_384 = vector.shape_cast %slice3A_378 : vector<1x100xf32> to vector<1x1x100xf32>
    tpu.vector_store %arg13[%swap3A_379, %swap3A_380, %swap3A_381], %swap3A_384 {strides = array<i32>} : memref<4x1x100xf32, #tpu.memory_space<vmem>>, vector<1x1x100xf32>,
    %slice3A_385 = vector.extract_strided_slice %scan3A_321#6 {offsets = [5, 0], sizes = [1, 100], strides = [1, 1]} : vector<8x128xf32> to vector<1x100xf32>
    %convert_element_type3A_386 = arith.fptosi %slice3A_385 : vector<1x100xf32> to vector<1x100xi32>
    %swap3A_387 = arith.constant 2 : index
    %swap3A_388 = arith.constant 0 : index
    %swap3A_389 = arith.constant 0 : index
    %swap3A_390 = vector.load %arg14[%swap3A_387, %swap3A_388, %swap3A_389] : memref<4x1x100xi32, #tpu.memory_space<vmem>>, vector<1x1x100xi32>
    %swap3A_391 = vector.shape_cast %swap3A_390 : vector<1x1x100xi32> to vector<1x100xi32>
    %swap3A_392 = vector.shape_cast %convert_element_type3A_386 : vector<1x100xi32> to vector<1x1x100xi32>
    tpu.vector_store %arg14[%swap3A_387, %swap3A_388, %swap3A_389], %swap3A_392 {strides = array<i32>} : memref<4x1x100xi32, #tpu.memory_space<vmem>>, vector<1x1x100xi32>,
    %slice3A_393 = vector.extract_strided_slice %scan3A_321#7 {offsets = [0, 0], sizes = [4, 128], strides = [1, 1]} : vector<8x128xf32> to vector<4x128xf32>
    %transpose3A_394 = tpu.transpose %slice3A_393, [1, 0] : vector<4x128xf32> -> vector<128x4xf32>
    %slice3A_395 = vector.extract_strided_slice %transpose3A_394 {offsets = [0, 0], sizes = [100, 4], strides = [1, 1]} : vector<128x4xf32> to vector<100x4xf32>
    %swap3A_396 = arith.constant 3 : index
    %swap3A_397 = arith.constant 0 : index
    %swap3A_398 = arith.constant 0 : index
    %swap3A_399 = vector.load %arg12[%swap3A_396, %swap3A_397, %swap3A_398] : memref<4x100x4xf32, #tpu.memory_space<vmem>>, vector<1x100x4xf32>
    %swap3A_400 = vector.shape_cast %swap3A_399 : vector<1x100x4xf32> to vector<100x4xf32>
    %swap3A_401 = vector.shape_cast %slice3A_395 : vector<100x4xf32> to vector<1x100x4xf32>
    tpu.vector_store %arg12[%swap3A_396, %swap3A_397, %swap3A_398], %swap3A_401 {strides = array<i32>} : memref<4x100x4xf32, #tpu.memory_space<vmem>>, vector<1x100x4xf32>,
    %slice3A_402 = vector.extract_strided_slice %scan3A_321#7 {offsets = [4, 0], sizes = [1, 100], strides = [1, 1]} : vector<8x128xf32> to vector<1x100xf32>
    %swap3A_403 = arith.constant 3 : index
    %swap3A_404 = arith.constant 0 : index
    %swap3A_405 = arith.constant 0 : index
    %swap3A_406 = vector.load %arg13[%swap3A_403, %swap3A_404, %swap3A_405] : memref<4x1x100xf32, #tpu.memory_space<vmem>>, vector<1x1x100xf32>
    %swap3A_407 = vector.shape_cast %swap3A_406 : vector<1x1x100xf32> to vector<1x100xf32>
    %swap3A_408 = vector.shape_cast %slice3A_402 : vector<1x100xf32> to vector<1x1x100xf32>
    tpu.vector_store %arg13[%swap3A_403, %swap3A_404, %swap3A_405], %swap3A_408 {strides = array<i32>} : memref<4x1x100xf32, #tpu.memory_space<vmem>>, vector<1x1x100xf32>,
    %slice3A_409 = vector.extract_strided_slice %scan3A_321#7 {offsets = [5, 0], sizes = [1, 100], strides = [1, 1]} : vector<8x128xf32> to vector<1x100xf32>
    %convert_element_type3A_410 = arith.fptosi %slice3A_409 : vector<1x100xf32> to vector<1x100xi32>
    %swap3A_411 = arith.constant 3 : index
    %swap3A_412 = arith.constant 0 : index
    %swap3A_413 = arith.constant 0 : index
    %swap3A_414 = vector.load %arg14[%swap3A_411, %swap3A_412, %swap3A_413] : memref<4x1x100xi32, #tpu.memory_space<vmem>>, vector<1x1x100xi32>
    %swap3A_415 = vector.shape_cast %swap3A_414 : vector<1x1x100xi32> to vector<1x100xi32>
    %swap3A_416 = vector.shape_cast %convert_element_type3A_410 : vector<1x100xi32> to vector<1x1x100xi32>
    tpu.vector_store %arg14[%swap3A_411, %swap3A_412, %swap3A_413], %swap3A_416 {strides = array<i32>} : memref<4x1x100xi32, #tpu.memory_space<vmem>>, vector<1x1x100xi32>,
    return
  }
}

</mosaic_0001>

<sc_bundles>
// kernel: kernel.5.cloned.1.call-start
scs
__scs_entry_jumppad:
0x0: {  	(pc) =	sbr.rel $0x88, $3  }
0x1: {  	(tag) =	ssettag $0x0;
	lr =	simm.s32 $0x1  }
0x2: {  	[smem:$0x3F9D] =	sst lr;
	_ =	strace $0xD0000000  }
0x3: {  	_ = 	snop  }
0x4: {  	_ = 	snop  }
0x5: {  	_ = 	snop  }
0x6: {  	_ = 	snop  }
0x7: {  	_ = 	snop  }
__scs_overlays_trampoline_lowered:
0x8: {  	[smem:$0x3FAC] =	sst s0  }
0x9: {  	[smem:$0x3FAD] =	sst s1  }
0xa: {  	[smem:$0x3FAE] =	sst s2  }
0xb: {  	[smem:$0x3FAF] =	sst s3  }
0xc: {  	[smem:$0x3FB0] =	sst s4  }
0xd: {  	[smem:$0x3FB1] =	sst s5  }
0xe: {  	[smem:$0x3FB2] =	sst s6  }
0xf: {  	[smem:$0x3FB3] =	sst s7  }
0x10: {  	[smem:$0x3FB4] =	sst s8  }
0x11: {  	[smem:$0x3FB5] =	sst s9;
	s0 =	simm.s32 @!p0 $0x0  }
0x12: {  	s1 =	sld [smem:$0x3F9B];
	s0 =	simm.s32 @p0 $0x1  }
0x13: {  	[smem:$0x3FB6] =	sst s0;
	s0 =	simm.s32 @!p1 $0x0  }
0x14: {  	s2 =	sld [smem:$0x3F9A];
	s0 =	simm.s32 @p1 $0x1  }
0x15: {  	[smem:$0x3FB7] =	sst s0;
	s0 =	simm.s32 @!p2 $0x0  }
0x16: {  	s3 =	sld [smem:$0x3FDB];
	s0 =	simm.s32 @p2 $0x1  }
0x17: {  	s4 =	simm.s32 $0x1BF5;
	[smem:$0x3FB9] =	sst s0  }
0x18: {  	s0 =	sld [smem:$0x3F9C];
	_ =	swait.ge [sflag:s4], $0x0  }
0x19: {  	s7 =	sld [smem:$0x3F9D]  }
0x1a: {  	s8 =	sadd.s32 $0xFFFFE003, lr  }
0x1b: {  	s9 =	sadd.s32 $0xFFFFFEF7, lr;
	s5 =	simm.s32 $0xFFFFFFFF;
	p2 =	slt.u32 s8, $0xFFFFF086  }
0x1c: {  	p1 =	slt.u32 s9, $0xF7A;
	s5 =	simm.s32 @!p2 $0x0  }
0x1d: {  	s5 =	simm.s32 @p1 $0x1;
	p0 =	seq.s32 s7, s2  }
0x1e: {  	s7 =	smul.u32 @!p0 $0xF7A, s2;
	p2 =	seq.s32 @!p0 s5, $0x0  }
0x1f: {  	s9 =	smul.u32 $0xF7A, s1;
	s8 =	simm.s32 @!p0 $0x1BF5;
	p2 =	por !p2, p0  }
0x20: {  	[sflag:s8] =	ssyncset.s32 @!p0 $0xFFFFF086;
	s6 =	sadd.s32 @!p0 s3, s7;
	s7 =	simm.s32 @!p0 $0x108  }
0x21: {  	s3 =	sadd.s32 s3, s9;
	s6 =	sadd.s32 @!p0 $0x88, s6;
	s7 =	simm.s32 @p2 $0x1082  }
0x22: {  	[simem:s7], [sflag:s8] =	dma.local @!p0 [hbm:s6], $0xF7A  }
0x23: {  	s9 =	sor.u32 $0xD0000000, s2;
	s6 =	simm.s32 $0x108;
	_ =	swait.ge @!p0 [sflag:s8], $0x0  }
0x24: {  	s3 =	sadd.s32 $0x88, s3;
	s6 =	simm.s32 @!p1 $0x1082;
	[sflag:s4] =	ssyncset.s32 $0xFFFFF086  }
0x25: {  	[simem:s6], [sflag:s4] =	dma.local [hbm:s3], $0xF7A  }
0x26: {  	[smem:$0x3F9D] =	sst s1;
	(tag) =	ssettag s2;
	_ =	strace s9  }
0x27: {  	s1 =	sld [smem:$0x3FAD]  }
0x28: {  	s2 =	sld [smem:$0x3FAE]  }
0x29: {  	s4 =	sld [smem:$0x3FB0]  }
0x2a: {  	p0 =	seq.s32 s5, $0x0;
	s5 =	sld [smem:$0x3FB1]  }
0x2b: {  	s6 =	sld [smem:$0x3FB2]  }
0x2c: {  	s7 =	sld [smem:$0x3FB3]  }
0x2d: {  	s3 =	simm.s32 $0x108;
	s8 =	sld [smem:$0x3FB4]  }
0x2e: {  	s3 =	simm.s32 @!p0 $0x1082;
	s9 =	sld [smem:$0x3FB5]  }
0x2f: {  	lr =	sadd.s32 s0, s3;
	s0 =	sld [smem:$0x3FAC]  }
0x30: {  	s3 =	sld [smem:$0x3FAF]  }
0x31: {  	[smem:$0x3FB8] =	sst s10  }
0x32: {  	s10 =	sld [smem:$0x3FB6];
	_ =	sdelay $0x3  }
0x33: {  	p0 =	seq.s32 s10, $0x1;
	s10 =	sld [smem:$0x3FB8];
	_ =	sdelay $0x3  }
0x34: {  	[smem:$0x3FB8] =	sst s10  }
0x35: {  	s10 =	sld [smem:$0x3FB7];
	_ =	sdelay $0x3  }
0x36: {  	p1 =	seq.s32 s10, $0x1;
	s10 =	sld [smem:$0x3FB8];
	_ =	sdelay $0x3  }
0x37: {  	[smem:$0x3FB8] =	sst s10  }
0x38: {  	s10 =	sld [smem:$0x3FB9]  }
0x39: {  	_ = 	snop;
	(pc) =	sbr.ind lr, $3  }
0x3a: {  	_ = 	snop  }
0x3b: {  	_ = 	snop  }
0x3c: {  	p2 =	seq.s32 s10, $0x1;
	s10 =	sld [smem:$0x3FB8]  }
0x3d: {  	_ =	shalt  }
0x3e: {  	_ =	shalt  }
0x3f: {  	_ =	shalt  }
0x40: {  	_ =	shalt  }
0x41: {  	_ =	shalt  }
0x42: {  	_ =	shalt  }
0x43: {  	_ =	shalt  }
0x44: {  	_ =	shalt  }
0x45: {  	_ =	shalt  }
0x46: {  	_ =	shalt  }
0x47: {  	_ =	shalt  }
0x48: {  	_ =	shalt  }
0x49: {  	_ =	shalt  }
0x4a: {  	_ =	shalt  }
0x4b: {  	_ =	shalt  }
0x4c: {  	_ =	shalt  }
0x4d: {  	_ =	shalt  }
0x4e: {  	_ =	shalt  }
0x4f: {  	_ =	shalt  }
0x50: {  	_ =	shalt  }
0x51: {  	_ =	shalt  }
0x52: {  	_ =	shalt  }
0x53: {  	_ =	shalt  }
0x54: {  	_ =	shalt  }
0x55: {  	_ =	shalt  }
0x56: {  	_ =	shalt  }
0x57: {  	_ =	shalt  }
0x58: {  	_ =	shalt  }
0x59: {  	_ =	shalt  }
0x5a: {  	_ =	shalt  }
0x5b: {  	_ =	shalt  }
0x5c: {  	_ =	shalt  }
0x5d: {  	_ =	shalt  }
0x5e: {  	_ =	shalt  }
0x5f: {  	_ =	shalt  }
0x60: {  	_ =	shalt  }
0x61: {  	_ =	shalt  }
0x62: {  	_ =	shalt  }
0x63: {  	_ =	shalt  }
0x64: {  	_ =	shalt  }
0x65: {  	_ =	shalt  }
0x66: {  	_ =	shalt  }
0x67: {  	_ =	shalt  }
0x68: {  	_ =	shalt  }
0x69: {  	_ =	shalt  }
0x6a: {  	_ =	shalt  }
0x6b: {  	_ =	shalt  }
0x6c: {  	_ =	shalt  }
0x6d: {  	_ =	shalt  }
0x6e: {  	_ =	shalt  }
0x6f: {  	_ =	shalt  }
0x70: {  	_ =	shalt  }
0x71: {  	_ =	shalt  }
0x72: {  	_ =	shalt  }
0x73: {  	_ =	shalt  }
0x74: {  	_ =	shalt  }
0x75: {  	_ =	shalt  }
0x76: {  	_ =	shalt  }
0x77: {  	_ =	shalt  }
0x78: {  	_ =	shalt  }
0x79: {  	_ =	shalt  }
0x7a: {  	_ =	shalt  }
0x7b: {  	_ =	shalt  }
0x7c: {  	_ =	shalt  }
0x7d: {  	_ =	shalt  }
0x7e: {  	_ =	shalt  }
0x7f: {  	_ =	shalt  }
0x80: {  	_ =	shalt  }
0x81: {  	_ =	shalt  }
0x82: {  	_ =	shalt  }
0x83: {  	_ =	shalt  }
0x84: {  	_ =	shalt  }
0x85: {  	_ =	shalt  }
0x86: {  	_ =	shalt  }
0x87: {  	_ =	shalt  }
.Lfunc_end0:
.L_simem_size_0:
called_computation_lowered:
.L_overlay_start_0:
0x88: {  	s2 =	sld [smem:$0x3FD9]  }
0x89: {  	s3 =	sld [smem:$0x3FFE];
	_ =	sdelay $0x1  }
0x8a: {  	s1 =	srdreg.scid  }
0x8b: {  	s0 =	sand.u32 $0x1, s1  }
0x8c: {  	s16 =	sshll.u32 s0, $0xA;
	s2 =	sadd.s32 s3, s2  }
0x8d: {  	s2 =	sadd.s32 s2, s16  }
0x8e: {  	[smem:$0x3FC4] =	sst s2  }
0x8f: {  	_ = 	snop  }
0x90: {  	(tm) =	ssettm $0x1  }
0x91: {  	s17 =	sld [smem:$0x3FFB];
	_ =	sdelay $0x3  }
0x92: {  	_ =	strace s17  }
0x93: {  	s2 =	sld [smem:$0x3FFC];
	_ =	sdelay $0x3  }
0x94: {  	_ =	strace s2  }
0x95: {  	s2 =	sld [smem:$0x3FFD];
	_ =	sdelay $0x3  }
0x96: {  	_ =	strace s2  }
0x97: {  	_ =	strace $0x8FFFFFFF  }
0x98: {  	s18 =	sld [smem:$0x3FDB];
	_ =	sdelay $0x1  }
0x99: {  	s19 =	simm.s32 $_scs_section_size  }
0x9a: {  	s4 =	simm.s32 $_size__tile_overlayer_lowered;
	s5 =	simm.s32 $_tile_overlayer_lowered  }
0x9b: {  	s22 =	simm.s32 $0x1BFF;
	s21 =	sshll.u32 s5, $0x1;
	s2 =	sadd.s32 s19, s18  }
0x9c: {  	s6 =	simm.s32 $0x0;
	s20 =	sshll.u32 s4, $0x1;
	s4 =	sadd.s32 s21, s2  }
0x9d: {  	[timem:s6], [sflag:s22] =	dma.local [hbm:s4], s20  }
0x9e: {  	_ =	swait.ge [sflag:s22], s20  }
0x9f: {  	s3 =	ssub.s32 $0x0, s20;
	[sflag:s22] =	ssyncset.done $0x0  }
0xa0: {  	[sflag:s22] =	ssyncadd.s32 s3;
	_ =	sdelay $0x1  }
0xa1: {  	s23 =	simm.s32 $0x1B8B  }
0xa2: {  	_ =	swait.ge [sflag:s23], $0x1  }
0xa3: {  	[sflag:s23] =	ssyncset.done $0x0  }
0xa4: {  	s25 =	simm.s32 $0x1B8E;
	s24 =	sld [smem:$0x3FFE];
	[sflag:s23] =	ssyncadd.s32 $0xFFFFFFFF  }
0xa5: {  	s26 =	simm.s32 $execute0_lowered;
	[smem:$0x3FD2] =	sst s25  }
0xa6: {  	s4 =	sshll.u32 s26, $0x1;
	_ =	strace $0x80000046;
	[dreg:$0x1] =	wrdreg $0xFFFFFFFF  }
0xa7: {  	s28 =	simm.s32 $_size_execute0_lowered;
	s2 =	sadd.s32 s2, s4;
	[dreg:$0x0] =	wrdreg $0x0  }
0xa8: {  	s4 =	sshll.u32 s28, $0x1;
	[dreg:$0x2] =	wrdreg s2  }
0xa9: {  	[dreg:$0x3] =	wrdreg s4  }
0xaa: {  	[dreg:$0x4] =	wrdreg $0xC0  }
0xab: {  	_ =	task [dreg:s6], $0x5FFFF  }
0xac: {  	[dreg:$0x1] =	wrdreg $0xFFFFFFFF  }
0xad: {  	[dreg:$0x0] =	wrdreg $0x60  }
0xae: {  	[dreg:$0x2] =	wrdreg s24  }
0xaf: {  	[dreg:$0x3] =	wrdreg $0x9  }
0xb0: {  	_ =	task.clear_ibuf [dreg:s6], $0x4FFFF;
	_ =	strace $0x90000046  }
0xb1: {  	s29 =	simm.s32 $0x9;
	_ =	strace $0x80000048  }
0xb2: {  	_ =	swait.ge [sflag:s29], $0x1  }
0xb3: {  	[sflag:s29] =	ssyncadd.s32 $0xFFFFFFFF  }
0xb4: {  	_ =	strace $0x90000048  }
0xb5: {  	_ =	sfence  }
0xb6: {  	s30 =	sld [smem:$0x0];
	_ =	sdelay $0x2  }
0xb7: {  	s31 =	sshll.u32 s1, $0xD;
	s1 =	sshrl.u32 s1, $0x2  }
0xb8: {  	s3 =	sand.u32 $0x4000, s31;
	s1 =	sadd.s32 s1, s30  }
0xb9: {  	s0 =	sor.u32 s3, s0;
	s1 =	sshll.u32 s1, $0x11  }
0xba: {  	s0 =	sor.u32 s1, s0  }
0xbb: {  	s0 =	sadd.s32 $0x8F2B, s0  }
0xbc: {  	[sflag:s0] =	ssyncadd.remote.s32 $0x1  }
0xbd: {  	_ =	sfence.sel $0xFFFF  }
0xbe: {  	[dreg:$0x0] =	wrdreg $0xFFFFFFFF;
	(pc) =	sbr.abs _section_cstart, $3  }
0xbf: {  	[dreg:$0x1] =	wrdreg $0xFFFFFFFF  }
0xc0: {  	_ =	task.clear_ibuf [dreg:s6], $0x2FFFF;
	_ =	strace $0x9FFFFFFF  }
0xc1: {  	(tm) =	ssettm $0x7FFFFFFF  }
tec
execute0_lowered:
.L_overlay_start_1:
0x0: {  	(tag) =	ssettag $0x1  }
0x1: {  	s1 =	srdreg.scid;
	s0 =	stileid.u32  }
0x2: {  	s4 =	rddreg [dreg:$0x0];
	s2 =	simm.s32 $0x0;
	s10 =	simm.s32 $0x5  }
0x3: {  	s11 =	simm.s32 $0x280;
	s12 =	simm.s32 $0x500;
	s13 =	simm.s32 $0x1  }
0x4: {  	s14 =	simm.s32 $0x780;
	s15 =	simm.s32 $0x2;
	s16 =	simm.s32 $0xA00  }
0x5: {  	s17 =	simm.s32 $0x3;
	s3 =	sand.u32 $0x1, s1;
	s30 =	sshll.u32 s0, $0x1  }
0x6: {  	s18 =	simm.s32 $0xC80;
	s19 =	simm.s32 $0x4;
	s5 =	sor.u32 s3, s30  }
0x7: {  	[smem:$0x7FF] =	sst s2;
	s6 =	ssub.s32 $0x2, s3;
	s5 =	smul.u32 $0x50, s5  }
0x8: {  	s1 =	rddreg [dreg:$0x1];
	_ =	strace $0x80000047;
	s31 =	sshrl.u32 s6, $0x1  }
0x9: {  	s3 =	sadd.s32 $0xEB400, s4;
	s9 =	ssub.s32 s6, s31;
	s8 =	sadd.s32 s5, s4  }
0xa: {  	s9 =	smax.u32 s9, $0x1;
	s4 =	sadd.s32 $0xE00, s8;
	s5 =	sadd.s32 $0x2C00, s8  }
0xb: {  	s6 =	sadd.s32 $0x3600, s8;
	s7 =	sadd.s32 $0x1800, s8;
	s8 =	sadd.s32 $0x2200, s8  }
.LBB2_1:
0xc: {  	[tilespmem:s2], [sflag:$0x5] =	stream.linear.gather [hbm4b:s4+s2], $0x280, $0x38;
	[tilespmem:$0xF00] =	vst v63  }
0xd: {  	_ =	swait.ge [sflag:s10], $0x280  }
0xe: {  	[sflag:s10] =	ssyncset.done $0x0  }
0xf: {  	[sflag:s10] =	ssyncadd.s32 $0xFFFFFD80  }
0x10: {  	[tilespmem:s12], [sflag:$0x1] =	stream.indirect.gather [hbm4b:s3+s11], $0x1, s2, s11, $0xb8;
	[tilespmem:$0xF00] =	vst v63  }
0x11: {  	_ =	swait.ge [sflag:s13], $0x280  }
0x12: {  	[sflag:s13] =	ssyncset.done $0x0  }
0x13: {  	[sflag:s13] =	ssyncadd.s32 $0xFFFFFD80  }
0x14: {  	v0 =	vld [tilespmem:$0x0]  }
0x15: {  	v1 =	vld [tilespmem:$0x10]  }
0x16: {  	v2 =	vld [tilespmem:$0x20]  }
0x17: {  	v3 =	vld [tilespmem:$0x30]  }
0x18: {  	v4 =	vld [tilespmem:$0x40]  }
0x19: {  	v5 =	vld [tilespmem:$0x50];
	v0 =	vadd.s32 $0x1, v0  }
0x1a: {  	v59 =	vld [tilespmem:$0x60];
	v58 =	vadd.s32 $0x1, v1;
	[tilespmem:$0x280] =	vst v0  }
0x1b: {  	v61 =	vld [tilespmem:$0x70];
	v60 =	vadd.s32 $0x1, v2;
	[tilespmem:$0x290] =	vst v58  }
0x1c: {  	v63 =	vld [tilespmem:$0x80];
	v62 =	vadd.s32 $0x1, v3;
	[tilespmem:$0x2A0] =	vst v60  }
0x1d: {  	v9 =	vld [tilespmem:$0x90];
	v8 =	vadd.s32 $0x1, v4;
	[tilespmem:$0x2B0] =	vst v62  }
0x1e: {  	v11 =	vld [tilespmem:$0xA0];
	v10 =	vadd.s32 $0x1, v5;
	[tilespmem:$0x2C0] =	vst v8  }
0x1f: {  	v13 =	vld [tilespmem:$0xB0];
	v12 =	vadd.s32 $0x1, v59;
	[tilespmem:$0x2D0] =	vst v10  }
0x20: {  	v15 =	vld [tilespmem:$0xC0];
	v14 =	vadd.s32 $0x1, v61;
	[tilespmem:$0x2E0] =	vst v12  }
0x21: {  	v17 =	vld [tilespmem:$0xD0];
	v16 =	vadd.s32 $0x1, v63;
	[tilespmem:$0x2F0] =	vst v14  }
0x22: {  	v19 =	vld [tilespmem:$0xE0];
	v18 =	vadd.s32 $0x1, v9;
	[tilespmem:$0x300] =	vst v16  }
0x23: {  	v21 =	vld [tilespmem:$0xF0];
	v20 =	vadd.s32 $0x1, v11;
	[tilespmem:$0x310] =	vst v18  }
0x24: {  	v23 =	vld [tilespmem:$0x100];
	v22 =	vadd.s32 $0x1, v13;
	[tilespmem:$0x320] =	vst v20  }
0x25: {  	v25 =	vld [tilespmem:$0x110];
	v24 =	vadd.s32 $0x1, v15;
	[tilespmem:$0x330] =	vst v22  }
0x26: {  	v27 =	vld [tilespmem:$0x120];
	v26 =	vadd.s32 $0x1, v17;
	[tilespmem:$0x340] =	vst v24  }
0x27: {  	v29 =	vld [tilespmem:$0x130];
	v28 =	vadd.s32 $0x1, v19;
	[tilespmem:$0x350] =	vst v26  }
0x28: {  	v31 =	vld [tilespmem:$0x140];
	v30 =	vadd.s32 $0x1, v21;
	[tilespmem:$0x360] =	vst v28  }
0x29: {  	v33 =	vld [tilespmem:$0x150];
	v32 =	vadd.s32 $0x1, v23;
	[tilespmem:$0x370] =	vst v30  }
0x2a: {  	v35 =	vld [tilespmem:$0x160];
	v34 =	vadd.s32 $0x1, v25;
	[tilespmem:$0x380] =	vst v32  }
0x2b: {  	v37 =	vld [tilespmem:$0x170];
	v36 =	vadd.s32 $0x1, v27;
	[tilespmem:$0x390] =	vst v34  }
0x2c: {  	v39 =	vld [tilespmem:$0x180];
	v38 =	vadd.s32 $0x1, v29;
	[tilespmem:$0x3A0] =	vst v36  }
0x2d: {  	v41 =	vld [tilespmem:$0x190];
	v40 =	vadd.s32 $0x1, v31;
	[tilespmem:$0x3B0] =	vst v38  }
0x2e: {  	v43 =	vld [tilespmem:$0x1A0];
	v42 =	vadd.s32 $0x1, v33;
	[tilespmem:$0x3C0] =	vst v40  }
0x2f: {  	v45 =	vld [tilespmem:$0x1B0];
	v44 =	vadd.s32 $0x1, v35;
	[tilespmem:$0x3D0] =	vst v42  }
0x30: {  	v47 =	vld [tilespmem:$0x1C0];
	v46 =	vadd.s32 $0x1, v37;
	[tilespmem:$0x3E0] =	vst v44  }
0x31: {  	v55 =	vld [tilespmem:$0x200];
	v48 =	vadd.s32 $0x1, v39;
	[tilespmem:$0x3F0] =	vst v46  }
0x32: {  	v57 =	vld [tilespmem:$0x210];
	v50 =	vadd.s32 $0x1, v41;
	[tilespmem:$0x400] =	vst v48  }
0x33: {  	v49 =	vld [tilespmem:$0x1D0];
	v52 =	vadd.s32 $0x1, v43;
	[tilespmem:$0x410] =	vst v50  }
0x34: {  	v51 =	vld [tilespmem:$0x1E0];
	v54 =	vadd.s32 $0x1, v45;
	[tilespmem:$0x420] =	vst v52  }
0x35: {  	v53 =	vld [tilespmem:$0x1F0];
	v56 =	vadd.s32 $0x1, v47;
	[tilespmem:$0x430] =	vst v54  }
0x36: {  	v59 =	vld [tilespmem:$0x220];
	v7 =	vadd.s32 $0x1, v55;
	[tilespmem:$0x440] =	vst v56  }
0x37: {  	v61 =	vld [tilespmem:$0x230];
	v9 =	vadd.s32 $0x1, v57;
	[tilespmem:$0x480] =	vst v7  }
0x38: {  	v63 =	vld [tilespmem:$0x240];
	v58 =	vadd.s32 $0x1, v49;
	[tilespmem:$0x490] =	vst v9  }
0x39: {  	v60 =	vadd.s32 $0x1, v51;
	v8 =	vld [tilespmem:$0x250];
	[tilespmem:$0x450] =	vst v58  }
0x3a: {  	v62 =	vadd.s32 $0x1, v53;
	v10 =	vld [tilespmem:$0x260];
	[tilespmem:$0x460] =	vst v60  }
0x3b: {  	v12 =	vld [tilespmem:$0x270];
	[tilespmem:$0x470] =	vst v62;
	v11 =	vadd.s32 $0x1, v59  }
0x3c: {  	v13 =	vadd.s32 $0x1, v61;
	[tilespmem:$0x4A0] =	vst v11  }
0x3d: {  	v14 =	vadd.s32 $0x1, v63;
	[tilespmem:$0x4B0] =	vst v13  }
0x3e: {  	[tilespmem:$0x4C0] =	vst v14;
	v15 =	vadd.s32 $0x1, v8  }
0x3f: {  	v16 =	vadd.s32 $0x1, v10;
	[tilespmem:$0x4D0] =	vst v15  }
0x40: {  	v17 =	vadd.s32 $0x1, v12;
	[tilespmem:$0x4E0] =	vst v16  }
0x41: {  	[tilespmem:$0x4F0] =	vst v17  }
0x42: {  	[tilespmem:s14], [sflag:$0x2] =	stream.indirect.gather [hbm4b:s3+s11], $0x1, s11, s11, $0xb8;
	[tilespmem:$0xF00] =	vst v63  }
0x43: {  	_ =	swait.ge [sflag:s15], $0x280  }
0x44: {  	[sflag:s15] =	ssyncset.done $0x0  }
0x45: {  	[sflag:s15] =	ssyncadd.s32 $0xFFFFFD80  }
0x46: {  	v18 =	vld [tilespmem:$0x0]  }
0x47: {  	v19 =	vld [tilespmem:$0x10]  }
0x48: {  	v20 =	vld [tilespmem:$0x20]  }
0x49: {  	v21 =	vld [tilespmem:$0x30]  }
0x4a: {  	v22 =	vld [tilespmem:$0x40]  }
0x4b: {  	v23 =	vld [tilespmem:$0x50];
	v0 =	vadd.s32 $0x2, v18  }
0x4c: {  	v25 =	vld [tilespmem:$0x60];
	v24 =	vadd.s32 $0x2, v19;
	[tilespmem:$0x280] =	vst v0  }
0x4d: {  	v27 =	vld [tilespmem:$0x70];
	v26 =	vadd.s32 $0x2, v20;
	[tilespmem:$0x290] =	vst v24  }
0x4e: {  	v29 =	vld [tilespmem:$0x80];
	v28 =	vadd.s32 $0x2, v21;
	[tilespmem:$0x2A0] =	vst v26  }
0x4f: {  	v31 =	vld [tilespmem:$0x90];
	v30 =	vadd.s32 $0x2, v22;
	[tilespmem:$0x2B0] =	vst v28  }
0x50: {  	v33 =	vld [tilespmem:$0xA0];
	v32 =	vadd.s32 $0x2, v23;
	[tilespmem:$0x2C0] =	vst v30  }
0x51: {  	v35 =	vld [tilespmem:$0xB0];
	v34 =	vadd.s32 $0x2, v25;
	[tilespmem:$0x2D0] =	vst v32  }
0x52: {  	v37 =	vld [tilespmem:$0xC0];
	v36 =	vadd.s32 $0x2, v27;
	[tilespmem:$0x2E0] =	vst v34  }
0x53: {  	v39 =	vld [tilespmem:$0xD0];
	v38 =	vadd.s32 $0x2, v29;
	[tilespmem:$0x2F0] =	vst v36  }
0x54: {  	v41 =	vld [tilespmem:$0xE0];
	v40 =	vadd.s32 $0x2, v31;
	[tilespmem:$0x300] =	vst v38  }
0x55: {  	v43 =	vld [tilespmem:$0xF0];
	v42 =	vadd.s32 $0x2, v33;
	[tilespmem:$0x310] =	vst v40  }
0x56: {  	v45 =	vld [tilespmem:$0x100];
	v44 =	vadd.s32 $0x2, v35;
	[tilespmem:$0x320] =	vst v42  }
0x57: {  	v47 =	vld [tilespmem:$0x110];
	v46 =	vadd.s32 $0x2, v37;
	[tilespmem:$0x330] =	vst v44  }
0x58: {  	v49 =	vld [tilespmem:$0x120];
	v48 =	vadd.s32 $0x2, v39;
	[tilespmem:$0x340] =	vst v46  }
0x59: {  	v51 =	vld [tilespmem:$0x130];
	v50 =	vadd.s32 $0x2, v41;
	[tilespmem:$0x350] =	vst v48  }
0x5a: {  	v53 =	vld [tilespmem:$0x140];
	v52 =	vadd.s32 $0x2, v43;
	[tilespmem:$0x360] =	vst v50  }
0x5b: {  	v55 =	vld [tilespmem:$0x150];
	v54 =	vadd.s32 $0x2, v45;
	[tilespmem:$0x370] =	vst v52  }
0x5c: {  	v57 =	vld [tilespmem:$0x160];
	v56 =	vadd.s32 $0x2, v47;
	[tilespmem:$0x380] =	vst v54  }
0x5d: {  	v59 =	vld [tilespmem:$0x170];
	v58 =	vadd.s32 $0x2, v49;
	[tilespmem:$0x390] =	vst v56  }
0x5e: {  	v61 =	vld [tilespmem:$0x180];
	v60 =	vadd.s32 $0x2, v51;
	[tilespmem:$0x3A0] =	vst v58  }
0x5f: {  	v63 =	vld [tilespmem:$0x190];
	v62 =	vadd.s32 $0x2, v53;
	[tilespmem:$0x3B0] =	vst v60  }
0x60: {  	v9 =	vld [tilespmem:$0x1A0];
	v8 =	vadd.s32 $0x2, v55;
	[tilespmem:$0x3C0] =	vst v62  }
0x61: {  	v11 =	vld [tilespmem:$0x1B0];
	v10 =	vadd.s32 $0x2, v57;
	[tilespmem:$0x3D0] =	vst v8  }
0x62: {  	v13 =	vld [tilespmem:$0x1C0];
	v12 =	vadd.s32 $0x2, v59;
	[tilespmem:$0x3E0] =	vst v10  }
0x63: {  	v15 =	vld [tilespmem:$0x1D0];
	v14 =	vadd.s32 $0x2, v61;
	[tilespmem:$0x3F0] =	vst v12  }
0x64: {  	v17 =	vld [tilespmem:$0x1E0];
	v16 =	vadd.s32 $0x2, v63;
	[tilespmem:$0x400] =	vst v14  }
0x65: {  	v18 =	vadd.s32 $0x2, v9;
	v19 =	vld [tilespmem:$0x1F0];
	[tilespmem:$0x410] =	vst v16  }
0x66: {  	v20 =	vadd.s32 $0x2, v11;
	v21 =	vld [tilespmem:$0x200];
	[tilespmem:$0x420] =	vst v18  }
0x67: {  	v22 =	vadd.s32 $0x2, v13;
	v23 =	vld [tilespmem:$0x210];
	[tilespmem:$0x430] =	vst v20  }
0x68: {  	v25 =	vld [tilespmem:$0x220];
	[tilespmem:$0x440] =	vst v22;
	v24 =	vadd.s32 $0x2, v15  }
0x69: {  	v27 =	vld [tilespmem:$0x230];
	v26 =	vadd.s32 $0x2, v17;
	[tilespmem:$0x450] =	vst v24  }
0x6a: {  	v29 =	vld [tilespmem:$0x240];
	[tilespmem:$0x460] =	vst v26;
	v28 =	vadd.s32 $0x2, v19  }
0x6b: {  	v31 =	vld [tilespmem:$0x250];
	v30 =	vadd.s32 $0x2, v21;
	[tilespmem:$0x470] =	vst v28  }
0x6c: {  	v33 =	vld [tilespmem:$0x260];
	v32 =	vadd.s32 $0x2, v23;
	[tilespmem:$0x480] =	vst v30  }
0x6d: {  	v35 =	vld [tilespmem:$0x270];
	v34 =	vadd.s32 $0x2, v25;
	[tilespmem:$0x490] =	vst v32  }
0x6e: {  	v36 =	vadd.s32 $0x2, v27;
	[tilespmem:$0x4A0] =	vst v34  }
0x6f: {  	v37 =	vadd.s32 $0x2, v29;
	[tilespmem:$0x4B0] =	vst v36  }
0x70: {  	v38 =	vadd.s32 $0x2, v31;
	[tilespmem:$0x4C0] =	vst v37  }
0x71: {  	v39 =	vadd.s32 $0x2, v33;
	[tilespmem:$0x4D0] =	vst v38  }
0x72: {  	v40 =	vadd.s32 $0x2, v35;
	[tilespmem:$0x4E0] =	vst v39  }
0x73: {  	[tilespmem:$0x4F0] =	vst v40  }
0x74: {  	[tilespmem:s16], [sflag:$0x3] =	stream.indirect.gather [hbm4b:s3+s11], $0x1, s11, s11, $0xb8;
	[tilespmem:$0xF00] =	vst v63  }
0x75: {  	_ =	swait.ge [sflag:s17], $0x280  }
0x76: {  	[sflag:s17] =	ssyncset.done $0x0  }
0x77: {  	[sflag:s17] =	ssyncadd.s32 $0xFFFFFD80  }
0x78: {  	v41 =	vld [tilespmem:$0x0]  }
0x79: {  	v42 =	vld [tilespmem:$0x10]  }
0x7a: {  	v43 =	vld [tilespmem:$0x20]  }
0x7b: {  	v44 =	vld [tilespmem:$0x30]  }
0x7c: {  	v45 =	vld [tilespmem:$0x40]  }
0x7d: {  	v46 =	vld [tilespmem:$0x50];
	v0 =	vadd.s32 $0x3, v41  }
0x7e: {  	v48 =	vld [tilespmem:$0x60];
	v47 =	vadd.s32 $0x3, v42;
	[tilespmem:$0x280] =	vst v0  }
0x7f: {  	v50 =	vld [tilespmem:$0x70];
	v49 =	vadd.s32 $0x3, v43;
	[tilespmem:$0x290] =	vst v47  }
0x80: {  	v52 =	vld [tilespmem:$0x80];
	v51 =	vadd.s32 $0x3, v44;
	[tilespmem:$0x2A0] =	vst v49  }
0x81: {  	v54 =	vld [tilespmem:$0x90];
	v53 =	vadd.s32 $0x3, v45;
	[tilespmem:$0x2B0] =	vst v51  }
0x82: {  	v56 =	vld [tilespmem:$0xA0];
	v55 =	vadd.s32 $0x3, v46;
	[tilespmem:$0x2C0] =	vst v53  }
0x83: {  	v58 =	vld [tilespmem:$0xB0];
	v57 =	vadd.s32 $0x3, v48;
	[tilespmem:$0x2D0] =	vst v55  }
0x84: {  	v60 =	vld [tilespmem:$0xC0];
	v59 =	vadd.s32 $0x3, v50;
	[tilespmem:$0x2E0] =	vst v57  }
0x85: {  	v62 =	vld [tilespmem:$0xD0];
	v61 =	vadd.s32 $0x3, v52;
	[tilespmem:$0x2F0] =	vst v59  }
0x86: {  	v8 =	vld [tilespmem:$0xE0];
	v63 =	vadd.s32 $0x3, v54;
	[tilespmem:$0x300] =	vst v61  }
0x87: {  	v10 =	vld [tilespmem:$0xF0];
	v9 =	vadd.s32 $0x3, v56;
	[tilespmem:$0x310] =	vst v63  }
0x88: {  	v12 =	vld [tilespmem:$0x100];
	v11 =	vadd.s32 $0x3, v58;
	[tilespmem:$0x320] =	vst v9  }
0x89: {  	v14 =	vld [tilespmem:$0x110];
	v13 =	vadd.s32 $0x3, v60;
	[tilespmem:$0x330] =	vst v11  }
0x8a: {  	v16 =	vld [tilespmem:$0x120];
	v15 =	vadd.s32 $0x3, v62;
	[tilespmem:$0x340] =	vst v13  }
0x8b: {  	v18 =	vld [tilespmem:$0x130];
	v17 =	vadd.s32 $0x3, v8;
	[tilespmem:$0x350] =	vst v15  }
0x8c: {  	v20 =	vld [tilespmem:$0x140];
	v19 =	vadd.s32 $0x3, v10;
	[tilespmem:$0x360] =	vst v17  }
0x8d: {  	v22 =	vld [tilespmem:$0x150];
	v21 =	vadd.s32 $0x3, v12;
	[tilespmem:$0x370] =	vst v19  }
0x8e: {  	v24 =	vld [tilespmem:$0x160];
	v23 =	vadd.s32 $0x3, v14;
	[tilespmem:$0x380] =	vst v21  }
0x8f: {  	v26 =	vld [tilespmem:$0x170];
	v25 =	vadd.s32 $0x3, v16;
	[tilespmem:$0x390] =	vst v23  }
0x90: {  	v28 =	vld [tilespmem:$0x180];
	v27 =	vadd.s32 $0x3, v18;
	[tilespmem:$0x3A0] =	vst v25  }
0x91: {  	v30 =	vld [tilespmem:$0x190];
	v29 =	vadd.s32 $0x3, v20;
	[tilespmem:$0x3B0] =	vst v27  }
0x92: {  	v32 =	vld [tilespmem:$0x1A0];
	v31 =	vadd.s32 $0x3, v22;
	[tilespmem:$0x3C0] =	vst v29  }
0x93: {  	v34 =	vld [tilespmem:$0x1B0];
	v33 =	vadd.s32 $0x3, v24;
	[tilespmem:$0x3D0] =	vst v31  }
0x94: {  	v36 =	vld [tilespmem:$0x1C0];
	v35 =	vadd.s32 $0x3, v26;
	[tilespmem:$0x3E0] =	vst v33  }
0x95: {  	v38 =	vld [tilespmem:$0x1D0];
	v37 =	vadd.s32 $0x3, v28;
	[tilespmem:$0x3F0] =	vst v35  }
0x96: {  	v40 =	vld [tilespmem:$0x1E0];
	v39 =	vadd.s32 $0x3, v30;
	[tilespmem:$0x400] =	vst v37  }
0x97: {  	v41 =	vadd.s32 $0x3, v32;
	v42 =	vld [tilespmem:$0x1F0];
	[tilespmem:$0x410] =	vst v39  }
0x98: {  	v43 =	vadd.s32 $0x3, v34;
	v44 =	vld [tilespmem:$0x200];
	[tilespmem:$0x420] =	vst v41  }
0x99: {  	v45 =	vadd.s32 $0x3, v36;
	v46 =	vld [tilespmem:$0x210];
	[tilespmem:$0x430] =	vst v43  }
0x9a: {  	v48 =	vld [tilespmem:$0x220];
	[tilespmem:$0x440] =	vst v45;
	v47 =	vadd.s32 $0x3, v38  }
0x9b: {  	v50 =	vld [tilespmem:$0x230];
	v49 =	vadd.s32 $0x3, v40;
	[tilespmem:$0x450] =	vst v47  }
0x9c: {  	v52 =	vld [tilespmem:$0x240];
	[tilespmem:$0x460] =	vst v49;
	v51 =	vadd.s32 $0x3, v42  }
0x9d: {  	v54 =	vld [tilespmem:$0x250];
	v53 =	vadd.s32 $0x3, v44;
	[tilespmem:$0x470] =	vst v51  }
0x9e: {  	v56 =	vld [tilespmem:$0x260];
	v55 =	vadd.s32 $0x3, v46;
	[tilespmem:$0x480] =	vst v53  }
0x9f: {  	v58 =	vld [tilespmem:$0x270];
	v57 =	vadd.s32 $0x3, v48;
	[tilespmem:$0x490] =	vst v55  }
0xa0: {  	v59 =	vadd.s32 $0x3, v50;
	[tilespmem:$0x4A0] =	vst v57  }
0xa1: {  	v60 =	vadd.s32 $0x3, v52;
	[tilespmem:$0x4B0] =	vst v59  }
0xa2: {  	v61 =	vadd.s32 $0x3, v54;
	[tilespmem:$0x4C0] =	vst v60  }
0xa3: {  	v62 =	vadd.s32 $0x3, v56;
	[tilespmem:$0x4D0] =	vst v61  }
0xa4: {  	v63 =	vadd.s32 $0x3, v58;
	[tilespmem:$0x4E0] =	vst v62  }
0xa5: {  	[tilespmem:$0x4F0] =	vst v63  }
0xa6: {  	[tilespmem:s18], [sflag:$0x4] =	stream.indirect.gather [hbm4b:s3+s11], $0x1, s11, s11, $0xb8;
	[tilespmem:$0xF00] =	vst v63  }
0xa7: {  	_ =	swait.ge [sflag:s19], $0x280  }
0xa8: {  	[sflag:s19] =	ssyncset.done $0x0  }
0xa9: {  	[sflag:s19] =	ssyncadd.s32 $0xFFFFFD80  }
0xaa: {  	[hbm4b:s5+s2] =	stream.linear.scatter [tilespmem:s12], [sflag:$0x5], $0x280, $0x38;
	[tilespmem:$0xF00] =	vst v63  }
0xab: {  	_ =	swait.ge [sflag:s10], $0x280  }
0xac: {  	[sflag:s10] =	ssyncset.done $0x0  }
0xad: {  	[sflag:s10] =	ssyncadd.s32 $0xFFFFFD80  }
0xae: {  	[hbm4b:s6+s2] =	stream.linear.scatter [tilespmem:s14], [sflag:$0x5], $0x280, $0x38;
	[tilespmem:$0xF00] =	vst v63  }
0xaf: {  	_ =	swait.ge [sflag:s10], $0x280  }
0xb0: {  	[sflag:s10] =	ssyncset.done $0x0  }
0xb1: {  	[sflag:s10] =	ssyncadd.s32 $0xFFFFFD80  }
0xb2: {  	[hbm4b:s7+s2] =	stream.linear.scatter [tilespmem:s16], [sflag:$0x5], $0x280, $0x38;
	[tilespmem:$0xF00] =	vst v63  }
0xb3: {  	_ =	swait.ge [sflag:s10], $0x280  }
0xb4: {  	p0 =	sne.s32 s9, $0x1;
	[sflag:s10] =	ssyncset.done $0x0  }
.Ltmp0:
0xb5: {  	[sflag:s10] =	ssyncadd.s32 $0xFFFFFD80;
	(pc) =	sbr.rel @p0 .LBB2_1-.Ltmp0, $4  }
0xb6: {  	[hbm4b:s8+s2] =	stream.linear.scatter [tilespmem:s18], [sflag:$0x5], $0x280, $0x38;
	[tilespmem:$0xF00] =	vst v63  }
0xb7: {  	_ =	swait.ge [sflag:s10], $0x280  }
0xb8: {  	[sflag:s10] =	ssyncset.done $0x0  }
0xb9: {  	s9 =	sadd.s32 $0xFFFFFFFF, s9;
	[sflag:s10] =	ssyncadd.s32 $0xFFFFFD80  }
0xba: {  	_ =	sfence.sel $0x180000  }
0xbb: {  	[bflag:$0x0] =	sbarrier.arrive $0xFFFF  }
0xbc: {  	p0 =	sne.s32 s0, $0x0;
	_ =	strace $0x90000047  }
0xbd: {  	s0 =	sadd.s32 @!p0 $0x100000, s1;
	[bflag:$0x2] =	sbarrier.arrive $0xFFFF  }
0xbe: {  	[sflag:s0] =	ssyncadd.tile.s32 @!p0 $0x1;
	_ =	shalt  }
.Lfunc_end2:
_tile_overlayer_lowered:
.L_overlay_start_2:
0xbf: {  	(tag) =	ssettag $0x2  }
0xc0: {  	s0 =	rddreg [dreg:$0x0];
	s2 =	stileid.u32  }
0xc1: {  	s1 =	rddreg [dreg:$0x1];
	p0 =	sne.s32 s2, $0x0  }
0xc2: {  	s3 =	rddreg [dreg:$0x2];
	[bflag:$0x3] =	sbarrier.arrive $0xFFFF;
	s2 =	simm.s32 @!p0 $0x1C05  }
0xc3: {  	[timem:s3], [sflag:s2] =	dma.local @!p0 [hbm:s0], s1  }
0xc4: {  	s0 =	simm.s32 @!p0 $0x5  }
0xc5: {  	_ =	swait.ge @!p0 [sflag:s0], s1  }
0xc6: {  	s1 =	ssub.s32 @!p0 $0x0, s1;
	[sflag:s0] =	ssyncset.done @!p0 $0x0  }
0xc7: {  	[sflag:s0] =	ssyncadd.s32 @!p0 s1  }
0xc8: {  	[bflag:$0x3] =	sbarrier.arrive $0xFFFF  }
0xc9: {  	_ =	shalt  }

</sc_bundles>
